<compile_context>
chip_gen: v7x
topology: tpu7x:2x2x1
jax: 0.10.2.dev20260603
libtpu: 0.0.44.dev20260713+nightly
codegen_flags: <defaults>
</compile_context>

<pallas_src>
import functools

import jax
import jax.numpy as jnp
from jax import lax
from jax.experimental import pallas as pl
from jax.experimental.pallas import tpu as pltpu
from jax.experimental.pallas import tpu_sc as plsc

BETA = 0.25


def _vq_body(z1_ref, z2_ref, e_ref, idx_ref, dp_ref):
    Ew = e_ref[...]
    e_sq = jnp.sum(Ew * Ew, axis=1)
    d = None
    for z_ref in (z1_ref, z2_ref):
        zb = z_ref[0]
        m = jax.lax.dot_general(
            Ew, zb, (((1,), (0,)), ((), ())),
            preferred_element_type=jnp.float32)
        zsq = jnp.sum(zb.T * zb.T, axis=1)
        dist = (e_sq[:, None] + zsq[None, :]) - 2.0 * m
        d = dist if d is None else d + dist
    K, P = d.shape
    dmin = jnp.min(d, axis=0)
    iota = jax.lax.broadcasted_iota(jnp.int32, (K, P), 0)
    idx = jnp.min(jnp.where(d == dmin[None, :], iota, K), axis=0)
    idx_ref[0, 0] = idx
    dp_ref[0, 0] = jnp.full((128,), jnp.sum(dmin) * 0.5, jnp.float32)


_C_HALF = 32
_LANES = 16


def _sc_gather_body(et_hbm, idx_hbm, out_hbm, et_v, idx_v, rows_v):
    wid = lax.axis_index("s") * 2 + lax.axis_index("c")
    CK = et_v.shape[0]
    P = idx_v.shape[0]
    K = CK // (2 * _C_HALF)
    pltpu.sync_copy(et_hbm, et_v)
    pltpu.sync_copy(idx_hbm.at[pl.ds(wid * P, P)], idx_v)
    n_g = P // _LANES
    for h in range(2):

        @plsc.parallel_loop(0, n_g, unroll=4)
        def _g_body(g, h=h):
            idx_g = idx_v[pl.ds(g * _LANES, _LANES)]
            for c in range(_C_HALF):
                flat = idx_g + jnp.int32((h * _C_HALF + c) * K)
                vals = plsc.load_gather(et_v, [flat])
                rows_v[pl.ds(c * P + g * _LANES, _LANES)] = vals

        pltpu.sync_copy(rows_v,
                        out_hbm.at[wid, pl.ds(h * _C_HALF * P, _C_HALF * P)])


def kernel(z_e_1, z_e_2, E):
    B, C, H, W = z_e_1.shape
    P = H * W
    K = E.shape[0]
    z1 = z_e_1.reshape(B, C, P)
    z2 = z_e_2.reshape(B, C, P)

    idx, dparts = pl.pallas_call(
        _vq_body,
        grid=(B,),
        in_specs=[
            pl.BlockSpec((1, C, P), lambda b: (b, 0, 0)),
            pl.BlockSpec((1, C, P), lambda b: (b, 0, 0)),
            pl.BlockSpec((K, C), lambda b: (0, 0)),
        ],
        out_specs=[
            pl.BlockSpec((1, 1, P), lambda b: (b, 0, 0)),
            pl.BlockSpec((1, 1, 128), lambda b: (b, 0, 0)),
        ],
        out_shape=[
            jax.ShapeDtypeStruct((B, 1, P), jnp.int32),
            jax.ShapeDtypeStruct((B, 1, 128), jnp.float32),
        ],
    )(z1, z2, E)

    indices = idx.reshape(B * P)

    sc_gather = functools.partial(
        pl.kernel,
        mesh=plsc.VectorSubcoreMesh(core_axis_name="c", subcore_axis_name="s"),
        compiler_params=pltpu.CompilerParams(needs_layout_passes=False),
        out_type=jax.ShapeDtypeStruct((B, C * P), jnp.float32),
        scratch_types=[
            pltpu.VMEM((C * K,), jnp.float32),
            pltpu.VMEM((P,), jnp.int32),
            pltpu.VMEM((_C_HALF * P,), jnp.float32),
        ],
    )(_sc_gather_body)
    z_q = sc_gather(E.T.reshape(C * K), indices).reshape(B, C, H, W)
    n_el = float(B * C * H * W)
    codebook_loss = jnp.sum(dparts[:, 0, 0]) / n_el
    commitment_loss = codebook_loss
    vq_loss = codebook_loss + BETA * commitment_loss
    return (z_q, codebook_loss, commitment_loss, vq_loss, indices)

# --- scband reference (transcript-rebuilt; emitter-appended) ---
"""Pipeline reference for scband-multi-vector-quantizer-68994354643080 (READ-ONLY COPY).

The authoritative reference and input builder live on the scoring server;
editing this copy changes nothing except your own understanding.
"""

import jax, jax.numpy as jnp
import numpy as np

BETA = 0.25

def setup_inputs(seed: int = 0) -> dict:
    key = jax.random.key(seed)
    k1, k2, k3 = jax.random.split(key, 3)
    z_e_1 = jax.random.normal(k1, (32, 64, 32, 32), dtype=jnp.float32)
    z_e_2 = jax.random.normal(k2, (32, 64, 32, 32), dtype=jnp.float32)
    E = jax.random.uniform(k3, (1024, 64), dtype=jnp.float32, minval=-1.0, maxval=1.0)
    return {"z_e_1": z_e_1, "z_e_2": z_e_2, "E": E}

def reference(z_e_1, z_e_2, E):
    z_list = [z_e_1, z_e_2]
    B, C, H, W = z_list[0].shape
    e_sq = jnp.sum(E ** 2, axis=1)
    dist_sum = 0.0
    for z in z_list:
        zf = jnp.transpose(z, (0, 2, 3, 1)).reshape(-1, C)
        dist = jnp.sum(zf ** 2, axis=1, keepdims=True) + e_sq - 2.0 * (zf @ E.T)
        dist_sum = dist_sum + dist
    distances = dist_sum / float(len(z_list))
    indices = jnp.argmin(distances, axis=1)
    z_q = jnp.transpose(jnp.take(E, indices, axis=0).reshape(B, H, W, C), (0, 3, 1, 2))
    codebook_loss = sum(jnp.mean((z_q - jax.lax.stop_gradient(z)) ** 2) for z in z_list) / float(len(z_list))
    commitment_loss = sum(jnp.mean((z - jax.lax.stop_gradient(z_q)) ** 2) for z in z_list) / float(len(z_list))
    vq_loss = codebook_loss + BETA * commitment_loss
    return (z_q, codebook_loss, commitment_loss, vq_loss, indices)

if __name__ == "__main__":
    import jax
    _d = setup_inputs()
    print(jax.jit(kernel)(*tuple(_d.values())))

</pallas_src>

<mosaic_0001>
#map = affine_map<(d0, d1) -> (0)>
#map1 = affine_map<(d0, d1) -> (0, 0)>
module attributes {stable_mosaic.version = 14 : i64} {
  func.func @_sc_gather_body(%arg0: i32, %arg1: i32, %arg2: memref<65536xf32, #tpu.memory_space<hbm>>, %arg3: memref<32768xi32, #tpu.memory_space<hbm>>, %arg4: memref<32x65536xf32, #tpu.memory_space<hbm>>, %arg5: memref<65536xf32, #tpu.memory_space<vmem>>, %arg6: memref<1024xi32, #tpu.memory_space<vmem>>, %arg7: memref<32768xf32, #tpu.memory_space<vmem>>) attributes {dimension_semantics = [#tpu.dimension_semantics<core_parallel>, #tpu.dimension_semantics<subcore_parallel>], iteration_bounds = array<i64: 2, 16>, scalar_prefetch = 0 : i64, scratch_operands = 3 : i64, tpu.core_type = #tpu.core_type<sc_vector_subcore>, window_params = [{transform_indices = #map}, {transform_indices = #map}, {transform_indices = #map1}]} {
    %mul3A = arith.constant 2 : i32
    %mul3A_0 = arith.muli %arg1, %mul3A : i32
    %add3A = arith.addi %mul3A_0, %arg0 : i32
    "tpu.region"() ({
      %run_scoped3A = tpu.sem_alloc : memref<!tpu.dma_semaphore, #tpu.memory_space<semaphore_mem>>
      tpu.enqueue_dma source(%arg2 : memref<65536xf32, #tpu.memory_space<hbm>>) target(%arg5 : memref<65536xf32, #tpu.memory_space<vmem>>) target_semaphore(%run_scoped3A : memref<!tpu.dma_semaphore, #tpu.memory_space<semaphore_mem>>)
      tpu.wait_dma2 semaphore(%run_scoped3A : memref<!tpu.dma_semaphore, #tpu.memory_space<semaphore_mem>>) src(%arg2 : memref<65536xf32, #tpu.memory_space<hbm>>) dst(%arg5 : memref<65536xf32, #tpu.memory_space<vmem>>)
      tpu.yield
    }) : () -> ()
    %mul3A_1 = arith.constant 1024 : i32
    %mul3A_2 = arith.muli %add3A, %mul3A_1 : i32
    "tpu.region"() ({
      %run_scoped3A = tpu.sem_alloc : memref<!tpu.dma_semaphore, #tpu.memory_space<semaphore_mem>>
      %dma_start3A = tpu.memref_slice %arg3[%mul3A_2] : memref<32768xi32, #tpu.memory_space<hbm>> -> memref<1024xi32, #tpu.memory_space<hbm>>
      %dma_start3A_8 = tpu.memref_slice %arg3[%mul3A_2] : memref<32768xi32, #tpu.memory_space<hbm>> -> memref<1024xi32, #tpu.memory_space<hbm>>
      tpu.enqueue_dma source(%dma_start3A_8 : memref<1024xi32, #tpu.memory_space<hbm>>) target(%arg6 : memref<1024xi32, #tpu.memory_space<vmem>>) target_semaphore(%run_scoped3A : memref<!tpu.dma_semaphore, #tpu.memory_space<semaphore_mem>>)
      %dma_wait3A = tpu.memref_slice %arg3[%mul3A_2] : memref<32768xi32, #tpu.memory_space<hbm>> -> memref<1024xi32, #tpu.memory_space<hbm>>
      %dma_wait3A_9 = tpu.memref_slice %arg3[%mul3A_2] : memref<32768xi32, #tpu.memory_space<hbm>> -> memref<1024xi32, #tpu.memory_space<hbm>>
      tpu.wait_dma2 semaphore(%run_scoped3A : memref<!tpu.dma_semaphore, #tpu.memory_space<semaphore_mem>>) src(%dma_wait3A_9 : memref<1024xi32, #tpu.memory_space<hbm>>) dst(%arg6 : memref<1024xi32, #tpu.memory_space<vmem>>)
      tpu.yield
    }) : () -> ()
    %parallel_loop3A = arith.constant 0 : i32
    %parallel_loop3A_3 = arith.constant 64 : i32
    %parallel_loop3A_4 = arith.constant 1 : i32
    scf.for %parallel_loop3A_8 = %parallel_loop3A to %parallel_loop3A_3 step %parallel_loop3A_4  : i32 {
      %parallel_loop3A_9 = arith.constant 16 : i32
      %parallel_loop3A_10 = arith.muli %parallel_loop3A_8, %parallel_loop3A_9 : i32
      %parallel_loop3A_11 = arith.index_cast %parallel_loop3A_10 : i32 to index
      %parallel_loop3A_12 = tpu.vector_load %arg6[%parallel_loop3A_11] {strides = array<i32>} : memref<1024xi32, #tpu.memory_space<vmem>>, vector<16xi32>,
      %parallel_loop3A_13 = arith.constant 0 : i32
      %parallel_loop3A_14 = vector.broadcast %parallel_loop3A_13 : i32 to vector<16xi32>
      %parallel_loop3A_15 = arith.addi %parallel_loop3A_12, %parallel_loop3A_14 : vector<16xi32>
      %parallel_loop3A_16 = tpu.vector_load_idx %arg5[%parallel_loop3A_15] : memref<65536xf32, #tpu.memory_space<vmem>>[vector<16xi32>], vector<16xf32>,
      %parallel_loop3A_17 = arith.constant 16 : i32
      %parallel_loop3A_18 = arith.muli %parallel_loop3A_8, %parallel_loop3A_17 : i32
      %parallel_loop3A_19 = arith.constant 0 : i32
      %parallel_loop3A_20 = arith.addi %parallel_loop3A_19, %parallel_loop3A_18 : i32
      %parallel_loop3A_21 = arith.index_cast %parallel_loop3A_20 : i32 to index
      %parallel_loop3A_22 = tpu.vector_load %arg7[%parallel_loop3A_21] {strides = array<i32>} : memref<32768xf32, #tpu.memory_space<vmem>>, vector<16xf32>,
      tpu.vector_store %arg7[%parallel_loop3A_21], %parallel_loop3A_16 {strides = array<i32>} : memref<32768xf32, #tpu.memory_space<vmem>>, vector<16xf32>,
      %parallel_loop3A_23 = arith.constant 1024 : i32
      %parallel_loop3A_24 = vector.broadcast %parallel_loop3A_23 : i32 to vector<16xi32>
      %parallel_loop3A_25 = arith.addi %parallel_loop3A_12, %parallel_loop3A_24 : vector<16xi32>
      %parallel_loop3A_26 = tpu.vector_load_idx %arg5[%parallel_loop3A_25] : memref<65536xf32, #tpu.memory_space<vmem>>[vector<16xi32>], vector<16xf32>,
      %parallel_loop3A_27 = arith.constant 16 : i32
      %parallel_loop3A_28 = arith.muli %parallel_loop3A_8, %parallel_loop3A_27 : i32
      %parallel_loop3A_29 = arith.constant 1024 : i32
      %parallel_loop3A_30 = arith.addi %parallel_loop3A_29, %parallel_loop3A_28 : i32
      %parallel_loop3A_31 = arith.index_cast %parallel_loop3A_30 : i32 to index
      %parallel_loop3A_32 = tpu.vector_load %arg7[%parallel_loop3A_31] {strides = array<i32>} : memref<32768xf32, #tpu.memory_space<vmem>>, vector<16xf32>,
      tpu.vector_store %arg7[%parallel_loop3A_31], %parallel_loop3A_26 {strides = array<i32>} : memref<32768xf32, #tpu.memory_space<vmem>>, vector<16xf32>,
      %parallel_loop3A_33 = arith.constant 2048 : i32
      %parallel_loop3A_34 = vector.broadcast %parallel_loop3A_33 : i32 to vector<16xi32>
      %parallel_loop3A_35 = arith.addi %parallel_loop3A_12, %parallel_loop3A_34 : vector<16xi32>
      %parallel_loop3A_36 = tpu.vector_load_idx %arg5[%parallel_loop3A_35] : memref<65536xf32, #tpu.memory_space<vmem>>[vector<16xi32>], vector<16xf32>,
      %parallel_loop3A_37 = arith.constant 16 : i32
      %parallel_loop3A_38 = arith.muli %parallel_loop3A_8, %parallel_loop3A_37 : i32
      %parallel_loop3A_39 = arith.constant 2048 : i32
      %parallel_loop3A_40 = arith.addi %parallel_loop3A_39, %parallel_loop3A_38 : i32
      %parallel_loop3A_41 = arith.index_cast %parallel_loop3A_40 : i32 to index
      %parallel_loop3A_42 = tpu.vector_load %arg7[%parallel_loop3A_41] {strides = array<i32>} : memref<32768xf32, #tpu.memory_space<vmem>>, vector<16xf32>,
      tpu.vector_store %arg7[%parallel_loop3A_41], %parallel_loop3A_36 {strides = array<i32>} : memref<32768xf32, #tpu.memory_space<vmem>>, vector<16xf32>,
      %parallel_loop3A_43 = arith.constant 3072 : i32
      %parallel_loop3A_44 = vector.broadcast %parallel_loop3A_43 : i32 to vector<16xi32>
      %parallel_loop3A_45 = arith.addi %parallel_loop3A_12, %parallel_loop3A_44 : vector<16xi32>
      %parallel_loop3A_46 = tpu.vector_load_idx %arg5[%parallel_loop3A_45] : memref<65536xf32, #tpu.memory_space<vmem>>[vector<16xi32>], vector<16xf32>,
      %parallel_loop3A_47 = arith.constant 16 : i32
      %parallel_loop3A_48 = arith.muli %parallel_loop3A_8, %parallel_loop3A_47 : i32
      %parallel_loop3A_49 = arith.constant 3072 : i32
      %parallel_loop3A_50 = arith.addi %parallel_loop3A_49, %parallel_loop3A_48 : i32
      %parallel_loop3A_51 = arith.index_cast %parallel_loop3A_50 : i32 to index
      %parallel_loop3A_52 = tpu.vector_load %arg7[%parallel_loop3A_51] {strides = array<i32>} : memref<32768xf32, #tpu.memory_space<vmem>>, vector<16xf32>,
      tpu.vector_store %arg7[%parallel_loop3A_51], %parallel_loop3A_46 {strides = array<i32>} : memref<32768xf32, #tpu.memory_space<vmem>>, vector<16xf32>,
      %parallel_loop3A_53 = arith.constant 4096 : i32
      %parallel_loop3A_54 = vector.broadcast %parallel_loop3A_53 : i32 to vector<16xi32>
      %parallel_loop3A_55 = arith.addi %parallel_loop3A_12, %parallel_loop3A_54 : vector<16xi32>
      %parallel_loop3A_56 = tpu.vector_load_idx %arg5[%parallel_loop3A_55] : memref<65536xf32, #tpu.memory_space<vmem>>[vector<16xi32>], vector<16xf32>,
      %parallel_loop3A_57 = arith.constant 16 : i32
      %parallel_loop3A_58 = arith.muli %parallel_loop3A_8, %parallel_loop3A_57 : i32
      %parallel_loop3A_59 = arith.constant 4096 : i32
      %parallel_loop3A_60 = arith.addi %parallel_loop3A_59, %parallel_loop3A_58 : i32
      %parallel_loop3A_61 = arith.index_cast %parallel_loop3A_60 : i32 to index
      %parallel_loop3A_62 = tpu.vector_load %arg7[%parallel_loop3A_61] {strides = array<i32>} : memref<32768xf32, #tpu.memory_space<vmem>>, vector<16xf32>,
      tpu.vector_store %arg7[%parallel_loop3A_61], %parallel_loop3A_56 {strides = array<i32>} : memref<32768xf32, #tpu.memory_space<vmem>>, vector<16xf32>,
      %parallel_loop3A_63 = arith.constant 5120 : i32
      %parallel_loop3A_64 = vector.broadcast %parallel_loop3A_63 : i32 to vector<16xi32>
      %parallel_loop3A_65 = arith.addi %parallel_loop3A_12, %parallel_loop3A_64 : vector<16xi32>
      %parallel_loop3A_66 = tpu.vector_load_idx %arg5[%parallel_loop3A_65] : memref<65536xf32, #tpu.memory_space<vmem>>[vector<16xi32>], vector<16xf32>,
      %parallel_loop3A_67 = arith.constant 16 : i32
      %parallel_loop3A_68 = arith.muli %parallel_loop3A_8, %parallel_loop3A_67 : i32
      %parallel_loop3A_69 = arith.constant 5120 : i32
      %parallel_loop3A_70 = arith.addi %parallel_loop3A_69, %parallel_loop3A_68 : i32
      %parallel_loop3A_71 = arith.index_cast %parallel_loop3A_70 : i32 to index
      %parallel_loop3A_72 = tpu.vector_load %arg7[%parallel_loop3A_71] {strides = array<i32>} : memref<32768xf32, #tpu.memory_space<vmem>>, vector<16xf32>,
      tpu.vector_store %arg7[%parallel_loop3A_71], %parallel_loop3A_66 {strides = array<i32>} : memref<32768xf32, #tpu.memory_space<vmem>>, vector<16xf32>,
      %parallel_loop3A_73 = arith.constant 6144 : i32
      %parallel_loop3A_74 = vector.broadcast %parallel_loop3A_73 : i32 to vector<16xi32>
      %parallel_loop3A_75 = arith.addi %parallel_loop3A_12, %parallel_loop3A_74 : vector<16xi32>
      %parallel_loop3A_76 = tpu.vector_load_idx %arg5[%parallel_loop3A_75] : memref<65536xf32, #tpu.memory_space<vmem>>[vector<16xi32>], vector<16xf32>,
      %parallel_loop3A_77 = arith.constant 16 : i32
      %parallel_loop3A_78 = arith.muli %parallel_loop3A_8, %parallel_loop3A_77 : i32
      %parallel_loop3A_79 = arith.constant 6144 : i32
      %parallel_loop3A_80 = arith.addi %parallel_loop3A_79, %parallel_loop3A_78 : i32
      %parallel_loop3A_81 = arith.index_cast %parallel_loop3A_80 : i32 to index
      %parallel_loop3A_82 = tpu.vector_load %arg7[%parallel_loop3A_81] {strides = array<i32>} : memref<32768xf32, #tpu.memory_space<vmem>>, vector<16xf32>,
      tpu.vector_store %arg7[%parallel_loop3A_81], %parallel_loop3A_76 {strides = array<i32>} : memref<32768xf32, #tpu.memory_space<vmem>>, vector<16xf32>,
      %parallel_loop3A_83 = arith.constant 7168 : i32
      %parallel_loop3A_84 = vector.broadcast %parallel_loop3A_83 : i32 to vector<16xi32>
      %parallel_loop3A_85 = arith.addi %parallel_loop3A_12, %parallel_loop3A_84 : vector<16xi32>
      %parallel_loop3A_86 = tpu.vector_load_idx %arg5[%parallel_loop3A_85] : memref<65536xf32, #tpu.memory_space<vmem>>[vector<16xi32>], vector<16xf32>,
      %parallel_loop3A_87 = arith.constant 16 : i32
      %parallel_loop3A_88 = arith.muli %parallel_loop3A_8, %parallel_loop3A_87 : i32
      %parallel_loop3A_89 = arith.constant 7168 : i32
      %parallel_loop3A_90 = arith.addi %parallel_loop3A_89, %parallel_loop3A_88 : i32
      %parallel_loop3A_91 = arith.index_cast %parallel_loop3A_90 : i32 to index
      %parallel_loop3A_92 = tpu.vector_load %arg7[%parallel_loop3A_91] {strides = array<i32>} : memref<32768xf32, #tpu.memory_space<vmem>>, vector<16xf32>,
      tpu.vector_store %arg7[%parallel_loop3A_91], %parallel_loop3A_86 {strides = array<i32>} : memref<32768xf32, #tpu.memory_space<vmem>>, vector<16xf32>,
      %parallel_loop3A_93 = arith.constant 8192 : i32
      %parallel_loop3A_94 = vector.broadcast %parallel_loop3A_93 : i32 to vector<16xi32>
      %parallel_loop3A_95 = arith.addi %parallel_loop3A_12, %parallel_loop3A_94 : vector<16xi32>
      %parallel_loop3A_96 = tpu.vector_load_idx %arg5[%parallel_loop3A_95] : memref<65536xf32, #tpu.memory_space<vmem>>[vector<16xi32>], vector<16xf32>,
      %parallel_loop3A_97 = arith.constant 16 : i32
      %parallel_loop3A_98 = arith.muli %parallel_loop3A_8, %parallel_loop3A_97 : i32
      %parallel_loop3A_99 = arith.constant 8192 : i32
      %parallel_loop3A_100 = arith.addi %parallel_loop3A_99, %parallel_loop3A_98 : i32
      %parallel_loop3A_101 = arith.index_cast %parallel_loop3A_100 : i32 to index
      %parallel_loop3A_102 = tpu.vector_load %arg7[%parallel_loop3A_101] {strides = array<i32>} : memref<32768xf32, #tpu.memory_space<vmem>>, vector<16xf32>,
      tpu.vector_store %arg7[%parallel_loop3A_101], %parallel_loop3A_96 {strides = array<i32>} : memref<32768xf32, #tpu.memory_space<vmem>>, vector<16xf32>,
      %parallel_loop3A_103 = arith.constant 9216 : i32
      %parallel_loop3A_104 = vector.broadcast %parallel_loop3A_103 : i32 to vector<16xi32>
      %parallel_loop3A_105 = arith.addi %parallel_loop3A_12, %parallel_loop3A_104 : vector<16xi32>
      %parallel_loop3A_106 = tpu.vector_load_idx %arg5[%parallel_loop3A_105] : memref<65536xf32, #tpu.memory_space<vmem>>[vector<16xi32>], vector<16xf32>,
      %parallel_loop3A_107 = arith.constant 16 : i32
      %parallel_loop3A_108 = arith.muli %parallel_loop3A_8, %parallel_loop3A_107 : i32
      %parallel_loop3A_109 = arith.constant 9216 : i32
      %parallel_loop3A_110 = arith.addi %parallel_loop3A_109, %parallel_loop3A_108 : i32
      %parallel_loop3A_111 = arith.index_cast %parallel_loop3A_110 : i32 to index
      %parallel_loop3A_112 = tpu.vector_load %arg7[%parallel_loop3A_111] {strides = array<i32>} : memref<32768xf32, #tpu.memory_space<vmem>>, vector<16xf32>,
      tpu.vector_store %arg7[%parallel_loop3A_111], %parallel_loop3A_106 {strides = array<i32>} : memref<32768xf32, #tpu.memory_space<vmem>>, vector<16xf32>,
      %parallel_loop3A_113 = arith.constant 10240 : i32
      %parallel_loop3A_114 = vector.broadcast %parallel_loop3A_113 : i32 to vector<16xi32>
      %parallel_loop3A_115 = arith.addi %parallel_loop3A_12, %parallel_loop3A_114 : vector<16xi32>
      %parallel_loop3A_116 = tpu.vector_load_idx %arg5[%parallel_loop3A_115] : memref<65536xf32, #tpu.memory_space<vmem>>[vector<16xi32>], vector<16xf32>,
      %parallel_loop3A_117 = arith.constant 16 : i32
      %parallel_loop3A_118 = arith.muli %parallel_loop3A_8, %parallel_loop3A_117 : i32
      %parallel_loop3A_119 = arith.constant 10240 : i32
      %parallel_loop3A_120 = arith.addi %parallel_loop3A_119, %parallel_loop3A_118 : i32
      %parallel_loop3A_121 = arith.index_cast %parallel_loop3A_120 : i32 to index
      %parallel_loop3A_122 = tpu.vector_load %arg7[%parallel_loop3A_121] {strides = array<i32>} : memref<32768xf32, #tpu.memory_space<vmem>>, vector<16xf32>,
      tpu.vector_store %arg7[%parallel_loop3A_121], %parallel_loop3A_116 {strides = array<i32>} : memref<32768xf32, #tpu.memory_space<vmem>>, vector<16xf32>,
      %parallel_loop3A_123 = arith.constant 11264 : i32
      %parallel_loop3A_124 = vector.broadcast %parallel_loop3A_123 : i32 to vector<16xi32>
      %parallel_loop3A_125 = arith.addi %parallel_loop3A_12, %parallel_loop3A_124 : vector<16xi32>
      %parallel_loop3A_126 = tpu.vector_load_idx %arg5[%parallel_loop3A_125] : memref<65536xf32, #tpu.memory_space<vmem>>[vector<16xi32>], vector<16xf32>,
      %parallel_loop3A_127 = arith.constant 16 : i32
      %parallel_loop3A_128 = arith.muli %parallel_loop3A_8, %parallel_loop3A_127 : i32
      %parallel_loop3A_129 = arith.constant 11264 : i32
      %parallel_loop3A_130 = arith.addi %parallel_loop3A_129, %parallel_loop3A_128 : i32
      %parallel_loop3A_131 = arith.index_cast %parallel_loop3A_130 : i32 to index
      %parallel_loop3A_132 = tpu.vector_load %arg7[%parallel_loop3A_131] {strides = array<i32>} : memref<32768xf32, #tpu.memory_space<vmem>>, vector<16xf32>,
      tpu.vector_store %arg7[%parallel_loop3A_131], %parallel_loop3A_126 {strides = array<i32>} : memref<32768xf32, #tpu.memory_space<vmem>>, vector<16xf32>,
      %parallel_loop3A_133 = arith.constant 12288 : i32
      %parallel_loop3A_134 = vector.broadcast %parallel_loop3A_133 : i32 to vector<16xi32>
      %parallel_loop3A_135 = arith.addi %parallel_loop3A_12, %parallel_loop3A_134 : vector<16xi32>
      %parallel_loop3A_136 = tpu.vector_load_idx %arg5[%parallel_loop3A_135] : memref<65536xf32, #tpu.memory_space<vmem>>[vector<16xi32>], vector<16xf32>,
      %parallel_loop3A_137 = arith.constant 16 : i32
      %parallel_loop3A_138 = arith.muli %parallel_loop3A_8, %parallel_loop3A_137 : i32
      %parallel_loop3A_139 = arith.constant 12288 : i32
      %parallel_loop3A_140 = arith.addi %parallel_loop3A_139, %parallel_loop3A_138 : i32
      %parallel_loop3A_141 = arith.index_cast %parallel_loop3A_140 : i32 to index
      %parallel_loop3A_142 = tpu.vector_load %arg7[%parallel_loop3A_141] {strides = array<i32>} : memref<32768xf32, #tpu.memory_space<vmem>>, vector<16xf32>,
      tpu.vector_store %arg7[%parallel_loop3A_141], %parallel_loop3A_136 {strides = array<i32>} : memref<32768xf32, #tpu.memory_space<vmem>>, vector<16xf32>,
      %parallel_loop3A_143 = arith.constant 13312 : i32
      %parallel_loop3A_144 = vector.broadcast %parallel_loop3A_143 : i32 to vector<16xi32>
      %parallel_loop3A_145 = arith.addi %parallel_loop3A_12, %parallel_loop3A_144 : vector<16xi32>
      %parallel_loop3A_146 = tpu.vector_load_idx %arg5[%parallel_loop3A_145] : memref<65536xf32, #tpu.memory_space<vmem>>[vector<16xi32>], vector<16xf32>,
      %parallel_loop3A_147 = arith.constant 16 : i32
      %parallel_loop3A_148 = arith.muli %parallel_loop3A_8, %parallel_loop3A_147 : i32
      %parallel_loop3A_149 = arith.constant 13312 : i32
      %parallel_loop3A_150 = arith.addi %parallel_loop3A_149, %parallel_loop3A_148 : i32
      %parallel_loop3A_151 = arith.index_cast %parallel_loop3A_150 : i32 to index
      %parallel_loop3A_152 = tpu.vector_load %arg7[%parallel_loop3A_151] {strides = array<i32>} : memref<32768xf32, #tpu.memory_space<vmem>>, vector<16xf32>,
      tpu.vector_store %arg7[%parallel_loop3A_151], %parallel_loop3A_146 {strides = array<i32>} : memref<32768xf32, #tpu.memory_space<vmem>>, vector<16xf32>,
      %parallel_loop3A_153 = arith.constant 14336 : i32
      %parallel_loop3A_154 = vector.broadcast %parallel_loop3A_153 : i32 to vector<16xi32>
      %parallel_loop3A_155 = arith.addi %parallel_loop3A_12, %parallel_loop3A_154 : vector<16xi32>
      %parallel_loop3A_156 = tpu.vector_load_idx %arg5[%parallel_loop3A_155] : memref<65536xf32, #tpu.memory_space<vmem>>[vector<16xi32>], vector<16xf32>,
      %parallel_loop3A_157 = arith.constant 16 : i32
      %parallel_loop3A_158 = arith.muli %parallel_loop3A_8, %parallel_loop3A_157 : i32
      %parallel_loop3A_159 = arith.constant 14336 : i32
      %parallel_loop3A_160 = arith.addi %parallel_loop3A_159, %parallel_loop3A_158 : i32
      %parallel_loop3A_161 = arith.index_cast %parallel_loop3A_160 : i32 to index
      %parallel_loop3A_162 = tpu.vector_load %arg7[%parallel_loop3A_161] {strides = array<i32>} : memref<32768xf32, #tpu.memory_space<vmem>>, vector<16xf32>,
      tpu.vector_store %arg7[%parallel_loop3A_161], %parallel_loop3A_156 {strides = array<i32>} : memref<32768xf32, #tpu.memory_space<vmem>>, vector<16xf32>,
      %parallel_loop3A_163 = arith.constant 15360 : i32
      %parallel_loop3A_164 = vector.broadcast %parallel_loop3A_163 : i32 to vector<16xi32>
      %parallel_loop3A_165 = arith.addi %parallel_loop3A_12, %parallel_loop3A_164 : vector<16xi32>
      %parallel_loop3A_166 = tpu.vector_load_idx %arg5[%parallel_loop3A_165] : memref<65536xf32, #tpu.memory_space<vmem>>[vector<16xi32>], vector<16xf32>,
      %parallel_loop3A_167 = arith.constant 16 : i32
      %parallel_loop3A_168 = arith.muli %parallel_loop3A_8, %parallel_loop3A_167 : i32
      %parallel_loop3A_169 = arith.constant 15360 : i32
      %parallel_loop3A_170 = arith.addi %parallel_loop3A_169, %parallel_loop3A_168 : i32
      %parallel_loop3A_171 = arith.index_cast %parallel_loop3A_170 : i32 to index
      %parallel_loop3A_172 = tpu.vector_load %arg7[%parallel_loop3A_171] {strides = array<i32>} : memref<32768xf32, #tpu.memory_space<vmem>>, vector<16xf32>,
      tpu.vector_store %arg7[%parallel_loop3A_171], %parallel_loop3A_166 {strides = array<i32>} : memref<32768xf32, #tpu.memory_space<vmem>>, vector<16xf32>,
      %parallel_loop3A_173 = arith.constant 16384 : i32
      %parallel_loop3A_174 = vector.broadcast %parallel_loop3A_173 : i32 to vector<16xi32>
      %parallel_loop3A_175 = arith.addi %parallel_loop3A_12, %parallel_loop3A_174 : vector<16xi32>
      %parallel_loop3A_176 = tpu.vector_load_idx %arg5[%parallel_loop3A_175] : memref<65536xf32, #tpu.memory_space<vmem>>[vector<16xi32>], vector<16xf32>,
      %parallel_loop3A_177 = arith.constant 16 : i32
      %parallel_loop3A_178 = arith.muli %parallel_loop3A_8, %parallel_loop3A_177 : i32
      %parallel_loop3A_179 = arith.constant 16384 : i32
      %parallel_loop3A_180 = arith.addi %parallel_loop3A_179, %parallel_loop3A_178 : i32
      %parallel_loop3A_181 = arith.index_cast %parallel_loop3A_180 : i32 to index
      %parallel_loop3A_182 = tpu.vector_load %arg7[%parallel_loop3A_181] {strides = array<i32>} : memref<32768xf32, #tpu.memory_space<vmem>>, vector<16xf32>,
      tpu.vector_store %arg7[%parallel_loop3A_181], %parallel_loop3A_176 {strides = array<i32>} : memref<32768xf32, #tpu.memory_space<vmem>>, vector<16xf32>,
      %parallel_loop3A_183 = arith.constant 17408 : i32
      %parallel_loop3A_184 = vector.broadcast %parallel_loop3A_183 : i32 to vector<16xi32>
      %parallel_loop3A_185 = arith.addi %parallel_loop3A_12, %parallel_loop3A_184 : vector<16xi32>
      %parallel_loop3A_186 = tpu.vector_load_idx %arg5[%parallel_loop3A_185] : memref<65536xf32, #tpu.memory_space<vmem>>[vector<16xi32>], vector<16xf32>,
      %parallel_loop3A_187 = arith.constant 16 : i32
      %parallel_loop3A_188 = arith.muli %parallel_loop3A_8, %parallel_loop3A_187 : i32
      %parallel_loop3A_189 = arith.constant 17408 : i32
      %parallel_loop3A_190 = arith.addi %parallel_loop3A_189, %parallel_loop3A_188 : i32
      %parallel_loop3A_191 = arith.index_cast %parallel_loop3A_190 : i32 to index
      %parallel_loop3A_192 = tpu.vector_load %arg7[%parallel_loop3A_191] {strides = array<i32>} : memref<32768xf32, #tpu.memory_space<vmem>>, vector<16xf32>,
      tpu.vector_store %arg7[%parallel_loop3A_191], %parallel_loop3A_186 {strides = array<i32>} : memref<32768xf32, #tpu.memory_space<vmem>>, vector<16xf32>,
      %parallel_loop3A_193 = arith.constant 18432 : i32
      %parallel_loop3A_194 = vector.broadcast %parallel_loop3A_193 : i32 to vector<16xi32>
      %parallel_loop3A_195 = arith.addi %parallel_loop3A_12, %parallel_loop3A_194 : vector<16xi32>
      %parallel_loop3A_196 = tpu.vector_load_idx %arg5[%parallel_loop3A_195] : memref<65536xf32, #tpu.memory_space<vmem>>[vector<16xi32>], vector<16xf32>,
      %parallel_loop3A_197 = arith.constant 16 : i32
      %parallel_loop3A_198 = arith.muli %parallel_loop3A_8, %parallel_loop3A_197 : i32
      %parallel_loop3A_199 = arith.constant 18432 : i32
      %parallel_loop3A_200 = arith.addi %parallel_loop3A_199, %parallel_loop3A_198 : i32
      %parallel_loop3A_201 = arith.index_cast %parallel_loop3A_200 : i32 to index
      %parallel_loop3A_202 = tpu.vector_load %arg7[%parallel_loop3A_201] {strides = array<i32>} : memref<32768xf32, #tpu.memory_space<vmem>>, vector<16xf32>,
      tpu.vector_store %arg7[%parallel_loop3A_201], %parallel_loop3A_196 {strides = array<i32>} : memref<32768xf32, #tpu.memory_space<vmem>>, vector<16xf32>,
      %parallel_loop3A_203 = arith.constant 19456 : i32
      %parallel_loop3A_204 = vector.broadcast %parallel_loop3A_203 : i32 to vector<16xi32>
      %parallel_loop3A_205 = arith.addi %parallel_loop3A_12, %parallel_loop3A_204 : vector<16xi32>
      %parallel_loop3A_206 = tpu.vector_load_idx %arg5[%parallel_loop3A_205] : memref<65536xf32, #tpu.memory_space<vmem>>[vector<16xi32>], vector<16xf32>,
      %parallel_loop3A_207 = arith.constant 16 : i32
      %parallel_loop3A_208 = arith.muli %parallel_loop3A_8, %parallel_loop3A_207 : i32
      %parallel_loop3A_209 = arith.constant 19456 : i32
      %parallel_loop3A_210 = arith.addi %parallel_loop3A_209, %parallel_loop3A_208 : i32
      %parallel_loop3A_211 = arith.index_cast %parallel_loop3A_210 : i32 to index
      %parallel_loop3A_212 = tpu.vector_load %arg7[%parallel_loop3A_211] {strides = array<i32>} : memref<32768xf32, #tpu.memory_space<vmem>>, vector<16xf32>,
      tpu.vector_store %arg7[%parallel_loop3A_211], %parallel_loop3A_206 {strides = array<i32>} : memref<32768xf32, #tpu.memory_space<vmem>>, vector<16xf32>,
      %parallel_loop3A_213 = arith.constant 20480 : i32
      %parallel_loop3A_214 = vector.broadcast %parallel_loop3A_213 : i32 to vector<16xi32>
      %parallel_loop3A_215 = arith.addi %parallel_loop3A_12, %parallel_loop3A_214 : vector<16xi32>
      %parallel_loop3A_216 = tpu.vector_load_idx %arg5[%parallel_loop3A_215] : memref<65536xf32, #tpu.memory_space<vmem>>[vector<16xi32>], vector<16xf32>,
      %parallel_loop3A_217 = arith.constant 16 : i32
      %parallel_loop3A_218 = arith.muli %parallel_loop3A_8, %parallel_loop3A_217 : i32
      %parallel_loop3A_219 = arith.constant 20480 : i32
      %parallel_loop3A_220 = arith.addi %parallel_loop3A_219, %parallel_loop3A_218 : i32
      %parallel_loop3A_221 = arith.index_cast %parallel_loop3A_220 : i32 to index
      %parallel_loop3A_222 = tpu.vector_load %arg7[%parallel_loop3A_221] {strides = array<i32>} : memref<32768xf32, #tpu.memory_space<vmem>>, vector<16xf32>,
      tpu.vector_store %arg7[%parallel_loop3A_221], %parallel_loop3A_216 {strides = array<i32>} : memref<32768xf32, #tpu.memory_space<vmem>>, vector<16xf32>,
      %parallel_loop3A_223 = arith.constant 21504 : i32
      %parallel_loop3A_224 = vector.broadcast %parallel_loop3A_223 : i32 to vector<16xi32>
      %parallel_loop3A_225 = arith.addi %parallel_loop3A_12, %parallel_loop3A_224 : vector<16xi32>
      %parallel_loop3A_226 = tpu.vector_load_idx %arg5[%parallel_loop3A_225] : memref<65536xf32, #tpu.memory_space<vmem>>[vector<16xi32>], vector<16xf32>,
      %parallel_loop3A_227 = arith.constant 16 : i32
      %parallel_loop3A_228 = arith.muli %parallel_loop3A_8, %parallel_loop3A_227 : i32
      %parallel_loop3A_229 = arith.constant 21504 : i32
      %parallel_loop3A_230 = arith.addi %parallel_loop3A_229, %parallel_loop3A_228 : i32
      %parallel_loop3A_231 = arith.index_cast %parallel_loop3A_230 : i32 to index
      %parallel_loop3A_232 = tpu.vector_load %arg7[%parallel_loop3A_231] {strides = array<i32>} : memref<32768xf32, #tpu.memory_space<vmem>>, vector<16xf32>,
      tpu.vector_store %arg7[%parallel_loop3A_231], %parallel_loop3A_226 {strides = array<i32>} : memref<32768xf32, #tpu.memory_space<vmem>>, vector<16xf32>,
      %parallel_loop3A_233 = arith.constant 22528 : i32
      %parallel_loop3A_234 = vector.broadcast %parallel_loop3A_233 : i32 to vector<16xi32>
      %parallel_loop3A_235 = arith.addi %parallel_loop3A_12, %parallel_loop3A_234 : vector<16xi32>
      %parallel_loop3A_236 = tpu.vector_load_idx %arg5[%parallel_loop3A_235] : memref<65536xf32, #tpu.memory_space<vmem>>[vector<16xi32>], vector<16xf32>,
      %parallel_loop3A_237 = arith.constant 16 : i32
      %parallel_loop3A_238 = arith.muli %parallel_loop3A_8, %parallel_loop3A_237 : i32
      %parallel_loop3A_239 = arith.constant 22528 : i32
      %parallel_loop3A_240 = arith.addi %parallel_loop3A_239, %parallel_loop3A_238 : i32
      %parallel_loop3A_241 = arith.index_cast %parallel_loop3A_240 : i32 to index
      %parallel_loop3A_242 = tpu.vector_load %arg7[%parallel_loop3A_241] {strides = array<i32>} : memref<32768xf32, #tpu.memory_space<vmem>>, vector<16xf32>,
      tpu.vector_store %arg7[%parallel_loop3A_241], %parallel_loop3A_236 {strides = array<i32>} : memref<32768xf32, #tpu.memory_space<vmem>>, vector<16xf32>,
      %parallel_loop3A_243 = arith.constant 23552 : i32
      %parallel_loop3A_244 = vector.broadcast %parallel_loop3A_243 : i32 to vector<16xi32>
      %parallel_loop3A_245 = arith.addi %parallel_loop3A_12, %parallel_loop3A_244 : vector<16xi32>
      %parallel_loop3A_246 = tpu.vector_load_idx %arg5[%parallel_loop3A_245] : memref<65536xf32, #tpu.memory_space<vmem>>[vector<16xi32>], vector<16xf32>,
      %parallel_loop3A_247 = arith.constant 16 : i32
      %parallel_loop3A_248 = arith.muli %parallel_loop3A_8, %parallel_loop3A_247 : i32
      %parallel_loop3A_249 = arith.constant 23552 : i32
      %parallel_loop3A_250 = arith.addi %parallel_loop3A_249, %parallel_loop3A_248 : i32
      %parallel_loop3A_251 = arith.index_cast %parallel_loop3A_250 : i32 to index
      %parallel_loop3A_252 = tpu.vector_load %arg7[%parallel_loop3A_251] {strides = array<i32>} : memref<32768xf32, #tpu.memory_space<vmem>>, vector<16xf32>,
      tpu.vector_store %arg7[%parallel_loop3A_251], %parallel_loop3A_246 {strides = array<i32>} : memref<32768xf32, #tpu.memory_space<vmem>>, vector<16xf32>,
      %parallel_loop3A_253 = arith.constant 24576 : i32
      %parallel_loop3A_254 = vector.broadcast %parallel_loop3A_253 : i32 to vector<16xi32>
      %parallel_loop3A_255 = arith.addi %parallel_loop3A_12, %parallel_loop3A_254 : vector<16xi32>
      %parallel_loop3A_256 = tpu.vector_load_idx %arg5[%parallel_loop3A_255] : memref<65536xf32, #tpu.memory_space<vmem>>[vector<16xi32>], vector<16xf32>,
      %parallel_loop3A_257 = arith.constant 16 : i32
      %parallel_loop3A_258 = arith.muli %parallel_loop3A_8, %parallel_loop3A_257 : i32
      %parallel_loop3A_259 = arith.constant 24576 : i32
      %parallel_loop3A_260 = arith.addi %parallel_loop3A_259, %parallel_loop3A_258 : i32
      %parallel_loop3A_261 = arith.index_cast %parallel_loop3A_260 : i32 to index
      %parallel_loop3A_262 = tpu.vector_load %arg7[%parallel_loop3A_261] {strides = array<i32>} : memref<32768xf32, #tpu.memory_space<vmem>>, vector<16xf32>,
      tpu.vector_store %arg7[%parallel_loop3A_261], %parallel_loop3A_256 {strides = array<i32>} : memref<32768xf32, #tpu.memory_space<vmem>>, vector<16xf32>,
      %parallel_loop3A_263 = arith.constant 25600 : i32
      %parallel_loop3A_264 = vector.broadcast %parallel_loop3A_263 : i32 to vector<16xi32>
      %parallel_loop3A_265 = arith.addi %parallel_loop3A_12, %parallel_loop3A_264 : vector<16xi32>
      %parallel_loop3A_266 = tpu.vector_load_idx %arg5[%parallel_loop3A_265] : memref<65536xf32, #tpu.memory_space<vmem>>[vector<16xi32>], vector<16xf32>,
      %parallel_loop3A_267 = arith.constant 16 : i32
      %parallel_loop3A_268 = arith.muli %parallel_loop3A_8, %parallel_loop3A_267 : i32
      %parallel_loop3A_269 = arith.constant 25600 : i32
      %parallel_loop3A_270 = arith.addi %parallel_loop3A_269, %parallel_loop3A_268 : i32
      %parallel_loop3A_271 = arith.index_cast %parallel_loop3A_270 : i32 to index
      %parallel_loop3A_272 = tpu.vector_load %arg7[%parallel_loop3A_271] {strides = array<i32>} : memref<32768xf32, #tpu.memory_space<vmem>>, vector<16xf32>,
      tpu.vector_store %arg7[%parallel_loop3A_271], %parallel_loop3A_266 {strides = array<i32>} : memref<32768xf32, #tpu.memory_space<vmem>>, vector<16xf32>,
      %parallel_loop3A_273 = arith.constant 26624 : i32
      %parallel_loop3A_274 = vector.broadcast %parallel_loop3A_273 : i32 to vector<16xi32>
      %parallel_loop3A_275 = arith.addi %parallel_loop3A_12, %parallel_loop3A_274 : vector<16xi32>
      %parallel_loop3A_276 = tpu.vector_load_idx %arg5[%parallel_loop3A_275] : memref<65536xf32, #tpu.memory_space<vmem>>[vector<16xi32>], vector<16xf32>,
      %parallel_loop3A_277 = arith.constant 16 : i32
      %parallel_loop3A_278 = arith.muli %parallel_loop3A_8, %parallel_loop3A_277 : i32
      %parallel_loop3A_279 = arith.constant 26624 : i32
      %parallel_loop3A_280 = arith.addi %parallel_loop3A_279, %parallel_loop3A_278 : i32
      %parallel_loop3A_281 = arith.index_cast %parallel_loop3A_280 : i32 to index
      %parallel_loop3A_282 = tpu.vector_load %arg7[%parallel_loop3A_281] {strides = array<i32>} : memref<32768xf32, #tpu.memory_space<vmem>>, vector<16xf32>,
      tpu.vector_store %arg7[%parallel_loop3A_281], %parallel_loop3A_276 {strides = array<i32>} : memref<32768xf32, #tpu.memory_space<vmem>>, vector<16xf32>,
      %parallel_loop3A_283 = arith.constant 27648 : i32
      %parallel_loop3A_284 = vector.broadcast %parallel_loop3A_283 : i32 to vector<16xi32>
      %parallel_loop3A_285 = arith.addi %parallel_loop3A_12, %parallel_loop3A_284 : vector<16xi32>
      %parallel_loop3A_286 = tpu.vector_load_idx %arg5[%parallel_loop3A_285] : memref<65536xf32, #tpu.memory_space<vmem>>[vector<16xi32>], vector<16xf32>,
      %parallel_loop3A_287 = arith.constant 16 : i32
      %parallel_loop3A_288 = arith.muli %parallel_loop3A_8, %parallel_loop3A_287 : i32
      %parallel_loop3A_289 = arith.constant 27648 : i32
      %parallel_loop3A_290 = arith.addi %parallel_loop3A_289, %parallel_loop3A_288 : i32
      %parallel_loop3A_291 = arith.index_cast %parallel_loop3A_290 : i32 to index
      %parallel_loop3A_292 = tpu.vector_load %arg7[%parallel_loop3A_291] {strides = array<i32>} : memref<32768xf32, #tpu.memory_space<vmem>>, vector<16xf32>,
      tpu.vector_store %arg7[%parallel_loop3A_291], %parallel_loop3A_286 {strides = array<i32>} : memref<32768xf32, #tpu.memory_space<vmem>>, vector<16xf32>,
      %parallel_loop3A_293 = arith.constant 28672 : i32
      %parallel_loop3A_294 = vector.broadcast %parallel_loop3A_293 : i32 to vector<16xi32>
      %parallel_loop3A_295 = arith.addi %parallel_loop3A_12, %parallel_loop3A_294 : vector<16xi32>
      %parallel_loop3A_296 = tpu.vector_load_idx %arg5[%parallel_loop3A_295] : memref<65536xf32, #tpu.memory_space<vmem>>[vector<16xi32>], vector<16xf32>,
      %parallel_loop3A_297 = arith.constant 16 : i32
      %parallel_loop3A_298 = arith.muli %parallel_loop3A_8, %parallel_loop3A_297 : i32
      %parallel_loop3A_299 = arith.constant 28672 : i32
      %parallel_loop3A_300 = arith.addi %parallel_loop3A_299, %parallel_loop3A_298 : i32
      %parallel_loop3A_301 = arith.index_cast %parallel_loop3A_300 : i32 to index
      %parallel_loop3A_302 = tpu.vector_load %arg7[%parallel_loop3A_301] {strides = array<i32>} : memref<32768xf32, #tpu.memory_space<vmem>>, vector<16xf32>,
      tpu.vector_store %arg7[%parallel_loop3A_301], %parallel_loop3A_296 {strides = array<i32>} : memref<32768xf32, #tpu.memory_space<vmem>>, vector<16xf32>,
      %parallel_loop3A_303 = arith.constant 29696 : i32
      %parallel_loop3A_304 = vector.broadcast %parallel_loop3A_303 : i32 to vector<16xi32>
      %parallel_loop3A_305 = arith.addi %parallel_loop3A_12, %parallel_loop3A_304 : vector<16xi32>
      %parallel_loop3A_306 = tpu.vector_load_idx %arg5[%parallel_loop3A_305] : memref<65536xf32, #tpu.memory_space<vmem>>[vector<16xi32>], vector<16xf32>,
      %parallel_loop3A_307 = arith.constant 16 : i32
      %parallel_loop3A_308 = arith.muli %parallel_loop3A_8, %parallel_loop3A_307 : i32
      %parallel_loop3A_309 = arith.constant 29696 : i32
      %parallel_loop3A_310 = arith.addi %parallel_loop3A_309, %parallel_loop3A_308 : i32
      %parallel_loop3A_311 = arith.index_cast %parallel_loop3A_310 : i32 to index
      %parallel_loop3A_312 = tpu.vector_load %arg7[%parallel_loop3A_311] {strides = array<i32>} : memref<32768xf32, #tpu.memory_space<vmem>>, vector<16xf32>,
      tpu.vector_store %arg7[%parallel_loop3A_311], %parallel_loop3A_306 {strides = array<i32>} : memref<32768xf32, #tpu.memory_space<vmem>>, vector<16xf32>,
      %parallel_loop3A_313 = arith.constant 30720 : i32
      %parallel_loop3A_314 = vector.broadcast %parallel_loop3A_313 : i32 to vector<16xi32>
      %parallel_loop3A_315 = arith.addi %parallel_loop3A_12, %parallel_loop3A_314 : vector<16xi32>
      %parallel_loop3A_316 = tpu.vector_load_idx %arg5[%parallel_loop3A_315] : memref<65536xf32, #tpu.memory_space<vmem>>[vector<16xi32>], vector<16xf32>,
      %parallel_loop3A_317 = arith.constant 16 : i32
      %parallel_loop3A_318 = arith.muli %parallel_loop3A_8, %parallel_loop3A_317 : i32
      %parallel_loop3A_319 = arith.constant 30720 : i32
      %parallel_loop3A_320 = arith.addi %parallel_loop3A_319, %parallel_loop3A_318 : i32
      %parallel_loop3A_321 = arith.index_cast %parallel_loop3A_320 : i32 to index
      %parallel_loop3A_322 = tpu.vector_load %arg7[%parallel_loop3A_321] {strides = array<i32>} : memref<32768xf32, #tpu.memory_space<vmem>>, vector<16xf32>,
      tpu.vector_store %arg7[%parallel_loop3A_321], %parallel_loop3A_316 {strides = array<i32>} : memref<32768xf32, #tpu.memory_space<vmem>>, vector<16xf32>,
      %parallel_loop3A_323 = arith.constant 31744 : i32
      %parallel_loop3A_324 = vector.broadcast %parallel_loop3A_323 : i32 to vector<16xi32>
      %parallel_loop3A_325 = arith.addi %parallel_loop3A_12, %parallel_loop3A_324 : vector<16xi32>
      %parallel_loop3A_326 = tpu.vector_load_idx %arg5[%parallel_loop3A_325] : memref<65536xf32, #tpu.memory_space<vmem>>[vector<16xi32>], vector<16xf32>,
      %parallel_loop3A_327 = arith.constant 16 : i32
      %parallel_loop3A_328 = arith.muli %parallel_loop3A_8, %parallel_loop3A_327 : i32
      %parallel_loop3A_329 = arith.constant 31744 : i32
      %parallel_loop3A_330 = arith.addi %parallel_loop3A_329, %parallel_loop3A_328 : i32
      %parallel_loop3A_331 = arith.index_cast %parallel_loop3A_330 : i32 to index
      %parallel_loop3A_332 = tpu.vector_load %arg7[%parallel_loop3A_331] {strides = array<i32>} : memref<32768xf32, #tpu.memory_space<vmem>>, vector<16xf32>,
      tpu.vector_store %arg7[%parallel_loop3A_331], %parallel_loop3A_326 {strides = array<i32>} : memref<32768xf32, #tpu.memory_space<vmem>>, vector<16xf32>,
    } {sc.loop_unroll_factor = 4 : i64, sc.parallel_access}
    "tpu.region"() ({
      %run_scoped3A = tpu.sem_alloc : memref<!tpu.dma_semaphore, #tpu.memory_space<semaphore_mem>>
      %dma_start3A = arith.constant 0 : i32
      %dma_start3A_8 = tpu.memref_slice %arg4[%add3A, %dma_start3A] : memref<32x65536xf32, #tpu.memory_space<hbm>> -> memref<1x32768xf32, #tpu.memory_space<hbm>>
      %dma_start3A_9 = tpu.memref_squeeze %dma_start3A_8 : memref<1x32768xf32, #tpu.memory_space<hbm>> -> memref<32768xf32, #tpu.memory_space<hbm>>
      %dma_start3A_10 = arith.constant 0 : i32
      %dma_start3A_11 = tpu.memref_slice %arg4[%add3A, %dma_start3A_10] : memref<32x65536xf32, #tpu.memory_space<hbm>> -> memref<1x32768xf32, #tpu.memory_space<hbm>>
      %dma_start3A_12 = tpu.memref_squeeze %dma_start3A_11 : memref<1x32768xf32, #tpu.memory_space<hbm>> -> memref<32768xf32, #tpu.memory_space<hbm>>
      tpu.enqueue_dma source(%arg7 : memref<32768xf32, #tpu.memory_space<vmem>>) target(%dma_start3A_12 : memref<32768xf32, #tpu.memory_space<hbm>>) target_semaphore(%run_scoped3A : memref<!tpu.dma_semaphore, #tpu.memory_space<semaphore_mem>>)
      %dma_wait3A = arith.constant 0 : i32
      %dma_wait3A_13 = tpu.memref_slice %arg4[%add3A, %dma_wait3A] : memref<32x65536xf32, #tpu.memory_space<hbm>> -> memref<1x32768xf32, #tpu.memory_space<hbm>>
      %dma_wait3A_14 = tpu.memref_squeeze %dma_wait3A_13 : memref<1x32768xf32, #tpu.memory_space<hbm>> -> memref<32768xf32, #tpu.memory_space<hbm>>
      %dma_wait3A_15 = arith.constant 0 : i32
      %dma_wait3A_16 = tpu.memref_slice %arg4[%add3A, %dma_wait3A_15] : memref<32x65536xf32, #tpu.memory_space<hbm>> -> memref<1x32768xf32, #tpu.memory_space<hbm>>
      %dma_wait3A_17 = tpu.memref_squeeze %dma_wait3A_16 : memref<1x32768xf32, #tpu.memory_space<hbm>> -> memref<32768xf32, #tpu.memory_space<hbm>>
      tpu.wait_dma2 semaphore(%run_scoped3A : memref<!tpu.dma_semaphore, #tpu.memory_space<semaphore_mem>>) src(%arg7 : memref<32768xf32, #tpu.memory_space<vmem>>) dst(%dma_wait3A_17 : memref<32768xf32, #tpu.memory_space<hbm>>)
      tpu.yield
    }) : () -> ()
    %parallel_loop3A_5 = arith.constant 0 : i32
    %parallel_loop3A_6 = arith.constant 64 : i32
    %parallel_loop3A_7 = arith.constant 1 : i32
    scf.for %parallel_loop3A_8 = %parallel_loop3A_5 to %parallel_loop3A_6 step %parallel_loop3A_7  : i32 {
      %parallel_loop3A_9 = arith.constant 16 : i32
      %parallel_loop3A_10 = arith.muli %parallel_loop3A_8, %parallel_loop3A_9 : i32
      %parallel_loop3A_11 = arith.index_cast %parallel_loop3A_10 : i32 to index
      %parallel_loop3A_12 = tpu.vector_load %arg6[%parallel_loop3A_11] {strides = array<i32>} : memref<1024xi32, #tpu.memory_space<vmem>>, vector<16xi32>,
      %parallel_loop3A_13 = arith.constant 32768 : i32
      %parallel_loop3A_14 = vector.broadcast %parallel_loop3A_13 : i32 to vector<16xi32>
      %parallel_loop3A_15 = arith.addi %parallel_loop3A_12, %parallel_loop3A_14 : vector<16xi32>
      %parallel_loop3A_16 = tpu.vector_load_idx %arg5[%parallel_loop3A_15] : memref<65536xf32, #tpu.memory_space<vmem>>[vector<16xi32>], vector<16xf32>,
      %parallel_loop3A_17 = arith.constant 16 : i32
      %parallel_loop3A_18 = arith.muli %parallel_loop3A_8, %parallel_loop3A_17 : i32
      %parallel_loop3A_19 = arith.constant 0 : i32
      %parallel_loop3A_20 = arith.addi %parallel_loop3A_19, %parallel_loop3A_18 : i32
      %parallel_loop3A_21 = arith.index_cast %parallel_loop3A_20 : i32 to index
      %parallel_loop3A_22 = tpu.vector_load %arg7[%parallel_loop3A_21] {strides = array<i32>} : memref<32768xf32, #tpu.memory_space<vmem>>, vector<16xf32>,
      tpu.vector_store %arg7[%parallel_loop3A_21], %parallel_loop3A_16 {strides = array<i32>} : memref<32768xf32, #tpu.memory_space<vmem>>, vector<16xf32>,
      %parallel_loop3A_23 = arith.constant 33792 : i32
      %parallel_loop3A_24 = vector.broadcast %parallel_loop3A_23 : i32 to vector<16xi32>
      %parallel_loop3A_25 = arith.addi %parallel_loop3A_12, %parallel_loop3A_24 : vector<16xi32>
      %parallel_loop3A_26 = tpu.vector_load_idx %arg5[%parallel_loop3A_25] : memref<65536xf32, #tpu.memory_space<vmem>>[vector<16xi32>], vector<16xf32>,
      %parallel_loop3A_27 = arith.constant 16 : i32
      %parallel_loop3A_28 = arith.muli %parallel_loop3A_8, %parallel_loop3A_27 : i32
      %parallel_loop3A_29 = arith.constant 1024 : i32
      %parallel_loop3A_30 = arith.addi %parallel_loop3A_29, %parallel_loop3A_28 : i32
      %parallel_loop3A_31 = arith.index_cast %parallel_loop3A_30 : i32 to index
      %parallel_loop3A_32 = tpu.vector_load %arg7[%parallel_loop3A_31] {strides = array<i32>} : memref<32768xf32, #tpu.memory_space<vmem>>, vector<16xf32>,
      tpu.vector_store %arg7[%parallel_loop3A_31], %parallel_loop3A_26 {strides = array<i32>} : memref<32768xf32, #tpu.memory_space<vmem>>, vector<16xf32>,
      %parallel_loop3A_33 = arith.constant 34816 : i32
      %parallel_loop3A_34 = vector.broadcast %parallel_loop3A_33 : i32 to vector<16xi32>
      %parallel_loop3A_35 = arith.addi %parallel_loop3A_12, %parallel_loop3A_34 : vector<16xi32>
      %parallel_loop3A_36 = tpu.vector_load_idx %arg5[%parallel_loop3A_35] : memref<65536xf32, #tpu.memory_space<vmem>>[vector<16xi32>], vector<16xf32>,
      %parallel_loop3A_37 = arith.constant 16 : i32
      %parallel_loop3A_38 = arith.muli %parallel_loop3A_8, %parallel_loop3A_37 : i32
      %parallel_loop3A_39 = arith.constant 2048 : i32
      %parallel_loop3A_40 = arith.addi %parallel_loop3A_39, %parallel_loop3A_38 : i32
      %parallel_loop3A_41 = arith.index_cast %parallel_loop3A_40 : i32 to index
      %parallel_loop3A_42 = tpu.vector_load %arg7[%parallel_loop3A_41] {strides = array<i32>} : memref<32768xf32, #tpu.memory_space<vmem>>, vector<16xf32>,
      tpu.vector_store %arg7[%parallel_loop3A_41], %parallel_loop3A_36 {strides = array<i32>} : memref<32768xf32, #tpu.memory_space<vmem>>, vector<16xf32>,
      %parallel_loop3A_43 = arith.constant 35840 : i32
      %parallel_loop3A_44 = vector.broadcast %parallel_loop3A_43 : i32 to vector<16xi32>
      %parallel_loop3A_45 = arith.addi %parallel_loop3A_12, %parallel_loop3A_44 : vector<16xi32>
      %parallel_loop3A_46 = tpu.vector_load_idx %arg5[%parallel_loop3A_45] : memref<65536xf32, #tpu.memory_space<vmem>>[vector<16xi32>], vector<16xf32>,
      %parallel_loop3A_47 = arith.constant 16 : i32
      %parallel_loop3A_48 = arith.muli %parallel_loop3A_8, %parallel_loop3A_47 : i32
      %parallel_loop3A_49 = arith.constant 3072 : i32
      %parallel_loop3A_50 = arith.addi %parallel_loop3A_49, %parallel_loop3A_48 : i32
      %parallel_loop3A_51 = arith.index_cast %parallel_loop3A_50 : i32 to index
      %parallel_loop3A_52 = tpu.vector_load %arg7[%parallel_loop3A_51] {strides = array<i32>} : memref<32768xf32, #tpu.memory_space<vmem>>, vector<16xf32>,
      tpu.vector_store %arg7[%parallel_loop3A_51], %parallel_loop3A_46 {strides = array<i32>} : memref<32768xf32, #tpu.memory_space<vmem>>, vector<16xf32>,
      %parallel_loop3A_53 = arith.constant 36864 : i32
      %parallel_loop3A_54 = vector.broadcast %parallel_loop3A_53 : i32 to vector<16xi32>
      %parallel_loop3A_55 = arith.addi %parallel_loop3A_12, %parallel_loop3A_54 : vector<16xi32>
      %parallel_loop3A_56 = tpu.vector_load_idx %arg5[%parallel_loop3A_55] : memref<65536xf32, #tpu.memory_space<vmem>>[vector<16xi32>], vector<16xf32>,
      %parallel_loop3A_57 = arith.constant 16 : i32
      %parallel_loop3A_58 = arith.muli %parallel_loop3A_8, %parallel_loop3A_57 : i32
      %parallel_loop3A_59 = arith.constant 4096 : i32
      %parallel_loop3A_60 = arith.addi %parallel_loop3A_59, %parallel_loop3A_58 : i32
      %parallel_loop3A_61 = arith.index_cast %parallel_loop3A_60 : i32 to index
      %parallel_loop3A_62 = tpu.vector_load %arg7[%parallel_loop3A_61] {strides = array<i32>} : memref<32768xf32, #tpu.memory_space<vmem>>, vector<16xf32>,
      tpu.vector_store %arg7[%parallel_loop3A_61], %parallel_loop3A_56 {strides = array<i32>} : memref<32768xf32, #tpu.memory_space<vmem>>, vector<16xf32>,
      %parallel_loop3A_63 = arith.constant 37888 : i32
      %parallel_loop3A_64 = vector.broadcast %parallel_loop3A_63 : i32 to vector<16xi32>
      %parallel_loop3A_65 = arith.addi %parallel_loop3A_12, %parallel_loop3A_64 : vector<16xi32>
      %parallel_loop3A_66 = tpu.vector_load_idx %arg5[%parallel_loop3A_65] : memref<65536xf32, #tpu.memory_space<vmem>>[vector<16xi32>], vector<16xf32>,
      %parallel_loop3A_67 = arith.constant 16 : i32
      %parallel_loop3A_68 = arith.muli %parallel_loop3A_8, %parallel_loop3A_67 : i32
      %parallel_loop3A_69 = arith.constant 5120 : i32
      %parallel_loop3A_70 = arith.addi %parallel_loop3A_69, %parallel_loop3A_68 : i32
      %parallel_loop3A_71 = arith.index_cast %parallel_loop3A_70 : i32 to index
      %parallel_loop3A_72 = tpu.vector_load %arg7[%parallel_loop3A_71] {strides = array<i32>} : memref<32768xf32, #tpu.memory_space<vmem>>, vector<16xf32>,
      tpu.vector_store %arg7[%parallel_loop3A_71], %parallel_loop3A_66 {strides = array<i32>} : memref<32768xf32, #tpu.memory_space<vmem>>, vector<16xf32>,
      %parallel_loop3A_73 = arith.constant 38912 : i32
      %parallel_loop3A_74 = vector.broadcast %parallel_loop3A_73 : i32 to vector<16xi32>
      %parallel_loop3A_75 = arith.addi %parallel_loop3A_12, %parallel_loop3A_74 : vector<16xi32>
      %parallel_loop3A_76 = tpu.vector_load_idx %arg5[%parallel_loop3A_75] : memref<65536xf32, #tpu.memory_space<vmem>>[vector<16xi32>], vector<16xf32>,
      %parallel_loop3A_77 = arith.constant 16 : i32
      %parallel_loop3A_78 = arith.muli %parallel_loop3A_8, %parallel_loop3A_77 : i32
      %parallel_loop3A_79 = arith.constant 6144 : i32
      %parallel_loop3A_80 = arith.addi %parallel_loop3A_79, %parallel_loop3A_78 : i32
      %parallel_loop3A_81 = arith.index_cast %parallel_loop3A_80 : i32 to index
      %parallel_loop3A_82 = tpu.vector_load %arg7[%parallel_loop3A_81] {strides = array<i32>} : memref<32768xf32, #tpu.memory_space<vmem>>, vector<16xf32>,
      tpu.vector_store %arg7[%parallel_loop3A_81], %parallel_loop3A_76 {strides = array<i32>} : memref<32768xf32, #tpu.memory_space<vmem>>, vector<16xf32>,
      %parallel_loop3A_83 = arith.constant 39936 : i32
      %parallel_loop3A_84 = vector.broadcast %parallel_loop3A_83 : i32 to vector<16xi32>
      %parallel_loop3A_85 = arith.addi %parallel_loop3A_12, %parallel_loop3A_84 : vector<16xi32>
      %parallel_loop3A_86 = tpu.vector_load_idx %arg5[%parallel_loop3A_85] : memref<65536xf32, #tpu.memory_space<vmem>>[vector<16xi32>], vector<16xf32>,
      %parallel_loop3A_87 = arith.constant 16 : i32
      %parallel_loop3A_88 = arith.muli %parallel_loop3A_8, %parallel_loop3A_87 : i32
      %parallel_loop3A_89 = arith.constant 7168 : i32
      %parallel_loop3A_90 = arith.addi %parallel_loop3A_89, %parallel_loop3A_88 : i32
      %parallel_loop3A_91 = arith.index_cast %parallel_loop3A_90 : i32 to index
      %parallel_loop3A_92 = tpu.vector_load %arg7[%parallel_loop3A_91] {strides = array<i32>} : memref<32768xf32, #tpu.memory_space<vmem>>, vector<16xf32>,
      tpu.vector_store %arg7[%parallel_loop3A_91], %parallel_loop3A_86 {strides = array<i32>} : memref<32768xf32, #tpu.memory_space<vmem>>, vector<16xf32>,
      %parallel_loop3A_93 = arith.constant 40960 : i32
      %parallel_loop3A_94 = vector.broadcast %parallel_loop3A_93 : i32 to vector<16xi32>
      %parallel_loop3A_95 = arith.addi %parallel_loop3A_12, %parallel_loop3A_94 : vector<16xi32>
      %parallel_loop3A_96 = tpu.vector_load_idx %arg5[%parallel_loop3A_95] : memref<65536xf32, #tpu.memory_space<vmem>>[vector<16xi32>], vector<16xf32>,
      %parallel_loop3A_97 = arith.constant 16 : i32
      %parallel_loop3A_98 = arith.muli %parallel_loop3A_8, %parallel_loop3A_97 : i32
      %parallel_loop3A_99 = arith.constant 8192 : i32
      %parallel_loop3A_100 = arith.addi %parallel_loop3A_99, %parallel_loop3A_98 : i32
      %parallel_loop3A_101 = arith.index_cast %parallel_loop3A_100 : i32 to index
      %parallel_loop3A_102 = tpu.vector_load %arg7[%parallel_loop3A_101] {strides = array<i32>} : memref<32768xf32, #tpu.memory_space<vmem>>, vector<16xf32>,
      tpu.vector_store %arg7[%parallel_loop3A_101], %parallel_loop3A_96 {strides = array<i32>} : memref<32768xf32, #tpu.memory_space<vmem>>, vector<16xf32>,
      %parallel_loop3A_103 = arith.constant 41984 : i32
      %parallel_loop3A_104 = vector.broadcast %parallel_loop3A_103 : i32 to vector<16xi32>
      %parallel_loop3A_105 = arith.addi %parallel_loop3A_12, %parallel_loop3A_104 : vector<16xi32>
      %parallel_loop3A_106 = tpu.vector_load_idx %arg5[%parallel_loop3A_105] : memref<65536xf32, #tpu.memory_space<vmem>>[vector<16xi32>], vector<16xf32>,
      %parallel_loop3A_107 = arith.constant 16 : i32
      %parallel_loop3A_108 = arith.muli %parallel_loop3A_8, %parallel_loop3A_107 : i32
      %parallel_loop3A_109 = arith.constant 9216 : i32
      %parallel_loop3A_110 = arith.addi %parallel_loop3A_109, %parallel_loop3A_108 : i32
      %parallel_loop3A_111 = arith.index_cast %parallel_loop3A_110 : i32 to index
      %parallel_loop3A_112 = tpu.vector_load %arg7[%parallel_loop3A_111] {strides = array<i32>} : memref<32768xf32, #tpu.memory_space<vmem>>, vector<16xf32>,
      tpu.vector_store %arg7[%parallel_loop3A_111], %parallel_loop3A_106 {strides = array<i32>} : memref<32768xf32, #tpu.memory_space<vmem>>, vector<16xf32>,
      %parallel_loop3A_113 = arith.constant 43008 : i32
      %parallel_loop3A_114 = vector.broadcast %parallel_loop3A_113 : i32 to vector<16xi32>
      %parallel_loop3A_115 = arith.addi %parallel_loop3A_12, %parallel_loop3A_114 : vector<16xi32>
      %parallel_loop3A_116 = tpu.vector_load_idx %arg5[%parallel_loop3A_115] : memref<65536xf32, #tpu.memory_space<vmem>>[vector<16xi32>], vector<16xf32>,
      %parallel_loop3A_117 = arith.constant 16 : i32
      %parallel_loop3A_118 = arith.muli %parallel_loop3A_8, %parallel_loop3A_117 : i32
      %parallel_loop3A_119 = arith.constant 10240 : i32
      %parallel_loop3A_120 = arith.addi %parallel_loop3A_119, %parallel_loop3A_118 : i32
      %parallel_loop3A_121 = arith.index_cast %parallel_loop3A_120 : i32 to index
      %parallel_loop3A_122 = tpu.vector_load %arg7[%parallel_loop3A_121] {strides = array<i32>} : memref<32768xf32, #tpu.memory_space<vmem>>, vector<16xf32>,
      tpu.vector_store %arg7[%parallel_loop3A_121], %parallel_loop3A_116 {strides = array<i32>} : memref<32768xf32, #tpu.memory_space<vmem>>, vector<16xf32>,
      %parallel_loop3A_123 = arith.constant 44032 : i32
      %parallel_loop3A_124 = vector.broadcast %parallel_loop3A_123 : i32 to vector<16xi32>
      %parallel_loop3A_125 = arith.addi %parallel_loop3A_12, %parallel_loop3A_124 : vector<16xi32>
      %parallel_loop3A_126 = tpu.vector_load_idx %arg5[%parallel_loop3A_125] : memref<65536xf32, #tpu.memory_space<vmem>>[vector<16xi32>], vector<16xf32>,
      %parallel_loop3A_127 = arith.constant 16 : i32
      %parallel_loop3A_128 = arith.muli %parallel_loop3A_8, %parallel_loop3A_127 : i32
      %parallel_loop3A_129 = arith.constant 11264 : i32
      %parallel_loop3A_130 = arith.addi %parallel_loop3A_129, %parallel_loop3A_128 : i32
      %parallel_loop3A_131 = arith.index_cast %parallel_loop3A_130 : i32 to index
      %parallel_loop3A_132 = tpu.vector_load %arg7[%parallel_loop3A_131] {strides = array<i32>} : memref<32768xf32, #tpu.memory_space<vmem>>, vector<16xf32>,
      tpu.vector_store %arg7[%parallel_loop3A_131], %parallel_loop3A_126 {strides = array<i32>} : memref<32768xf32, #tpu.memory_space<vmem>>, vector<16xf32>,
      %parallel_loop3A_133 = arith.constant 45056 : i32
      %parallel_loop3A_134 = vector.broadcast %parallel_loop3A_133 : i32 to vector<16xi32>
      %parallel_loop3A_135 = arith.addi %parallel_loop3A_12, %parallel_loop3A_134 : vector<16xi32>
      %parallel_loop3A_136 = tpu.vector_load_idx %arg5[%parallel_loop3A_135] : memref<65536xf32, #tpu.memory_space<vmem>>[vector<16xi32>], vector<16xf32>,
      %parallel_loop3A_137 = arith.constant 16 : i32
      %parallel_loop3A_138 = arith.muli %parallel_loop3A_8, %parallel_loop3A_137 : i32
      %parallel_loop3A_139 = arith.constant 12288 : i32
      %parallel_loop3A_140 = arith.addi %parallel_loop3A_139, %parallel_loop3A_138 : i32
      %parallel_loop3A_141 = arith.index_cast %parallel_loop3A_140 : i32 to index
      %parallel_loop3A_142 = tpu.vector_load %arg7[%parallel_loop3A_141] {strides = array<i32>} : memref<32768xf32, #tpu.memory_space<vmem>>, vector<16xf32>,
      tpu.vector_store %arg7[%parallel_loop3A_141], %parallel_loop3A_136 {strides = array<i32>} : memref<32768xf32, #tpu.memory_space<vmem>>, vector<16xf32>,
      %parallel_loop3A_143 = arith.constant 46080 : i32
      %parallel_loop3A_144 = vector.broadcast %parallel_loop3A_143 : i32 to vector<16xi32>
      %parallel_loop3A_145 = arith.addi %parallel_loop3A_12, %parallel_loop3A_144 : vector<16xi32>
      %parallel_loop3A_146 = tpu.vector_load_idx %arg5[%parallel_loop3A_145] : memref<65536xf32, #tpu.memory_space<vmem>>[vector<16xi32>], vector<16xf32>,
      %parallel_loop3A_147 = arith.constant 16 : i32
      %parallel_loop3A_148 = arith.muli %parallel_loop3A_8, %parallel_loop3A_147 : i32
      %parallel_loop3A_149 = arith.constant 13312 : i32
      %parallel_loop3A_150 = arith.addi %parallel_loop3A_149, %parallel_loop3A_148 : i32
      %parallel_loop3A_151 = arith.index_cast %parallel_loop3A_150 : i32 to index
      %parallel_loop3A_152 = tpu.vector_load %arg7[%parallel_loop3A_151] {strides = array<i32>} : memref<32768xf32, #tpu.memory_space<vmem>>, vector<16xf32>,
      tpu.vector_store %arg7[%parallel_loop3A_151], %parallel_loop3A_146 {strides = array<i32>} : memref<32768xf32, #tpu.memory_space<vmem>>, vector<16xf32>,
      %parallel_loop3A_153 = arith.constant 47104 : i32
      %parallel_loop3A_154 = vector.broadcast %parallel_loop3A_153 : i32 to vector<16xi32>
      %parallel_loop3A_155 = arith.addi %parallel_loop3A_12, %parallel_loop3A_154 : vector<16xi32>
      %parallel_loop3A_156 = tpu.vector_load_idx %arg5[%parallel_loop3A_155] : memref<65536xf32, #tpu.memory_space<vmem>>[vector<16xi32>], vector<16xf32>,
      %parallel_loop3A_157 = arith.constant 16 : i32
      %parallel_loop3A_158 = arith.muli %parallel_loop3A_8, %parallel_loop3A_157 : i32
      %parallel_loop3A_159 = arith.constant 14336 : i32
      %parallel_loop3A_160 = arith.addi %parallel_loop3A_159, %parallel_loop3A_158 : i32
      %parallel_loop3A_161 = arith.index_cast %parallel_loop3A_160 : i32 to index
      %parallel_loop3A_162 = tpu.vector_load %arg7[%parallel_loop3A_161] {strides = array<i32>} : memref<32768xf32, #tpu.memory_space<vmem>>, vector<16xf32>,
      tpu.vector_store %arg7[%parallel_loop3A_161], %parallel_loop3A_156 {strides = array<i32>} : memref<32768xf32, #tpu.memory_space<vmem>>, vector<16xf32>,
      %parallel_loop3A_163 = arith.constant 48128 : i32
      %parallel_loop3A_164 = vector.broadcast %parallel_loop3A_163 : i32 to vector<16xi32>
      %parallel_loop3A_165 = arith.addi %parallel_loop3A_12, %parallel_loop3A_164 : vector<16xi32>
      %parallel_loop3A_166 = tpu.vector_load_idx %arg5[%parallel_loop3A_165] : memref<65536xf32, #tpu.memory_space<vmem>>[vector<16xi32>], vector<16xf32>,
      %parallel_loop3A_167 = arith.constant 16 : i32
      %parallel_loop3A_168 = arith.muli %parallel_loop3A_8, %parallel_loop3A_167 : i32
      %parallel_loop3A_169 = arith.constant 15360 : i32
      %parallel_loop3A_170 = arith.addi %parallel_loop3A_169, %parallel_loop3A_168 : i32
      %parallel_loop3A_171 = arith.index_cast %parallel_loop3A_170 : i32 to index
      %parallel_loop3A_172 = tpu.vector_load %arg7[%parallel_loop3A_171] {strides = array<i32>} : memref<32768xf32, #tpu.memory_space<vmem>>, vector<16xf32>,
      tpu.vector_store %arg7[%parallel_loop3A_171], %parallel_loop3A_166 {strides = array<i32>} : memref<32768xf32, #tpu.memory_space<vmem>>, vector<16xf32>,
      %parallel_loop3A_173 = arith.constant 49152 : i32
      %parallel_loop3A_174 = vector.broadcast %parallel_loop3A_173 : i32 to vector<16xi32>
      %parallel_loop3A_175 = arith.addi %parallel_loop3A_12, %parallel_loop3A_174 : vector<16xi32>
      %parallel_loop3A_176 = tpu.vector_load_idx %arg5[%parallel_loop3A_175] : memref<65536xf32, #tpu.memory_space<vmem>>[vector<16xi32>], vector<16xf32>,
      %parallel_loop3A_177 = arith.constant 16 : i32
      %parallel_loop3A_178 = arith.muli %parallel_loop3A_8, %parallel_loop3A_177 : i32
      %parallel_loop3A_179 = arith.constant 16384 : i32
      %parallel_loop3A_180 = arith.addi %parallel_loop3A_179, %parallel_loop3A_178 : i32
      %parallel_loop3A_181 = arith.index_cast %parallel_loop3A_180 : i32 to index
      %parallel_loop3A_182 = tpu.vector_load %arg7[%parallel_loop3A_181] {strides = array<i32>} : memref<32768xf32, #tpu.memory_space<vmem>>, vector<16xf32>,
      tpu.vector_store %arg7[%parallel_loop3A_181], %parallel_loop3A_176 {strides = array<i32>} : memref<32768xf32, #tpu.memory_space<vmem>>, vector<16xf32>,
      %parallel_loop3A_183 = arith.constant 50176 : i32
      %parallel_loop3A_184 = vector.broadcast %parallel_loop3A_183 : i32 to vector<16xi32>
      %parallel_loop3A_185 = arith.addi %parallel_loop3A_12, %parallel_loop3A_184 : vector<16xi32>
      %parallel_loop3A_186 = tpu.vector_load_idx %arg5[%parallel_loop3A_185] : memref<65536xf32, #tpu.memory_space<vmem>>[vector<16xi32>], vector<16xf32>,
      %parallel_loop3A_187 = arith.constant 16 : i32
      %parallel_loop3A_188 = arith.muli %parallel_loop3A_8, %parallel_loop3A_187 : i32
      %parallel_loop3A_189 = arith.constant 17408 : i32
      %parallel_loop3A_190 = arith.addi %parallel_loop3A_189, %parallel_loop3A_188 : i32
      %parallel_loop3A_191 = arith.index_cast %parallel_loop3A_190 : i32 to index
      %parallel_loop3A_192 = tpu.vector_load %arg7[%parallel_loop3A_191] {strides = array<i32>} : memref<32768xf32, #tpu.memory_space<vmem>>, vector<16xf32>,
      tpu.vector_store %arg7[%parallel_loop3A_191], %parallel_loop3A_186 {strides = array<i32>} : memref<32768xf32, #tpu.memory_space<vmem>>, vector<16xf32>,
      %parallel_loop3A_193 = arith.constant 51200 : i32
      %parallel_loop3A_194 = vector.broadcast %parallel_loop3A_193 : i32 to vector<16xi32>
      %parallel_loop3A_195 = arith.addi %parallel_loop3A_12, %parallel_loop3A_194 : vector<16xi32>
      %parallel_loop3A_196 = tpu.vector_load_idx %arg5[%parallel_loop3A_195] : memref<65536xf32, #tpu.memory_space<vmem>>[vector<16xi32>], vector<16xf32>,
      %parallel_loop3A_197 = arith.constant 16 : i32
      %parallel_loop3A_198 = arith.muli %parallel_loop3A_8, %parallel_loop3A_197 : i32
      %parallel_loop3A_199 = arith.constant 18432 : i32
      %parallel_loop3A_200 = arith.addi %parallel_loop3A_199, %parallel_loop3A_198 : i32
      %parallel_loop3A_201 = arith.index_cast %parallel_loop3A_200 : i32 to index
      %parallel_loop3A_202 = tpu.vector_load %arg7[%parallel_loop3A_201] {strides = array<i32>} : memref<32768xf32, #tpu.memory_space<vmem>>, vector<16xf32>,
      tpu.vector_store %arg7[%parallel_loop3A_201], %parallel_loop3A_196 {strides = array<i32>} : memref<32768xf32, #tpu.memory_space<vmem>>, vector<16xf32>,
      %parallel_loop3A_203 = arith.constant 52224 : i32
      %parallel_loop3A_204 = vector.broadcast %parallel_loop3A_203 : i32 to vector<16xi32>
      %parallel_loop3A_205 = arith.addi %parallel_loop3A_12, %parallel_loop3A_204 : vector<16xi32>
      %parallel_loop3A_206 = tpu.vector_load_idx %arg5[%parallel_loop3A_205] : memref<65536xf32, #tpu.memory_space<vmem>>[vector<16xi32>], vector<16xf32>,
      %parallel_loop3A_207 = arith.constant 16 : i32
      %parallel_loop3A_208 = arith.muli %parallel_loop3A_8, %parallel_loop3A_207 : i32
      %parallel_loop3A_209 = arith.constant 19456 : i32
      %parallel_loop3A_210 = arith.addi %parallel_loop3A_209, %parallel_loop3A_208 : i32
      %parallel_loop3A_211 = arith.index_cast %parallel_loop3A_210 : i32 to index
      %parallel_loop3A_212 = tpu.vector_load %arg7[%parallel_loop3A_211] {strides = array<i32>} : memref<32768xf32, #tpu.memory_space<vmem>>, vector<16xf32>,
      tpu.vector_store %arg7[%parallel_loop3A_211], %parallel_loop3A_206 {strides = array<i32>} : memref<32768xf32, #tpu.memory_space<vmem>>, vector<16xf32>,
      %parallel_loop3A_213 = arith.constant 53248 : i32
      %parallel_loop3A_214 = vector.broadcast %parallel_loop3A_213 : i32 to vector<16xi32>
      %parallel_loop3A_215 = arith.addi %parallel_loop3A_12, %parallel_loop3A_214 : vector<16xi32>
      %parallel_loop3A_216 = tpu.vector_load_idx %arg5[%parallel_loop3A_215] : memref<65536xf32, #tpu.memory_space<vmem>>[vector<16xi32>], vector<16xf32>,
      %parallel_loop3A_217 = arith.constant 16 : i32
      %parallel_loop3A_218 = arith.muli %parallel_loop3A_8, %parallel_loop3A_217 : i32
      %parallel_loop3A_219 = arith.constant 20480 : i32
      %parallel_loop3A_220 = arith.addi %parallel_loop3A_219, %parallel_loop3A_218 : i32
      %parallel_loop3A_221 = arith.index_cast %parallel_loop3A_220 : i32 to index
      %parallel_loop3A_222 = tpu.vector_load %arg7[%parallel_loop3A_221] {strides = array<i32>} : memref<32768xf32, #tpu.memory_space<vmem>>, vector<16xf32>,
      tpu.vector_store %arg7[%parallel_loop3A_221], %parallel_loop3A_216 {strides = array<i32>} : memref<32768xf32, #tpu.memory_space<vmem>>, vector<16xf32>,
      %parallel_loop3A_223 = arith.constant 54272 : i32
      %parallel_loop3A_224 = vector.broadcast %parallel_loop3A_223 : i32 to vector<16xi32>
      %parallel_loop3A_225 = arith.addi %parallel_loop3A_12, %parallel_loop3A_224 : vector<16xi32>
      %parallel_loop3A_226 = tpu.vector_load_idx %arg5[%parallel_loop3A_225] : memref<65536xf32, #tpu.memory_space<vmem>>[vector<16xi32>], vector<16xf32>,
      %parallel_loop3A_227 = arith.constant 16 : i32
      %parallel_loop3A_228 = arith.muli %parallel_loop3A_8, %parallel_loop3A_227 : i32
      %parallel_loop3A_229 = arith.constant 21504 : i32
      %parallel_loop3A_230 = arith.addi %parallel_loop3A_229, %parallel_loop3A_228 : i32
      %parallel_loop3A_231 = arith.index_cast %parallel_loop3A_230 : i32 to index
      %parallel_loop3A_232 = tpu.vector_load %arg7[%parallel_loop3A_231] {strides = array<i32>} : memref<32768xf32, #tpu.memory_space<vmem>>, vector<16xf32>,
      tpu.vector_store %arg7[%parallel_loop3A_231], %parallel_loop3A_226 {strides = array<i32>} : memref<32768xf32, #tpu.memory_space<vmem>>, vector<16xf32>,
      %parallel_loop3A_233 = arith.constant 55296 : i32
      %parallel_loop3A_234 = vector.broadcast %parallel_loop3A_233 : i32 to vector<16xi32>
      %parallel_loop3A_235 = arith.addi %parallel_loop3A_12, %parallel_loop3A_234 : vector<16xi32>
      %parallel_loop3A_236 = tpu.vector_load_idx %arg5[%parallel_loop3A_235] : memref<65536xf32, #tpu.memory_space<vmem>>[vector<16xi32>], vector<16xf32>,
      %parallel_loop3A_237 = arith.constant 16 : i32
      %parallel_loop3A_238 = arith.muli %parallel_loop3A_8, %parallel_loop3A_237 : i32
      %parallel_loop3A_239 = arith.constant 22528 : i32
      %parallel_loop3A_240 = arith.addi %parallel_loop3A_239, %parallel_loop3A_238 : i32
      %parallel_loop3A_241 = arith.index_cast %parallel_loop3A_240 : i32 to index
      %parallel_loop3A_242 = tpu.vector_load %arg7[%parallel_loop3A_241] {strides = array<i32>} : memref<32768xf32, #tpu.memory_space<vmem>>, vector<16xf32>,
      tpu.vector_store %arg7[%parallel_loop3A_241], %parallel_loop3A_236 {strides = array<i32>} : memref<32768xf32, #tpu.memory_space<vmem>>, vector<16xf32>,
      %parallel_loop3A_243 = arith.constant 56320 : i32
      %parallel_loop3A_244 = vector.broadcast %parallel_loop3A_243 : i32 to vector<16xi32>
      %parallel_loop3A_245 = arith.addi %parallel_loop3A_12, %parallel_loop3A_244 : vector<16xi32>
      %parallel_loop3A_246 = tpu.vector_load_idx %arg5[%parallel_loop3A_245] : memref<65536xf32, #tpu.memory_space<vmem>>[vector<16xi32>], vector<16xf32>,
      %parallel_loop3A_247 = arith.constant 16 : i32
      %parallel_loop3A_248 = arith.muli %parallel_loop3A_8, %parallel_loop3A_247 : i32
      %parallel_loop3A_249 = arith.constant 23552 : i32
      %parallel_loop3A_250 = arith.addi %parallel_loop3A_249, %parallel_loop3A_248 : i32
      %parallel_loop3A_251 = arith.index_cast %parallel_loop3A_250 : i32 to index
      %parallel_loop3A_252 = tpu.vector_load %arg7[%parallel_loop3A_251] {strides = array<i32>} : memref<32768xf32, #tpu.memory_space<vmem>>, vector<16xf32>,
      tpu.vector_store %arg7[%parallel_loop3A_251], %parallel_loop3A_246 {strides = array<i32>} : memref<32768xf32, #tpu.memory_space<vmem>>, vector<16xf32>,
      %parallel_loop3A_253 = arith.constant 57344 : i32
      %parallel_loop3A_254 = vector.broadcast %parallel_loop3A_253 : i32 to vector<16xi32>
      %parallel_loop3A_255 = arith.addi %parallel_loop3A_12, %parallel_loop3A_254 : vector<16xi32>
      %parallel_loop3A_256 = tpu.vector_load_idx %arg5[%parallel_loop3A_255] : memref<65536xf32, #tpu.memory_space<vmem>>[vector<16xi32>], vector<16xf32>,
      %parallel_loop3A_257 = arith.constant 16 : i32
      %parallel_loop3A_258 = arith.muli %parallel_loop3A_8, %parallel_loop3A_257 : i32
      %parallel_loop3A_259 = arith.constant 24576 : i32
      %parallel_loop3A_260 = arith.addi %parallel_loop3A_259, %parallel_loop3A_258 : i32
      %parallel_loop3A_261 = arith.index_cast %parallel_loop3A_260 : i32 to index
      %parallel_loop3A_262 = tpu.vector_load %arg7[%parallel_loop3A_261] {strides = array<i32>} : memref<32768xf32, #tpu.memory_space<vmem>>, vector<16xf32>,
      tpu.vector_store %arg7[%parallel_loop3A_261], %parallel_loop3A_256 {strides = array<i32>} : memref<32768xf32, #tpu.memory_space<vmem>>, vector<16xf32>,
      %parallel_loop3A_263 = arith.constant 58368 : i32
      %parallel_loop3A_264 = vector.broadcast %parallel_loop3A_263 : i32 to vector<16xi32>
      %parallel_loop3A_265 = arith.addi %parallel_loop3A_12, %parallel_loop3A_264 : vector<16xi32>
      %parallel_loop3A_266 = tpu.vector_load_idx %arg5[%parallel_loop3A_265] : memref<65536xf32, #tpu.memory_space<vmem>>[vector<16xi32>], vector<16xf32>,
      %parallel_loop3A_267 = arith.constant 16 : i32
      %parallel_loop3A_268 = arith.muli %parallel_loop3A_8, %parallel_loop3A_267 : i32
      %parallel_loop3A_269 = arith.constant 25600 : i32
      %parallel_loop3A_270 = arith.addi %parallel_loop3A_269, %parallel_loop3A_268 : i32
      %parallel_loop3A_271 = arith.index_cast %parallel_loop3A_270 : i32 to index
      %parallel_loop3A_272 = tpu.vector_load %arg7[%parallel_loop3A_271] {strides = array<i32>} : memref<32768xf32, #tpu.memory_space<vmem>>, vector<16xf32>,
      tpu.vector_store %arg7[%parallel_loop3A_271], %parallel_loop3A_266 {strides = array<i32>} : memref<32768xf32, #tpu.memory_space<vmem>>, vector<16xf32>,
      %parallel_loop3A_273 = arith.constant 59392 : i32
      %parallel_loop3A_274 = vector.broadcast %parallel_loop3A_273 : i32 to vector<16xi32>
      %parallel_loop3A_275 = arith.addi %parallel_loop3A_12, %parallel_loop3A_274 : vector<16xi32>
      %parallel_loop3A_276 = tpu.vector_load_idx %arg5[%parallel_loop3A_275] : memref<65536xf32, #tpu.memory_space<vmem>>[vector<16xi32>], vector<16xf32>,
      %parallel_loop3A_277 = arith.constant 16 : i32
      %parallel_loop3A_278 = arith.muli %parallel_loop3A_8, %parallel_loop3A_277 : i32
      %parallel_loop3A_279 = arith.constant 26624 : i32
      %parallel_loop3A_280 = arith.addi %parallel_loop3A_279, %parallel_loop3A_278 : i32
      %parallel_loop3A_281 = arith.index_cast %parallel_loop3A_280 : i32 to index
      %parallel_loop3A_282 = tpu.vector_load %arg7[%parallel_loop3A_281] {strides = array<i32>} : memref<32768xf32, #tpu.memory_space<vmem>>, vector<16xf32>,
      tpu.vector_store %arg7[%parallel_loop3A_281], %parallel_loop3A_276 {strides = array<i32>} : memref<32768xf32, #tpu.memory_space<vmem>>, vector<16xf32>,
      %parallel_loop3A_283 = arith.constant 60416 : i32
      %parallel_loop3A_284 = vector.broadcast %parallel_loop3A_283 : i32 to vector<16xi32>
      %parallel_loop3A_285 = arith.addi %parallel_loop3A_12, %parallel_loop3A_284 : vector<16xi32>
      %parallel_loop3A_286 = tpu.vector_load_idx %arg5[%parallel_loop3A_285] : memref<65536xf32, #tpu.memory_space<vmem>>[vector<16xi32>], vector<16xf32>,
      %parallel_loop3A_287 = arith.constant 16 : i32
      %parallel_loop3A_288 = arith.muli %parallel_loop3A_8, %parallel_loop3A_287 : i32
      %parallel_loop3A_289 = arith.constant 27648 : i32
      %parallel_loop3A_290 = arith.addi %parallel_loop3A_289, %parallel_loop3A_288 : i32
      %parallel_loop3A_291 = arith.index_cast %parallel_loop3A_290 : i32 to index
      %parallel_loop3A_292 = tpu.vector_load %arg7[%parallel_loop3A_291] {strides = array<i32>} : memref<32768xf32, #tpu.memory_space<vmem>>, vector<16xf32>,
      tpu.vector_store %arg7[%parallel_loop3A_291], %parallel_loop3A_286 {strides = array<i32>} : memref<32768xf32, #tpu.memory_space<vmem>>, vector<16xf32>,
      %parallel_loop3A_293 = arith.constant 61440 : i32
      %parallel_loop3A_294 = vector.broadcast %parallel_loop3A_293 : i32 to vector<16xi32>
      %parallel_loop3A_295 = arith.addi %parallel_loop3A_12, %parallel_loop3A_294 : vector<16xi32>
      %parallel_loop3A_296 = tpu.vector_load_idx %arg5[%parallel_loop3A_295] : memref<65536xf32, #tpu.memory_space<vmem>>[vector<16xi32>], vector<16xf32>,
      %parallel_loop3A_297 = arith.constant 16 : i32
      %parallel_loop3A_298 = arith.muli %parallel_loop3A_8, %parallel_loop3A_297 : i32
      %parallel_loop3A_299 = arith.constant 28672 : i32
      %parallel_loop3A_300 = arith.addi %parallel_loop3A_299, %parallel_loop3A_298 : i32
      %parallel_loop3A_301 = arith.index_cast %parallel_loop3A_300 : i32 to index
      %parallel_loop3A_302 = tpu.vector_load %arg7[%parallel_loop3A_301] {strides = array<i32>} : memref<32768xf32, #tpu.memory_space<vmem>>, vector<16xf32>,
      tpu.vector_store %arg7[%parallel_loop3A_301], %parallel_loop3A_296 {strides = array<i32>} : memref<32768xf32, #tpu.memory_space<vmem>>, vector<16xf32>,
      %parallel_loop3A_303 = arith.constant 62464 : i32
      %parallel_loop3A_304 = vector.broadcast %parallel_loop3A_303 : i32 to vector<16xi32>
      %parallel_loop3A_305 = arith.addi %parallel_loop3A_12, %parallel_loop3A_304 : vector<16xi32>
      %parallel_loop3A_306 = tpu.vector_load_idx %arg5[%parallel_loop3A_305] : memref<65536xf32, #tpu.memory_space<vmem>>[vector<16xi32>], vector<16xf32>,
      %parallel_loop3A_307 = arith.constant 16 : i32
      %parallel_loop3A_308 = arith.muli %parallel_loop3A_8, %parallel_loop3A_307 : i32
      %parallel_loop3A_309 = arith.constant 29696 : i32
      %parallel_loop3A_310 = arith.addi %parallel_loop3A_309, %parallel_loop3A_308 : i32
      %parallel_loop3A_311 = arith.index_cast %parallel_loop3A_310 : i32 to index
      %parallel_loop3A_312 = tpu.vector_load %arg7[%parallel_loop3A_311] {strides = array<i32>} : memref<32768xf32, #tpu.memory_space<vmem>>, vector<16xf32>,
      tpu.vector_store %arg7[%parallel_loop3A_311], %parallel_loop3A_306 {strides = array<i32>} : memref<32768xf32, #tpu.memory_space<vmem>>, vector<16xf32>,
      %parallel_loop3A_313 = arith.constant 63488 : i32
      %parallel_loop3A_314 = vector.broadcast %parallel_loop3A_313 : i32 to vector<16xi32>
      %parallel_loop3A_315 = arith.addi %parallel_loop3A_12, %parallel_loop3A_314 : vector<16xi32>
      %parallel_loop3A_316 = tpu.vector_load_idx %arg5[%parallel_loop3A_315] : memref<65536xf32, #tpu.memory_space<vmem>>[vector<16xi32>], vector<16xf32>,
      %parallel_loop3A_317 = arith.constant 16 : i32
      %parallel_loop3A_318 = arith.muli %parallel_loop3A_8, %parallel_loop3A_317 : i32
      %parallel_loop3A_319 = arith.constant 30720 : i32
      %parallel_loop3A_320 = arith.addi %parallel_loop3A_319, %parallel_loop3A_318 : i32
      %parallel_loop3A_321 = arith.index_cast %parallel_loop3A_320 : i32 to index
      %parallel_loop3A_322 = tpu.vector_load %arg7[%parallel_loop3A_321] {strides = array<i32>} : memref<32768xf32, #tpu.memory_space<vmem>>, vector<16xf32>,
      tpu.vector_store %arg7[%parallel_loop3A_321], %parallel_loop3A_316 {strides = array<i32>} : memref<32768xf32, #tpu.memory_space<vmem>>, vector<16xf32>,
      %parallel_loop3A_323 = arith.constant 64512 : i32
      %parallel_loop3A_324 = vector.broadcast %parallel_loop3A_323 : i32 to vector<16xi32>
      %parallel_loop3A_325 = arith.addi %parallel_loop3A_12, %parallel_loop3A_324 : vector<16xi32>
      %parallel_loop3A_326 = tpu.vector_load_idx %arg5[%parallel_loop3A_325] : memref<65536xf32, #tpu.memory_space<vmem>>[vector<16xi32>], vector<16xf32>,
      %parallel_loop3A_327 = arith.constant 16 : i32
      %parallel_loop3A_328 = arith.muli %parallel_loop3A_8, %parallel_loop3A_327 : i32
      %parallel_loop3A_329 = arith.constant 31744 : i32
      %parallel_loop3A_330 = arith.addi %parallel_loop3A_329, %parallel_loop3A_328 : i32
      %parallel_loop3A_331 = arith.index_cast %parallel_loop3A_330 : i32 to index
      %parallel_loop3A_332 = tpu.vector_load %arg7[%parallel_loop3A_331] {strides = array<i32>} : memref<32768xf32, #tpu.memory_space<vmem>>, vector<16xf32>,
      tpu.vector_store %arg7[%parallel_loop3A_331], %parallel_loop3A_326 {strides = array<i32>} : memref<32768xf32, #tpu.memory_space<vmem>>, vector<16xf32>,
    } {sc.loop_unroll_factor = 4 : i64, sc.parallel_access}
    "tpu.region"() ({
      %run_scoped3A = tpu.sem_alloc : memref<!tpu.dma_semaphore, #tpu.memory_space<semaphore_mem>>
      %dma_start3A = arith.constant 32768 : i32
      %dma_start3A_8 = tpu.memref_slice %arg4[%add3A, %dma_start3A] : memref<32x65536xf32, #tpu.memory_space<hbm>> -> memref<1x32768xf32, #tpu.memory_space<hbm>>
      %dma_start3A_9 = tpu.memref_squeeze %dma_start3A_8 : memref<1x32768xf32, #tpu.memory_space<hbm>> -> memref<32768xf32, #tpu.memory_space<hbm>>
      %dma_start3A_10 = arith.constant 32768 : i32
      %dma_start3A_11 = tpu.memref_slice %arg4[%add3A, %dma_start3A_10] : memref<32x65536xf32, #tpu.memory_space<hbm>> -> memref<1x32768xf32, #tpu.memory_space<hbm>>
      %dma_start3A_12 = tpu.memref_squeeze %dma_start3A_11 : memref<1x32768xf32, #tpu.memory_space<hbm>> -> memref<32768xf32, #tpu.memory_space<hbm>>
      tpu.enqueue_dma source(%arg7 : memref<32768xf32, #tpu.memory_space<vmem>>) target(%dma_start3A_12 : memref<32768xf32, #tpu.memory_space<hbm>>) target_semaphore(%run_scoped3A : memref<!tpu.dma_semaphore, #tpu.memory_space<semaphore_mem>>)
      %dma_wait3A = arith.constant 32768 : i32
      %dma_wait3A_13 = tpu.memref_slice %arg4[%add3A, %dma_wait3A] : memref<32x65536xf32, #tpu.memory_space<hbm>> -> memref<1x32768xf32, #tpu.memory_space<hbm>>
      %dma_wait3A_14 = tpu.memref_squeeze %dma_wait3A_13 : memref<1x32768xf32, #tpu.memory_space<hbm>> -> memref<32768xf32, #tpu.memory_space<hbm>>
      %dma_wait3A_15 = arith.constant 32768 : i32
      %dma_wait3A_16 = tpu.memref_slice %arg4[%add3A, %dma_wait3A_15] : memref<32x65536xf32, #tpu.memory_space<hbm>> -> memref<1x32768xf32, #tpu.memory_space<hbm>>
      %dma_wait3A_17 = tpu.memref_squeeze %dma_wait3A_16 : memref<1x32768xf32, #tpu.memory_space<hbm>> -> memref<32768xf32, #tpu.memory_space<hbm>>
      tpu.wait_dma2 semaphore(%run_scoped3A : memref<!tpu.dma_semaphore, #tpu.memory_space<semaphore_mem>>) src(%arg7 : memref<32768xf32, #tpu.memory_space<vmem>>) dst(%dma_wait3A_17 : memref<32768xf32, #tpu.memory_space<hbm>>)
      tpu.yield
    }) : () -> ()
    return
  }
}

module attributes {stable_mosaic.version = 14 : i64} {
  func.func @_vq_body(%arg0: i32, %arg1: memref<1x64x1024xf32, #tpu.memory_space<vmem>>, %arg2: memref<1x64x1024xf32, #tpu.memory_space<vmem>>, %arg3: memref<1024x64xf32, #tpu.memory_space<vmem>>, %arg4: memref<1x1x1024xi32, #tpu.memory_space<vmem>>, %arg5: memref<1x1x128xf32, #tpu.memory_space<vmem>>) attributes {dimension_semantics = [#tpu.dimension_semantics<arbitrary>], iteration_bounds = array<i64: 32>, scalar_prefetch = 0 : i64, scratch_operands = 0 : i64, tpu.core_type = #tpu.core_type<tc>, window_params = [{transform_indices = @transform_0, window_bounds = array<i64: 1, 64, 1024>}, {transform_indices = @transform_1, window_bounds = array<i64: 1, 64, 1024>}, {pipeline_mode = #tpu.pipeline_mode<synchronous>, transform_indices = @transform_2, window_bounds = array<i64: 1024, 64>}, {transform_indices = @transform_3, window_bounds = array<i64: 1, 1, 1024>}, {transform_indices = @transform_4, window_bounds = array<i64: 1, 1, 128>}]} {
    %get3A = arith.constant 0 : index
    %get3A_0 = arith.constant 0 : index
    %get3A_1 = vector.load %arg3[%get3A, %get3A_0] : memref<1024x64xf32, #tpu.memory_space<vmem>>, vector<1024x64xf32>
    %mul3A = arith.mulf %get3A_1, %get3A_1 : vector<1024x64xf32>
    %reduce_sum3A = arith.constant dense<0.000000e+00> : vector<1024xf32>
    %reduce_sum3A_2 = vector.multi_reduction <add>, %mul3A, %reduce_sum3A [1] : vector<1024x64xf32> to vector<1024xf32>
    %get3A_3 = arith.constant 0 : index
    %get3A_4 = arith.constant 0 : index
    %get3A_5 = arith.constant 0 : index
    %get3A_6 = vector.load %arg1[%get3A_3, %get3A_4, %get3A_5] : memref<1x64x1024xf32, #tpu.memory_space<vmem>>, vector<1x64x1024xf32>
    %get3A_7 = vector.shape_cast %get3A_6 : vector<1x64x1024xf32> to vector<64x1024xf32>
    %dot_general3A = arith.constant dense<0.000000e+00> : vector<1024x1024xf32>
    %dot_general3A_8 = tpu.matmul %get3A_1, %get3A_7, %dot_general3A {dimension_numbers = #tpu.dot_dimension_numbers<[1], [0], [0], [1], [0, 0, 1, 1], [], []>, transpose_lhs_hint = false} : vector<1024x64xf32>, vector<64x1024xf32>, vector<1024x1024xf32> -> vector<1024x1024xf32>
    %transpose3A = tpu.transpose %get3A_7, [1, 0] : vector<64x1024xf32> -> vector<1024x64xf32>
    %transpose3A_9 = tpu.transpose %get3A_7, [1, 0] : vector<64x1024xf32> -> vector<1024x64xf32>
    %mul3A_10 = arith.mulf %transpose3A, %transpose3A_9 : vector<1024x64xf32>
    %reduce_sum3A_11 = arith.constant dense<0.000000e+00> : vector<1024xf32>
    %reduce_sum3A_12 = vector.multi_reduction <add>, %mul3A_10, %reduce_sum3A_11 [1] : vector<1024x64xf32> to vector<1024xf32>
    %broadcast_in_dim3A = vector.shape_cast %reduce_sum3A_2 : vector<1024xf32> to vector<1024x1xf32>
    %broadcast_in_dim3A_13 = vector.shape_cast %reduce_sum3A_12 : vector<1024xf32> to vector<1x1024xf32>
    %add3A = vector.broadcast %broadcast_in_dim3A : vector<1024x1xf32> to vector<1024x1024xf32>
    %add3A_14 = vector.broadcast %broadcast_in_dim3A_13 : vector<1x1024xf32> to vector<1024x1024xf32>
    %add3A_15 = arith.addf %add3A, %add3A_14 : vector<1024x1024xf32>
    %mul3A_16 = arith.constant 2.000000e+00 : f32
    %mul3A_17 = vector.broadcast %mul3A_16 : f32 to vector<1024x1024xf32>
    %mul3A_18 = arith.mulf %mul3A_17, %dot_general3A_8 : vector<1024x1024xf32>
    %sub3A = arith.subf %add3A_15, %mul3A_18 : vector<1024x1024xf32>
    %get3A_19 = arith.constant 0 : index
    %get3A_20 = arith.constant 0 : index
    %get3A_21 = arith.constant 0 : index
    %get3A_22 = vector.load %arg2[%get3A_19, %get3A_20, %get3A_21] : memref<1x64x1024xf32, #tpu.memory_space<vmem>>, vector<1x64x1024xf32>
    %get3A_23 = vector.shape_cast %get3A_22 : vector<1x64x1024xf32> to vector<64x1024xf32>
    %dot_general3A_24 = arith.constant dense<0.000000e+00> : vector<1024x1024xf32>
    %dot_general3A_25 = tpu.matmul %get3A_1, %get3A_23, %dot_general3A_24 {dimension_numbers = #tpu.dot_dimension_numbers<[1], [0], [0], [1], [0, 0, 1, 1], [], []>, transpose_lhs_hint = false} : vector<1024x64xf32>, vector<64x1024xf32>, vector<1024x1024xf32> -> vector<1024x1024xf32>
    %transpose3A_26 = tpu.transpose %get3A_23, [1, 0] : vector<64x1024xf32> -> vector<1024x64xf32>
    %transpose3A_27 = tpu.transpose %get3A_23, [1, 0] : vector<64x1024xf32> -> vector<1024x64xf32>
    %mul3A_28 = arith.mulf %transpose3A_26, %transpose3A_27 : vector<1024x64xf32>
    %reduce_sum3A_29 = arith.constant dense<0.000000e+00> : vector<1024xf32>
    %reduce_sum3A_30 = vector.multi_reduction <add>, %mul3A_28, %reduce_sum3A_29 [1] : vector<1024x64xf32> to vector<1024xf32>
    %broadcast_in_dim3A_31 = vector.shape_cast %reduce_sum3A_2 : vector<1024xf32> to vector<1024x1xf32>
    %broadcast_in_dim3A_32 = vector.shape_cast %reduce_sum3A_30 : vector<1024xf32> to vector<1x1024xf32>
    %add3A_33 = vector.broadcast %broadcast_in_dim3A_31 : vector<1024x1xf32> to vector<1024x1024xf32>
    %add3A_34 = vector.broadcast %broadcast_in_dim3A_32 : vector<1x1024xf32> to vector<1024x1024xf32>
    %add3A_35 = arith.addf %add3A_33, %add3A_34 : vector<1024x1024xf32>
    %mul3A_36 = arith.constant 2.000000e+00 : f32
    %mul3A_37 = vector.broadcast %mul3A_36 : f32 to vector<1024x1024xf32>
    %mul3A_38 = arith.mulf %mul3A_37, %dot_general3A_25 : vector<1024x1024xf32>
    %sub3A_39 = arith.subf %add3A_35, %mul3A_38 : vector<1024x1024xf32>
    %add3A_40 = arith.addf %sub3A, %sub3A_39 : vector<1024x1024xf32>
    %reduce_min3A = arith.constant dense<0x7F800000> : vector<1024xf32>
    %reduce_min3A_41 = vector.multi_reduction <minimumf>, %add3A_40, %reduce_min3A [0] : vector<1024x1024xf32> to vector<1024xf32>
    %iota3A = tpu.iota {dimensions = array<i32: 0>} : vector<1024x1024xi32>
    %broadcast_in_dim3A_42 = vector.shape_cast %reduce_min3A_41 : vector<1024xf32> to vector<1x1024xf32>
    %eq3A = vector.broadcast %broadcast_in_dim3A_42 : vector<1x1024xf32> to vector<1024x1024xf32>
    %eq3A_43 = arith.cmpf oeq, %add3A_40, %eq3A : vector<1024x1024xf32>
    %jit3A = arith.constant 1024 : i32
    %broadcast_in_dim3A_44 = vector.broadcast %jit3A : i32 to vector<1024x1024xi32>
    %select_n3A = arith.select %eq3A_43, %iota3A, %broadcast_in_dim3A_44 : vector<1024x1024xi1>, vector<1024x1024xi32>
    %reduce_min3A_45 = arith.constant dense<2147483647> : vector<1024xi32>
    %reduce_min3A_46 = vector.multi_reduction <minsi>, %select_n3A, %reduce_min3A_45 [0] : vector<1024x1024xi32> to vector<1024xi32>
    %swap3A = arith.constant 0 : index
    %swap3A_47 = arith.constant 0 : index
    %swap3A_48 = arith.constant 0 : index
    %swap3A_49 = vector.load %arg4[%swap3A, %swap3A_47, %swap3A_48] : memref<1x1x1024xi32, #tpu.memory_space<vmem>>, vector<1x1x1024xi32>
    %swap3A_50 = vector.shape_cast %swap3A_49 : vector<1x1x1024xi32> to vector<1024xi32>
    %swap3A_51 = vector.shape_cast %reduce_min3A_46 : vector<1024xi32> to vector<1x1x1024xi32>
    tpu.vector_store %arg4[%swap3A, %swap3A_47, %swap3A_48], %swap3A_51 {strides = array<i32>} : memref<1x1x1024xi32, #tpu.memory_space<vmem>>, vector<1x1x1024xi32>,
    %reduce_sum3A_52 = vector.shape_cast %reduce_min3A_41 : vector<1024xf32> to vector<1x1024xf32>
    %reduce_sum3A_53 = arith.constant dense<0.000000e+00> : vector<1xf32>
    %reduce_sum3A_54 = vector.multi_reduction <add>, %reduce_sum3A_52, %reduce_sum3A_53 [1] : vector<1x1024xf32> to vector<1xf32>
    %reduce_sum3A_55 = vector.shape_cast %reduce_sum3A_54 : vector<1xf32> to vector<1x1xf32>
    %reduce_sum3A_56 = vector.extract %reduce_sum3A_55[0, 0] : f32 from vector<1x1xf32>
    %mul3A_57 = arith.constant 5.000000e-01 : f32
    %mul3A_58 = arith.mulf %reduce_sum3A_56, %mul3A_57 : f32
    %broadcast_in_dim3A_59 = vector.broadcast %mul3A_58 : f32 to vector<128xf32>
    %swap3A_60 = arith.constant 0 : index
    %swap3A_61 = arith.constant 0 : index
    %swap3A_62 = arith.constant 0 : index
    %swap3A_63 = vector.load %arg5[%swap3A_60, %swap3A_61, %swap3A_62] : memref<1x1x128xf32, #tpu.memory_space<vmem>>, vector<1x1x128xf32>
    %swap3A_64 = vector.shape_cast %swap3A_63 : vector<1x1x128xf32> to vector<128xf32>
    %swap3A_65 = vector.shape_cast %broadcast_in_dim3A_59 : vector<128xf32> to vector<1x1x128xf32>
    tpu.vector_store %arg5[%swap3A_60, %swap3A_61, %swap3A_62], %swap3A_65 {strides = array<i32>} : memref<1x1x128xf32, #tpu.memory_space<vmem>>, vector<1x1x128xf32>,
    return
  }
  func.func @transform_0(%arg0: i32) -> (i32, i32, i32) {
    %c0_i32 = arith.constant 0 : i32
    %c0_i32_0 = arith.constant 0 : i32
    %c0_i32_1 = arith.constant 0 : i32
    return %arg0, %c0_i32, %c0_i32_0 : i32, i32, i32
  }
  func.func @transform_1(%arg0: i32) -> (i32, i32, i32) {
    %c0_i32 = arith.constant 0 : i32
    %c0_i32_0 = arith.constant 0 : i32
    %c0_i32_1 = arith.constant 0 : i32
    return %arg0, %c0_i32, %c0_i32_0 : i32, i32, i32
  }
  func.func @transform_2(%arg0: i32) -> (i32, i32) {
    %c0_i32 = arith.constant 0 : i32
    %c0_i32_0 = arith.constant 0 : i32
    %c0_i32_1 = arith.constant 0 : i32
    return %c0_i32, %c0_i32_0 : i32, i32
  }
  func.func @transform_3(%arg0: i32) -> (i32, i32, i32) {
    %c0_i32 = arith.constant 0 : i32
    %c0_i32_0 = arith.constant 0 : i32
    %c0_i32_1 = arith.constant 0 : i32
    return %arg0, %c0_i32, %c0_i32_0 : i32, i32, i32
  }
  func.func @transform_4(%arg0: i32) -> (i32, i32, i32) {
    %c0_i32 = arith.constant 0 : i32
    %c0_i32_0 = arith.constant 0 : i32
    %c0_i32_1 = arith.constant 0 : i32
    return %arg0, %c0_i32, %c0_i32_0 : i32, i32, i32
  }
}

</mosaic_0001>

<sc_bundles>
// kernel: kernel.4.cloned.1.call-start
scs
__scs_entry_jumppad:
0x0: {  	(pc) =	sbr.rel $0x88, $3  }
0x1: {  	(tag) =	ssettag $0x0;
	lr =	simm.s32 $0x1  }
0x2: {  	[smem:$0x3F9E] =	sst lr;
	_ =	strace $0xD0000000  }
0x3: {  	_ = 	snop  }
0x4: {  	_ = 	snop  }
0x5: {  	_ = 	snop  }
0x6: {  	_ = 	snop  }
0x7: {  	_ = 	snop  }
__scs_overlays_trampoline_lowered:
0x8: {  	[smem:$0x3FAD] =	sst s0  }
0x9: {  	[smem:$0x3FAE] =	sst s1  }
0xa: {  	[smem:$0x3FAF] =	sst s2  }
0xb: {  	[smem:$0x3FB0] =	sst s3  }
0xc: {  	[smem:$0x3FB1] =	sst s4  }
0xd: {  	[smem:$0x3FB2] =	sst s5  }
0xe: {  	[smem:$0x3FB3] =	sst s6  }
0xf: {  	[smem:$0x3FB4] =	sst s7  }
0x10: {  	[smem:$0x3FB5] =	sst s8  }
0x11: {  	[smem:$0x3FB6] =	sst s9;
	s0 =	simm.s32 @!p0 $0x0  }
0x12: {  	s1 =	sld [smem:$0x3F9C];
	s0 =	simm.s32 @p0 $0x1  }
0x13: {  	[smem:$0x3FB7] =	sst s0;
	s0 =	simm.s32 @!p1 $0x0  }
0x14: {  	s2 =	sld [smem:$0x3F9B];
	s0 =	simm.s32 @p1 $0x1  }
0x15: {  	[smem:$0x3FB8] =	sst s0;
	s0 =	simm.s32 @!p2 $0x0  }
0x16: {  	s3 =	sld [smem:$0x3FDB];
	s0 =	simm.s32 @p2 $0x1  }
0x17: {  	s4 =	simm.s32 $0x1BF5;
	[smem:$0x3FBA] =	sst s0  }
0x18: {  	s0 =	sld [smem:$0x3F9D];
	_ =	swait.ge [sflag:s4], $0x0  }
0x19: {  	s7 =	sld [smem:$0x3F9E]  }
0x1a: {  	s8 =	sadd.s32 $0xFFFFE003, lr  }
0x1b: {  	s9 =	sadd.s32 $0xFFFFFEF7, lr;
	s5 =	simm.s32 $0xFFFFFFFF;
	p2 =	slt.u32 s8, $0xFFFFF086  }
0x1c: {  	p1 =	slt.u32 s9, $0xF7A;
	s5 =	simm.s32 @!p2 $0x0  }
0x1d: {  	s5 =	simm.s32 @p1 $0x1;
	p0 =	seq.s32 s7, s2  }
0x1e: {  	s7 =	smul.u32 @!p0 $0xF7A, s2;
	p2 =	seq.s32 @!p0 s5, $0x0  }
0x1f: {  	s9 =	smul.u32 $0xF7A, s1;
	s8 =	simm.s32 @!p0 $0x1BF5;
	p2 =	por !p2, p0  }
0x20: {  	[sflag:s8] =	ssyncset.s32 @!p0 $0xFFFFF086;
	s6 =	sadd.s32 @!p0 s3, s7;
	s7 =	simm.s32 @!p0 $0x108  }
0x21: {  	s3 =	sadd.s32 s3, s9;
	s6 =	sadd.s32 @!p0 $0x88, s6;
	s7 =	simm.s32 @p2 $0x1082  }
0x22: {  	[simem:s7], [sflag:s8] =	dma.local @!p0 [hbm:s6], $0xF7A  }
0x23: {  	s9 =	sor.u32 $0xD0000000, s2;
	s6 =	simm.s32 $0x108;
	_ =	swait.ge @!p0 [sflag:s8], $0x0  }
0x24: {  	s3 =	sadd.s32 $0x88, s3;
	s6 =	simm.s32 @!p1 $0x1082;
	[sflag:s4] =	ssyncset.s32 $0xFFFFF086  }
0x25: {  	[simem:s6], [sflag:s4] =	dma.local [hbm:s3], $0xF7A  }
0x26: {  	[smem:$0x3F9E] =	sst s1;
	(tag) =	ssettag s2;
	_ =	strace s9  }
0x27: {  	s1 =	sld [smem:$0x3FAE]  }
0x28: {  	s2 =	sld [smem:$0x3FAF]  }
0x29: {  	s4 =	sld [smem:$0x3FB1]  }
0x2a: {  	p0 =	seq.s32 s5, $0x0;
	s5 =	sld [smem:$0x3FB2]  }
0x2b: {  	s6 =	sld [smem:$0x3FB3]  }
0x2c: {  	s7 =	sld [smem:$0x3FB4]  }
0x2d: {  	s3 =	simm.s32 $0x108;
	s8 =	sld [smem:$0x3FB5]  }
0x2e: {  	s3 =	simm.s32 @!p0 $0x1082;
	s9 =	sld [smem:$0x3FB6]  }
0x2f: {  	lr =	sadd.s32 s0, s3;
	s0 =	sld [smem:$0x3FAD]  }
0x30: {  	s3 =	sld [smem:$0x3FB0]  }
0x31: {  	[smem:$0x3FB9] =	sst s10  }
0x32: {  	s10 =	sld [smem:$0x3FB7];
	_ =	sdelay $0x3  }
0x33: {  	p0 =	seq.s32 s10, $0x1;
	s10 =	sld [smem:$0x3FB9];
	_ =	sdelay $0x3  }
0x34: {  	[smem:$0x3FB9] =	sst s10  }
0x35: {  	s10 =	sld [smem:$0x3FB8];
	_ =	sdelay $0x3  }
0x36: {  	p1 =	seq.s32 s10, $0x1;
	s10 =	sld [smem:$0x3FB9];
	_ =	sdelay $0x3  }
0x37: {  	[smem:$0x3FB9] =	sst s10  }
0x38: {  	s10 =	sld [smem:$0x3FBA]  }
0x39: {  	_ = 	snop;
	(pc) =	sbr.ind lr, $3  }
0x3a: {  	_ = 	snop  }
0x3b: {  	_ = 	snop  }
0x3c: {  	p2 =	seq.s32 s10, $0x1;
	s10 =	sld [smem:$0x3FB9]  }
0x3d: {  	_ =	shalt  }
0x3e: {  	_ =	shalt  }
0x3f: {  	_ =	shalt  }
0x40: {  	_ =	shalt  }
0x41: {  	_ =	shalt  }
0x42: {  	_ =	shalt  }
0x43: {  	_ =	shalt  }
0x44: {  	_ =	shalt  }
0x45: {  	_ =	shalt  }
0x46: {  	_ =	shalt  }
0x47: {  	_ =	shalt  }
0x48: {  	_ =	shalt  }
0x49: {  	_ =	shalt  }
0x4a: {  	_ =	shalt  }
0x4b: {  	_ =	shalt  }
0x4c: {  	_ =	shalt  }
0x4d: {  	_ =	shalt  }
0x4e: {  	_ =	shalt  }
0x4f: {  	_ =	shalt  }
0x50: {  	_ =	shalt  }
0x51: {  	_ =	shalt  }
0x52: {  	_ =	shalt  }
0x53: {  	_ =	shalt  }
0x54: {  	_ =	shalt  }
0x55: {  	_ =	shalt  }
0x56: {  	_ =	shalt  }
0x57: {  	_ =	shalt  }
0x58: {  	_ =	shalt  }
0x59: {  	_ =	shalt  }
0x5a: {  	_ =	shalt  }
0x5b: {  	_ =	shalt  }
0x5c: {  	_ =	shalt  }
0x5d: {  	_ =	shalt  }
0x5e: {  	_ =	shalt  }
0x5f: {  	_ =	shalt  }
0x60: {  	_ =	shalt  }
0x61: {  	_ =	shalt  }
0x62: {  	_ =	shalt  }
0x63: {  	_ =	shalt  }
0x64: {  	_ =	shalt  }
0x65: {  	_ =	shalt  }
0x66: {  	_ =	shalt  }
0x67: {  	_ =	shalt  }
0x68: {  	_ =	shalt  }
0x69: {  	_ =	shalt  }
0x6a: {  	_ =	shalt  }
0x6b: {  	_ =	shalt  }
0x6c: {  	_ =	shalt  }
0x6d: {  	_ =	shalt  }
0x6e: {  	_ =	shalt  }
0x6f: {  	_ =	shalt  }
0x70: {  	_ =	shalt  }
0x71: {  	_ =	shalt  }
0x72: {  	_ =	shalt  }
0x73: {  	_ =	shalt  }
0x74: {  	_ =	shalt  }
0x75: {  	_ =	shalt  }
0x76: {  	_ =	shalt  }
0x77: {  	_ =	shalt  }
0x78: {  	_ =	shalt  }
0x79: {  	_ =	shalt  }
0x7a: {  	_ =	shalt  }
0x7b: {  	_ =	shalt  }
0x7c: {  	_ =	shalt  }
0x7d: {  	_ =	shalt  }
0x7e: {  	_ =	shalt  }
0x7f: {  	_ =	shalt  }
0x80: {  	_ =	shalt  }
0x81: {  	_ =	shalt  }
0x82: {  	_ =	shalt  }
0x83: {  	_ =	shalt  }
0x84: {  	_ =	shalt  }
0x85: {  	_ =	shalt  }
0x86: {  	_ =	shalt  }
0x87: {  	_ =	shalt  }
.Lfunc_end0:
.L_simem_size_0:
called_computation_lowered:
.L_overlay_start_0:
0x88: {  	s2 =	sld [smem:$0x3FD9]  }
0x89: {  	s3 =	sld [smem:$0x3FFE];
	_ =	sdelay $0x1  }
0x8a: {  	s1 =	srdreg.scid  }
0x8b: {  	s0 =	sand.u32 $0x1, s1  }
0x8c: {  	s14 =	sshll.u32 s0, $0xA;
	s2 =	sadd.s32 s3, s2  }
0x8d: {  	s2 =	sadd.s32 s2, s14  }
0x8e: {  	[smem:$0x3FC5] =	sst s2  }
0x8f: {  	_ = 	snop  }
0x90: {  	s2 =	sld [smem:$0x3FD0];
	_ =	sdelay $0x2  }
0x91: {  	s15 =	simm.s32 $0xA;
	s4 =	simm.s32 $0x10  }
0x92: {  	[smem:s4], [sflag:s15] =	dma.local [hbm:s2], $0x1  }
0x93: {  	_ =	swait.eq [sflag:s15], $0x1  }
0x94: {  	[sflag:s15] =	ssyncset.done $0x0  }
0x95: {  	s16 =	sld [smem:$0x10];
	[sflag:s15] =	ssyncadd.s32 $0xFFFFFFFF  }
0x96: {  	s17 =	sld [smem:$0x14];
	(tm) =	ssettm $0x1  }
0x97: {  	s18 =	sld [smem:$0x3FFB];
	_ =	sdelay $0x3  }
0x98: {  	_ =	strace s18  }
0x99: {  	s4 =	sld [smem:$0x3FFC];
	_ =	sdelay $0x3  }
0x9a: {  	_ =	strace s4  }
0x9b: {  	s4 =	sld [smem:$0x3FFD];
	_ =	sdelay $0x3  }
0x9c: {  	_ =	strace s4  }
0x9d: {  	_ =	strace $0x8FFFFFFF  }
0x9e: {  	s19 =	sld [smem:$0x3FDB];
	_ =	sdelay $0x1  }
0x9f: {  	s5 =	simm.s32 $_scs_section_size  }
0xa0: {  	s6 =	simm.s32 $_size__tile_overlayer_lowered;
	s7 =	simm.s32 $_tile_overlayer_lowered  }
0xa1: {  	s22 =	simm.s32 $0x1BFF;
	s21 =	sshll.u32 s7, $0x1;
	s4 =	sadd.s32 s5, s19  }
0xa2: {  	s8 =	simm.s32 $0x0;
	s20 =	sshll.u32 s6, $0x1;
	s6 =	sadd.s32 s21, s4  }
0xa3: {  	[timem:s8], [sflag:s22] =	dma.local [hbm:s6], s20  }
0xa4: {  	_ =	swait.ge [sflag:s22], s20  }
0xa5: {  	s5 =	ssub.s32 $0x0, s20;
	[sflag:s22] =	ssyncset.done $0x0  }
0xa6: {  	[sflag:s22] =	ssyncadd.s32 s5;
	_ =	sdelay $0x1  }
0xa7: {  	s23 =	simm.s32 $0x1B8B  }
0xa8: {  	_ =	swait.ge [sflag:s23], $0x1  }
0xa9: {  	[sflag:s23] =	ssyncset.done $0x0  }
0xaa: {  	s25 =	simm.s32 $0x1B8E;
	s24 =	sld [smem:$0x3FFE];
	[sflag:s23] =	ssyncadd.s32 $0xFFFFFFFF  }
0xab: {  	s26 =	simm.s32 $execute0_lowered;
	[smem:$0x3FD2] =	sst s25  }
0xac: {  	s6 =	sshll.u32 s26, $0x1;
	_ =	strace $0x80000046;
	[dreg:$0x1] =	wrdreg $0xFFFFFFFF  }
0xad: {  	s28 =	simm.s32 $_size_execute0_lowered;
	s4 =	sadd.s32 s4, s6;
	[dreg:$0x0] =	wrdreg $0x0  }
0xae: {  	s6 =	sshll.u32 s28, $0x1;
	[dreg:$0x2] =	wrdreg s4  }
0xaf: {  	[dreg:$0x3] =	wrdreg s6  }
0xb0: {  	[dreg:$0x4] =	wrdreg $0xC0  }
0xb1: {  	_ =	task [dreg:s8], $0x5FFFF  }
0xb2: {  	[dreg:$0x1] =	wrdreg $0xFFFFFFFF  }
0xb3: {  	[dreg:$0x0] =	wrdreg $0x60  }
0xb4: {  	[dreg:$0x2] =	wrdreg s24  }
0xb5: {  	[dreg:$0x3] =	wrdreg s17  }
0xb6: {  	[dreg:$0x4] =	wrdreg s16  }
0xb7: {  	[dreg:$0x5] =	wrdreg $0x9  }
0xb8: {  	_ =	task.clear_ibuf [dreg:s8], $0x6FFFF;
	_ =	strace $0x90000046  }
0xb9: {  	s29 =	simm.s32 $0x9;
	_ =	strace $0x80000048  }
0xba: {  	_ =	swait.ge [sflag:s29], $0x1  }
0xbb: {  	[sflag:s29] =	ssyncadd.s32 $0xFFFFFFFF  }
0xbc: {  	_ =	strace $0x90000048  }
0xbd: {  	_ =	sfence  }
0xbe: {  	s30 =	sld [smem:$0x0];
	_ =	sdelay $0x2  }
0xbf: {  	s31 =	sshll.u32 s1, $0xD;
	s1 =	sshrl.u32 s1, $0x2  }
0xc0: {  	s3 =	sand.u32 $0x4000, s31;
	s1 =	sadd.s32 s1, s30  }
0xc1: {  	s0 =	sor.u32 s3, s0;
	s1 =	sshll.u32 s1, $0x11  }
0xc2: {  	s0 =	sor.u32 s1, s0  }
0xc3: {  	s0 =	sadd.s32 $0x8F2B, s0  }
0xc4: {  	[sflag:s0] =	ssyncadd.remote.s32 $0x1  }
0xc5: {  	_ =	sfence.sel $0xFFFF  }
0xc6: {  	[dreg:$0x0] =	wrdreg $0xFFFFFFFF;
	(pc) =	sbr.abs _section_cstart, $3  }
0xc7: {  	[dreg:$0x1] =	wrdreg $0xFFFFFFFF  }
0xc8: {  	_ =	task.clear_ibuf [dreg:s8], $0x2FFFF;
	_ =	strace $0x9FFFFFFF  }
0xc9: {  	(tm) =	ssettm $0x7FFFFFFF  }
tec
execute0_lowered:
.L_overlay_start_1:
0x0: {  	(tag) =	ssettag $0x1  }
0x1: {  	s1 =	srdreg.scid;
	s3 =	rddreg [dreg:$0x0]  }
0x2: {  	s0 =	stileid.u32;
	s5 =	rddreg [dreg:$0x1]  }
0x3: {  	s6 =	rddreg [dreg:$0x2];
	s10 =	simm.s32 $0x80;
	s11 =	simm.s32 $0x400  }
0x4: {  	s12 =	simm.s32 $0x10400;
	s13 =	simm.s32 $0x0;
	s4 =	sand.u32 $0x1, s1  }
0x5: {  	s31 =	sshll.u32 s0, $0x8;
	s8 =	sshll.u32 s0, $0x11;
	s2 =	sshll.u32 s4, $0x7  }
0x6: {  	s1 =	rddreg [dreg:$0x3];
	s3 =	sadd.s32 $0x200, s3;
	s7 =	sor.u32 s2, s31  }
0x7: {  	s4 =	ssub.s32 $0x2, s4;
	s2 =	simm.s32 $0x0;
	s8 =	sor.u32 s8, s7  }
0x8: {  	s9 =	sshrl.u32 s4, $0x1;
	[smem:$0x7FF] =	sst s2;
	s8 =	sand.u32 $0x180380, s8  }
0x9: {  	s9 =	ssub.s32 s4, s9;
	s5 =	sadd.s32 s5, s7;
	s8 =	sshrl.u32 s8, $0x3  }
0xa: {  	_ =	strace $0x80000047;
	s7 =	smax.u32 s9, $0x1;
	s4 =	sadd.s32 s6, s8  }
0xb: {  	s9 =	simm.s32 $0x10000;
	s8 =	simm.s32 $0x1;
	s6 =	sadd.s32 $0x8000, s4  }
.LBB2_1:
0xc: {  	[tilespmem:s2], [sflag:$0x1] =	stream.linear.gather [hbm4b:s3+s2], $0x10000, $0x38;
	[tilespmem:$0x18400] =	vst v63  }
0xd: {  	_ =	swait.ge [sflag:s8], $0x10000  }
0xe: {  	[sflag:s8] =	ssyncset.done $0x0  }
0xf: {  	[sflag:s8] =	ssyncadd.s32 $0xFFFF0000  }
0x10: {  	[tilespmem:s9], [sflag:$0x1] =	stream.linear.gather [hbm4b:s5+s2], $0x400, $0x38;
	[tilespmem:$0x18400] =	vst v63  }
0x11: {  	_ =	swait.ge [sflag:s8], $0x400  }
0x12: {  	[sflag:s8] =	ssyncset.done $0x0  }
0x13: {  	s14 =	simm.s32 $0x0;
	[sflag:s8] =	ssyncadd.s32 $0xFFFFFC00  }
0x14: {  	v4 =	vld [tilespmem:s14+$0x10030]  }
0x15: {  	v1 =	vld [tilespmem:s14+$0x10000]  }
0x16: {  	v2 =	vld [tilespmem:s14+$0x10010]  }
0x17: {  	v3 =	vld [tilespmem:s14+$0x10020];
	_ =	sdelay $0x4  }
0x18: {  	v0 =	vld.idx.msk [tilespmem:v4+s2+$0x0], $0xffff  }
0x19: {  	v6 =	vadd.s32 $0x400, v4;
	v5 =	vld.idx.msk [tilespmem:v1+s2+$0x0], $0xffff  }
0x1a: {  	v7 =	vadd.s32 $0x400, v1;
	v8 =	vld.idx.msk [tilespmem:v2+s2+$0x0], $0xffff  }
0x1b: {  	v9 =	vadd.s32 $0x400, v2;
	v10 =	vld.idx.msk [tilespmem:v3+s2+$0x0], $0xffff  }
0x1c: {  	v11 =	vadd.s32 $0x400, v3  }
0x1d: {  	[tilespmem:s14+$0x10430] =	vst v0  }
0x1e: {  	[tilespmem:s14+$0x10400] =	vst v5;
	v0 =	vld.idx.msk [tilespmem:v6+s2+$0x0], $0xffff  }
0x1f: {  	[tilespmem:s14+$0x10410] =	vst v8;
	v5 =	vld.idx.msk [tilespmem:v7+s2+$0x0], $0xffff;
	v6 =	vadd.s32 $0x800, v4  }
0x20: {  	[tilespmem:s14+$0x10420] =	vst v10;
	v7 =	vadd.s32 $0x800, v1;
	v8 =	vld.idx.msk [tilespmem:v9+s2+$0x0], $0xffff  }
0x21: {  	v9 =	vadd.s32 $0x800, v2;
	v10 =	vld.idx.msk [tilespmem:v11+s2+$0x0], $0xffff  }
0x22: {  	v11 =	vadd.s32 $0x800, v3  }
0x23: {  	s15 =	sand.u32 $0x3C0, s2;
	[tilespmem:s14+$0x10830] =	vst v0  }
0x24: {  	[tilespmem:s15+$0x10800] =	vst v5;
	v0 =	vld.idx.msk [tilespmem:v6+s2+$0x0], $0xffff  }
0x25: {  	[tilespmem:s14+$0x10810] =	vst v8;
	v5 =	vld.idx.msk [tilespmem:v7+s2+$0x0], $0xffff;
	v6 =	vadd.s32 $0xC00, v4  }
0x26: {  	[tilespmem:s14+$0x10820] =	vst v10;
	v7 =	vadd.s32 $0xC00, v1;
	v8 =	vld.idx.msk [tilespmem:v9+s2+$0x0], $0xffff  }
0x27: {  	v9 =	vadd.s32 $0xC00, v2;
	v10 =	vld.idx.msk [tilespmem:v11+s2+$0x0], $0xffff  }
0x28: {  	v11 =	vadd.s32 $0xC00, v3  }
0x29: {  	[tilespmem:s14+$0x10C30] =	vst v0  }
0x2a: {  	[tilespmem:s15+$0x10C00] =	vst v5;
	v0 =	vld.idx.msk [tilespmem:v6+s2+$0x0], $0xffff  }
0x2b: {  	[tilespmem:s14+$0x10C10] =	vst v8;
	v5 =	vld.idx.msk [tilespmem:v7+s2+$0x0], $0xffff;
	v6 =	vadd.s32 $0x1000, v4  }
0x2c: {  	[tilespmem:s14+$0x10C20] =	vst v10;
	v7 =	vadd.s32 $0x1000, v1;
	v8 =	vld.idx.msk [tilespmem:v9+s2+$0x0], $0xffff  }
0x2d: {  	v9 =	vadd.s32 $0x1000, v2;
	v10 =	vld.idx.msk [tilespmem:v11+s2+$0x0], $0xffff  }
0x2e: {  	v11 =	vadd.s32 $0x1000, v3  }
0x2f: {  	[tilespmem:s14+$0x11030] =	vst v0  }
0x30: {  	[tilespmem:s15+$0x11000] =	vst v5;
	v0 =	vld.idx.msk [tilespmem:v6+s2+$0x0], $0xffff  }
0x31: {  	[tilespmem:s14+$0x11010] =	vst v8;
	v5 =	vld.idx.msk [tilespmem:v7+s2+$0x0], $0xffff;
	v6 =	vadd.s32 $0x1400, v4  }
0x32: {  	[tilespmem:s14+$0x11020] =	vst v10;
	v7 =	vadd.s32 $0x1400, v1;
	v8 =	vld.idx.msk [tilespmem:v9+s2+$0x0], $0xffff  }
0x33: {  	v9 =	vadd.s32 $0x1400, v2;
	v10 =	vld.idx.msk [tilespmem:v11+s2+$0x0], $0xffff  }
0x34: {  	v11 =	vadd.s32 $0x1400, v3  }
0x35: {  	[tilespmem:s14+$0x11430] =	vst v0  }
0x36: {  	[tilespmem:s15+$0x11400] =	vst v5;
	v0 =	vld.idx.msk [tilespmem:v6+s2+$0x0], $0xffff  }
0x37: {  	[tilespmem:s14+$0x11410] =	vst v8;
	v5 =	vld.idx.msk [tilespmem:v7+s2+$0x0], $0xffff;
	v6 =	vadd.s32 $0x1800, v4  }
0x38: {  	[tilespmem:s14+$0x11420] =	vst v10;
	v7 =	vadd.s32 $0x1800, v1;
	v8 =	vld.idx.msk [tilespmem:v9+s2+$0x0], $0xffff  }
0x39: {  	v9 =	vadd.s32 $0x1800, v2;
	v10 =	vld.idx.msk [tilespmem:v11+s2+$0x0], $0xffff  }
0x3a: {  	v11 =	vadd.s32 $0x1800, v3  }
0x3b: {  	[tilespmem:s14+$0x11830] =	vst v0  }
0x3c: {  	[tilespmem:s15+$0x11800] =	vst v5;
	v0 =	vld.idx.msk [tilespmem:v6+s2+$0x0], $0xffff  }
0x3d: {  	[tilespmem:s14+$0x11810] =	vst v8;
	v5 =	vld.idx.msk [tilespmem:v7+s2+$0x0], $0xffff;
	v6 =	vadd.s32 $0x1C00, v4  }
0x3e: {  	[tilespmem:s14+$0x11820] =	vst v10;
	v7 =	vadd.s32 $0x1C00, v1;
	v8 =	vld.idx.msk [tilespmem:v9+s2+$0x0], $0xffff  }
0x3f: {  	v9 =	vadd.s32 $0x1C00, v2;
	v10 =	vld.idx.msk [tilespmem:v11+s2+$0x0], $0xffff  }
0x40: {  	v11 =	vadd.s32 $0x1C00, v3  }
0x41: {  	[tilespmem:s14+$0x11C30] =	vst v0  }
0x42: {  	[tilespmem:s15+$0x11C00] =	vst v5;
	v0 =	vld.idx.msk [tilespmem:v6+s2+$0x0], $0xffff  }
0x43: {  	[tilespmem:s14+$0x11C10] =	vst v8;
	v5 =	vld.idx.msk [tilespmem:v7+s2+$0x0], $0xffff;
	v6 =	vadd.s32 $0x2000, v4  }
0x44: {  	[tilespmem:s14+$0x11C20] =	vst v10;
	v7 =	vadd.s32 $0x2000, v1;
	v8 =	vld.idx.msk [tilespmem:v9+s2+$0x0], $0xffff  }
0x45: {  	v9 =	vadd.s32 $0x2000, v2;
	v10 =	vld.idx.msk [tilespmem:v11+s2+$0x0], $0xffff  }
0x46: {  	v11 =	vadd.s32 $0x2000, v3  }
0x47: {  	[tilespmem:s14+$0x12030] =	vst v0  }
0x48: {  	[tilespmem:s15+$0x12000] =	vst v5;
	v0 =	vld.idx.msk [tilespmem:v6+s2+$0x0], $0xffff  }
0x49: {  	[tilespmem:s14+$0x12010] =	vst v8;
	v5 =	vld.idx.msk [tilespmem:v7+s2+$0x0], $0xffff;
	v6 =	vadd.s32 $0x2400, v4  }
0x4a: {  	[tilespmem:s14+$0x12020] =	vst v10;
	v7 =	vadd.s32 $0x2400, v1;
	v8 =	vld.idx.msk [tilespmem:v9+s2+$0x0], $0xffff  }
0x4b: {  	v9 =	vadd.s32 $0x2400, v2;
	v10 =	vld.idx.msk [tilespmem:v11+s2+$0x0], $0xffff  }
0x4c: {  	v11 =	vadd.s32 $0x2400, v3  }
0x4d: {  	[tilespmem:s14+$0x12430] =	vst v0  }
0x4e: {  	[tilespmem:s15+$0x12400] =	vst v5;
	v0 =	vld.idx.msk [tilespmem:v6+s2+$0x0], $0xffff  }
0x4f: {  	[tilespmem:s14+$0x12410] =	vst v8;
	v5 =	vld.idx.msk [tilespmem:v7+s2+$0x0], $0xffff;
	v6 =	vadd.s32 $0x2800, v4  }
0x50: {  	[tilespmem:s14+$0x12420] =	vst v10;
	v7 =	vadd.s32 $0x2800, v1;
	v8 =	vld.idx.msk [tilespmem:v9+s2+$0x0], $0xffff  }
0x51: {  	v9 =	vadd.s32 $0x2800, v2;
	v10 =	vld.idx.msk [tilespmem:v11+s2+$0x0], $0xffff  }
0x52: {  	v11 =	vadd.s32 $0x2800, v3  }
0x53: {  	[tilespmem:s14+$0x12830] =	vst v0  }
0x54: {  	[tilespmem:s15+$0x12800] =	vst v5;
	v0 =	vld.idx.msk [tilespmem:v6+s2+$0x0], $0xffff  }
0x55: {  	[tilespmem:s14+$0x12810] =	vst v8;
	v5 =	vld.idx.msk [tilespmem:v7+s2+$0x0], $0xffff;
	v6 =	vadd.s32 $0x2C00, v4  }
0x56: {  	[tilespmem:s14+$0x12820] =	vst v10;
	v7 =	vadd.s32 $0x2C00, v1;
	v8 =	vld.idx.msk [tilespmem:v9+s2+$0x0], $0xffff  }
0x57: {  	v9 =	vadd.s32 $0x2C00, v2;
	v10 =	vld.idx.msk [tilespmem:v11+s2+$0x0], $0xffff  }
0x58: {  	v11 =	vadd.s32 $0x2C00, v3  }
0x59: {  	[tilespmem:s14+$0x12C30] =	vst v0  }
0x5a: {  	[tilespmem:s15+$0x12C00] =	vst v5;
	v0 =	vld.idx.msk [tilespmem:v6+s2+$0x0], $0xffff  }
0x5b: {  	[tilespmem:s14+$0x12C10] =	vst v8;
	v5 =	vld.idx.msk [tilespmem:v7+s2+$0x0], $0xffff;
	v6 =	vadd.s32 $0x3000, v4  }
0x5c: {  	[tilespmem:s14+$0x12C20] =	vst v10;
	v7 =	vadd.s32 $0x3000, v1;
	v8 =	vld.idx.msk [tilespmem:v9+s2+$0x0], $0xffff  }
0x5d: {  	v9 =	vadd.s32 $0x3000, v2;
	v10 =	vld.idx.msk [tilespmem:v11+s2+$0x0], $0xffff  }
0x5e: {  	v11 =	vadd.s32 $0x3000, v3  }
0x5f: {  	[tilespmem:s14+$0x13030] =	vst v0  }
0x60: {  	[tilespmem:s15+$0x13000] =	vst v5;
	v0 =	vld.idx.msk [tilespmem:v6+s2+$0x0], $0xffff  }
0x61: {  	[tilespmem:s14+$0x13010] =	vst v8;
	v5 =	vld.idx.msk [tilespmem:v7+s2+$0x0], $0xffff;
	v6 =	vadd.s32 $0x3400, v4  }
0x62: {  	[tilespmem:s14+$0x13020] =	vst v10;
	v7 =	vadd.s32 $0x3400, v1;
	v8 =	vld.idx.msk [tilespmem:v9+s2+$0x0], $0xffff  }
0x63: {  	v9 =	vadd.s32 $0x3400, v2;
	v10 =	vld.idx.msk [tilespmem:v11+s2+$0x0], $0xffff  }
0x64: {  	v11 =	vadd.s32 $0x3400, v3  }
0x65: {  	[tilespmem:s14+$0x13430] =	vst v0  }
0x66: {  	[tilespmem:s15+$0x13400] =	vst v5;
	v0 =	vld.idx.msk [tilespmem:v6+s2+$0x0], $0xffff  }
0x67: {  	[tilespmem:s14+$0x13410] =	vst v8;
	v5 =	vld.idx.msk [tilespmem:v7+s2+$0x0], $0xffff;
	v6 =	vadd.s32 $0x3800, v4  }
0x68: {  	[tilespmem:s14+$0x13420] =	vst v10;
	v7 =	vadd.s32 $0x3800, v1;
	v8 =	vld.idx.msk [tilespmem:v9+s2+$0x0], $0xffff  }
0x69: {  	v9 =	vadd.s32 $0x3800, v2;
	v10 =	vld.idx.msk [tilespmem:v11+s2+$0x0], $0xffff  }
0x6a: {  	v11 =	vadd.s32 $0x3800, v3  }
0x6b: {  	[tilespmem:s14+$0x13830] =	vst v0  }
0x6c: {  	[tilespmem:s15+$0x13800] =	vst v5;
	v0 =	vld.idx.msk [tilespmem:v6+s2+$0x0], $0xffff  }
0x6d: {  	[tilespmem:s14+$0x13810] =	vst v8;
	v5 =	vld.idx.msk [tilespmem:v7+s2+$0x0], $0xffff;
	v6 =	vadd.s32 $0x3C00, v4  }
0x6e: {  	[tilespmem:s14+$0x13820] =	vst v10;
	v7 =	vadd.s32 $0x3C00, v1;
	v8 =	vld.idx.msk [tilespmem:v9+s2+$0x0], $0xffff  }
0x6f: {  	v9 =	vadd.s32 $0x3C00, v2;
	v10 =	vld.idx.msk [tilespmem:v11+s2+$0x0], $0xffff  }
0x70: {  	v11 =	vadd.s32 $0x3C00, v3  }
0x71: {  	[tilespmem:s14+$0x13C30] =	vst v0  }
0x72: {  	[tilespmem:s15+$0x13C00] =	vst v5;
	v0 =	vld.idx.msk [tilespmem:v6+s2+$0x0], $0xffff  }
0x73: {  	[tilespmem:s14+$0x13C10] =	vst v8;
	v5 =	vld.idx.msk [tilespmem:v7+s2+$0x0], $0xffff;
	v6 =	vadd.s32 $0x4000, v4  }
0x74: {  	[tilespmem:s14+$0x13C20] =	vst v10;
	v7 =	vadd.s32 $0x4000, v1;
	v8 =	vld.idx.msk [tilespmem:v9+s2+$0x0], $0xffff  }
0x75: {  	v9 =	vadd.s32 $0x4000, v2;
	v10 =	vld.idx.msk [tilespmem:v11+s2+$0x0], $0xffff  }
0x76: {  	s16 =	simm.s32 $0x40;
	v11 =	vadd.s32 $0x4000, v3  }
0x77: {  	v44 =	vld [tilespmem:s16+$0x10000];
	[tilespmem:s14+$0x14030] =	vst v0  }
0x78: {  	[tilespmem:s15+$0x14000] =	vst v5;
	v0 =	vld.idx.msk [tilespmem:v6+s2+$0x0], $0xffff  }
0x79: {  	[tilespmem:s14+$0x14010] =	vst v8;
	v5 =	vld.idx.msk [tilespmem:v7+s2+$0x0], $0xffff;
	v6 =	vadd.s32 $0x4400, v4  }
0x7a: {  	[tilespmem:s14+$0x14020] =	vst v10;
	v7 =	vadd.s32 $0x4400, v1;
	v8 =	vld.idx.msk [tilespmem:v9+s2+$0x0], $0xffff  }
0x7b: {  	v9 =	vadd.s32 $0x4400, v2;
	v10 =	vld.idx.msk [tilespmem:v11+s2+$0x0], $0xffff  }
0x7c: {  	v21 =	vld [tilespmem:s16+$0x10010];
	v11 =	vadd.s32 $0x4400, v3  }
0x7d: {  	[tilespmem:s14+$0x14430] =	vst v0;
	v0 =	vld [tilespmem:s16+$0x10030]  }
0x7e: {  	[tilespmem:s15+$0x14400] =	vst v5;
	v6 =	vld.idx.msk [tilespmem:v6+s2+$0x0], $0xffff  }
0x7f: {  	[tilespmem:s14+$0x14410] =	vst v8;
	v5 =	vld.idx.msk [tilespmem:v7+s2+$0x0], $0xffff;
	v7 =	vadd.s32 $0x4800, v4  }
0x80: {  	[tilespmem:s14+$0x14420] =	vst v10;
	v10 =	vadd.s32 $0x4800, v1;
	v8 =	vld.idx.msk [tilespmem:v9+s2+$0x0], $0xffff  }
0x81: {  	v9 =	vld.idx.msk [tilespmem:v11+s2+$0x0], $0xffff;
	v11 =	vadd.s32 $0x4800, v2;
	_ =	sdelay $0x1  }
0x82: {  	v46 =	vld [tilespmem:s16+$0x10020];
	[tilespmem:s14+$0x14830] =	vst v6  }
0x83: {  	[tilespmem:s15+$0x14800] =	vst v5;
	v7 =	vld.idx.msk [tilespmem:v7+s2+$0x0], $0xffff  }
0x84: {  	v6 =	vadd.s32 $0x4800, v3;
	[tilespmem:s14+$0x14810] =	vst v8;
	v8 =	vld.idx.msk [tilespmem:v10+s2+$0x0], $0xffff  }
0x85: {  	v5 =	vadd.s32 $0x4C00, v4;
	[tilespmem:s14+$0x14820] =	vst v9;
	v9 =	vld.idx.msk [tilespmem:v11+s2+$0x0], $0xffff  }
0x86: {  	v10 =	vadd.s32 $0x4C00, v1;
	v11 =	vld.idx.msk [tilespmem:v0+s2+$0x0], $0xffff  }
0x87: {  	v12 =	vld.idx.msk [tilespmem:v44+s2+$0x0], $0xffff;
	v13 =	vadd.s32 $0x400, v0  }
0x88: {  	v14 =	vld.idx.msk [tilespmem:v21+s2+$0x0], $0xffff;
	[tilespmem:s14+$0x14C30] =	vst v7  }
0x89: {  	v15 =	vadd.s32 $0x400, v44;
	v6 =	vld.idx.msk [tilespmem:v6+s2+$0x0], $0xffff;
	[tilespmem:s15+$0x14C00] =	vst v8  }
0x8a: {  	v7 =	vadd.s32 $0x4C00, v2;
	[tilespmem:s14+$0x14C10] =	vst v9;
	v5 =	vld.idx.msk [tilespmem:v5+s2+$0x0], $0xffff  }
0x8b: {  	v9 =	vadd.s32 $0x400, v21;
	v10 =	vld.idx.msk [tilespmem:v10+s2+$0x0], $0xffff;
	[tilespmem:s16+$0x10430] =	vst v11  }
0x8c: {  	[tilespmem:s16+$0x10400] =	vst v12;
	v8 =	vadd.s32 $0x5000, v4;
	v13 =	vld.idx.msk [tilespmem:v13+s2+$0x0], $0xffff  }
0x8d: {  	v16 =	vld.idx.msk [tilespmem:v46+s2+$0x0], $0xffff;
	[tilespmem:s16+$0x10410] =	vst v14;
	v14 =	vadd.s32 $0x800, v0  }
0x8e: {  	v12 =	vld.idx.msk [tilespmem:v15+s2+$0x0], $0xffff;
	[tilespmem:s14+$0x14C20] =	vst v6;
	v6 =	vadd.s32 $0x400, v46  }
0x8f: {  	v11 =	vadd.s32 $0x4C00, v3;
	v7 =	vld.idx.msk [tilespmem:v7+s2+$0x0], $0xffff;
	[tilespmem:s14+$0x15030] =	vst v5  }
0x90: {  	v9 =	vld.idx.msk [tilespmem:v9+s2+$0x0], $0xffff;
	v5 =	vadd.s32 $0x5000, v1;
	[tilespmem:s15+$0x15000] =	vst v10  }
0x91: {  	s18 =	simm.s32 $0x40;
	v10 =	vadd.s32 $0x800, v21;
	v8 =	vld.idx.msk [tilespmem:v8+s2+$0x0], $0xffff;
	[tilespmem:s16+$0x10830] =	vst v13  }
0x92: {  	s17 =	sand.u32 $0x3C0, s18;
	[tilespmem:s16+$0x10420] =	vst v16;
	v15 =	vadd.s32 $0x5400, v4;
	v14 =	vld.idx.msk [tilespmem:v14+s2+$0x0], $0xffff  }
0x93: {  	v16 =	vadd.s32 $0x800, v44;
	[tilespmem:s17+$0x10800] =	vst v12;
	v6 =	vld.idx.msk [tilespmem:v6+s2+$0x0], $0xffff  }
0x94: {  	[tilespmem:s14+$0x15010] =	vst v7;
	v7 =	vld.idx.msk [tilespmem:v11+s2+$0x0], $0xffff;
	v11 =	vadd.s32 $0x800, v46  }
0x95: {  	[tilespmem:s16+$0x10810] =	vst v9;
	v9 =	vadd.s32 $0xC00, v0;
	v5 =	vld.idx.msk [tilespmem:v5+s2+$0x0], $0xffff  }
0x96: {  	v13 =	vadd.s32 $0x5000, v2;
	v10 =	vld.idx.msk [tilespmem:v10+s2+$0x0], $0xffff;
	[tilespmem:s14+$0x15430] =	vst v8  }
0x97: {  	v8 =	vadd.s32 $0x5000, v3;
	v12 =	vld.idx.msk [tilespmem:v15+s2+$0x0], $0xffff;
	[tilespmem:s16+$0x10C30] =	vst v14  }
0x98: {  	v15 =	vld.idx.msk [tilespmem:v16+s2+$0x0], $0xffff;
	v14 =	vadd.s32 $0x5400, v1;
	[tilespmem:s16+$0x10820] =	vst v6  }
0x99: {  	v6 =	vadd.s32 $0x5800, v4;
	v11 =	vld.idx.msk [tilespmem:v11+s2+$0x0], $0xffff;
	[tilespmem:s14+$0x15020] =	vst v7  }
0x9a: {  	v16 =	vadd.s32 $0xC00, v44;
	v9 =	vld.idx.msk [tilespmem:v9+s2+$0x0], $0xffff;
	[tilespmem:s15+$0x15400] =	vst v5  }
0x9b: {  	v7 =	vadd.s32 $0xC00, v21;
	v5 =	vld.idx.msk [tilespmem:v13+s2+$0x0], $0xffff;
	[tilespmem:s16+$0x10C10] =	vst v10  }
0x9c: {  	v13 =	vadd.s32 $0xC00, v46;
	v8 =	vld.idx.msk [tilespmem:v8+s2+$0x0], $0xffff;
	[tilespmem:s14+$0x15830] =	vst v12  }
0x9d: {  	v10 =	vadd.s32 $0x1000, v0;
	[tilespmem:s17+$0x10C00] =	vst v15;
	v14 =	vld.idx.msk [tilespmem:v14+s2+$0x0], $0xffff  }
0x9e: {  	v12 =	vadd.s32 $0x5400, v2;
	v6 =	vld.idx.msk [tilespmem:v6+s2+$0x0], $0xffff;
	[tilespmem:s16+$0x10C20] =	vst v11  }
0x9f: {  	v15 =	vld.idx.msk [tilespmem:v16+s2+$0x0], $0xffff;
	v11 =	vadd.s32 $0x5C00, v4;
	[tilespmem:s16+$0x11030] =	vst v9  }
0xa0: {  	v16 =	vadd.s32 $0x1000, v44;
	v7 =	vld.idx.msk [tilespmem:v7+s2+$0x0], $0xffff;
	[tilespmem:s14+$0x15410] =	vst v5  }
0xa1: {  	v13 =	vld.idx.msk [tilespmem:v13+s2+$0x0], $0xffff;
	v5 =	vadd.s32 $0x1000, v21;
	[tilespmem:s14+$0x15420] =	vst v8  }
0xa2: {  	v10 =	vld.idx.msk [tilespmem:v10+s2+$0x0], $0xffff;
	v8 =	vadd.s32 $0x1000, v46;
	[tilespmem:s15+$0x15800] =	vst v14  }
0xa3: {  	v9 =	vld.idx.msk [tilespmem:v12+s2+$0x0], $0xffff;
	v12 =	vadd.s32 $0x5400, v3;
	[tilespmem:s14+$0x15C30] =	vst v6  }
0xa4: {  	v6 =	vadd.s32 $0x5800, v1;
	[tilespmem:s17+$0x11000] =	vst v15;
	v11 =	vld.idx.msk [tilespmem:v11+s2+$0x0], $0xffff  }
0xa5: {  	v15 =	vld.idx.msk [tilespmem:v16+s2+$0x0], $0xffff;
	[tilespmem:s16+$0x11010] =	vst v7;
	v7 =	vadd.s32 $0x1400, v0  }
0xa6: {  	v5 =	vld.idx.msk [tilespmem:v5+s2+$0x0], $0xffff;
	[tilespmem:s16+$0x11020] =	vst v13;
	v13 =	vadd.s32 $0x6000, v4  }
0xa7: {  	v16 =	vadd.s32 $0x1400, v44;
	[tilespmem:s16+$0x11430] =	vst v10;
	v8 =	vld.idx.msk [tilespmem:v8+s2+$0x0], $0xffff  }
0xa8: {  	v14 =	vadd.s32 $0x1400, v21;
	[tilespmem:s14+$0x15810] =	vst v9;
	v9 =	vld.idx.msk [tilespmem:v12+s2+$0x0], $0xffff  }
0xa9: {  	v12 =	vadd.s32 $0x1400, v46;
	v6 =	vld.idx.msk [tilespmem:v6+s2+$0x0], $0xffff;
	[tilespmem:s14+$0x16030] =	vst v11  }
0xaa: {  	v10 =	vadd.s32 $0x5800, v2;
	v7 =	vld.idx.msk [tilespmem:v7+s2+$0x0], $0xffff;
	[tilespmem:s17+$0x11400] =	vst v15  }
0xab: {  	v11 =	vadd.s32 $0x5800, v3;
	v13 =	vld.idx.msk [tilespmem:v13+s2+$0x0], $0xffff;
	[tilespmem:s16+$0x11410] =	vst v5  }
0xac: {  	v15 =	vld.idx.msk [tilespmem:v16+s2+$0x0], $0xffff;
	v5 =	vadd.s32 $0x1800, v0;
	[tilespmem:s16+$0x11420] =	vst v8  }
0xad: {  	v14 =	vld.idx.msk [tilespmem:v14+s2+$0x0], $0xffff;
	v8 =	vadd.s32 $0x6400, v4;
	[tilespmem:s14+$0x15820] =	vst v9  }
0xae: {  	v16 =	vadd.s32 $0x1800, v44;
	v12 =	vld.idx.msk [tilespmem:v12+s2+$0x0], $0xffff;
	[tilespmem:s15+$0x15C00] =	vst v6  }
0xaf: {  	v9 =	vadd.s32 $0x1800, v21;
	v6 =	vld.idx.msk [tilespmem:v10+s2+$0x0], $0xffff;
	[tilespmem:s16+$0x11830] =	vst v7  }
0xb0: {  	v10 =	vadd.s32 $0x1800, v46;
	v7 =	vld.idx.msk [tilespmem:v11+s2+$0x0], $0xffff;
	[tilespmem:s14+$0x16430] =	vst v13  }
0xb1: {  	v11 =	vadd.s32 $0x5C00, v1;
	v5 =	vld.idx.msk [tilespmem:v5+s2+$0x0], $0xffff;
	[tilespmem:s17+$0x11800] =	vst v15  }
0xb2: {  	v13 =	vadd.s32 $0x5C00, v2;
	v8 =	vld.idx.msk [tilespmem:v8+s2+$0x0], $0xffff;
	[tilespmem:s16+$0x11810] =	vst v14  }
0xb3: {  	v15 =	vld.idx.msk [tilespmem:v16+s2+$0x0], $0xffff;
	v14 =	vadd.s32 $0x1C00, v0;
	[tilespmem:s16+$0x11820] =	vst v12  }
0xb4: {  	v9 =	vld.idx.msk [tilespmem:v9+s2+$0x0], $0xffff;
	v12 =	vadd.s32 $0x6800, v4;
	[tilespmem:s14+$0x15C10] =	vst v6  }
0xb5: {  	v16 =	vadd.s32 $0x1C00, v44;
	v10 =	vld.idx.msk [tilespmem:v10+s2+$0x0], $0xffff;
	[tilespmem:s14+$0x15C20] =	vst v7  }
0xb6: {  	v6 =	vadd.s32 $0x1C00, v21;
	v11 =	vld.idx.msk [tilespmem:v11+s2+$0x0], $0xffff;
	[tilespmem:s16+$0x11C30] =	vst v5  }
0xb7: {  	v7 =	vadd.s32 $0x1C00, v46;
	v5 =	vld.idx.msk [tilespmem:v13+s2+$0x0], $0xffff;
	[tilespmem:s14+$0x16830] =	vst v8  }
0xb8: {  	v13 =	vadd.s32 $0x5C00, v3;
	v14 =	vld.idx.msk [tilespmem:v14+s2+$0x0], $0xffff;
	[tilespmem:s17+$0x11C00] =	vst v15  }
0xb9: {  	v8 =	vadd.s32 $0x6000, v1;
	v12 =	vld.idx.msk [tilespmem:v12+s2+$0x0], $0xffff;
	[tilespmem:s16+$0x11C10] =	vst v9  }
0xba: {  	v15 =	vld.idx.msk [tilespmem:v16+s2+$0x0], $0xffff;
	v9 =	vadd.s32 $0x2000, v0;
	[tilespmem:s16+$0x11C20] =	vst v10  }
0xbb: {  	v6 =	vld.idx.msk [tilespmem:v6+s2+$0x0], $0xffff;
	v10 =	vadd.s32 $0x6C00, v4;
	[tilespmem:s15+$0x16000] =	vst v11  }
0xbc: {  	v16 =	vadd.s32 $0x2000, v44;
	v7 =	vld.idx.msk [tilespmem:v7+s2+$0x0], $0xffff;
	[tilespmem:s14+$0x16010] =	vst v5  }
0xbd: {  	v11 =	vadd.s32 $0x2000, v21;
	v5 =	vld.idx.msk [tilespmem:v13+s2+$0x0], $0xffff;
	[tilespmem:s16+$0x12030] =	vst v14  }
0xbe: {  	v13 =	vadd.s32 $0x2000, v46;
	v8 =	vld.idx.msk [tilespmem:v8+s2+$0x0], $0xffff;
	[tilespmem:s14+$0x16C30] =	vst v12  }
0xbf: {  	v14 =	vadd.s32 $0x6000, v2;
	v9 =	vld.idx.msk [tilespmem:v9+s2+$0x0], $0xffff;
	[tilespmem:s17+$0x12000] =	vst v15  }
0xc0: {  	v12 =	vadd.s32 $0x6000, v3;
	v10 =	vld.idx.msk [tilespmem:v10+s2+$0x0], $0xffff;
	[tilespmem:s16+$0x12010] =	vst v6  }
0xc1: {  	v15 =	vld.idx.msk [tilespmem:v16+s2+$0x0], $0xffff;
	v6 =	vadd.s32 $0x2400, v0;
	[tilespmem:s16+$0x12020] =	vst v7  }
0xc2: {  	v11 =	vld.idx.msk [tilespmem:v11+s2+$0x0], $0xffff;
	v7 =	vadd.s32 $0x7000, v4;
	[tilespmem:s14+$0x16020] =	vst v5  }
0xc3: {  	v16 =	vadd.s32 $0x2400, v44;
	v13 =	vld.idx.msk [tilespmem:v13+s2+$0x0], $0xffff;
	[tilespmem:s15+$0x16400] =	vst v8  }
0xc4: {  	v5 =	vadd.s32 $0x2400, v21;
	v8 =	vld.idx.msk [tilespmem:v14+s2+$0x0], $0xffff;
	[tilespmem:s16+$0x12430] =	vst v9  }
0xc5: {  	v14 =	vadd.s32 $0x2400, v46;
	v9 =	vld.idx.msk [tilespmem:v12+s2+$0x0], $0xffff;
	[tilespmem:s14+$0x17030] =	vst v10  }
0xc6: {  	v12 =	vadd.s32 $0x6400, v1;
	v6 =	vld.idx.msk [tilespmem:v6+s2+$0x0], $0xffff;
	[tilespmem:s17+$0x12400] =	vst v15  }
0xc7: {  	v10 =	vadd.s32 $0x6400, v2;
	v7 =	vld.idx.msk [tilespmem:v7+s2+$0x0], $0xffff;
	[tilespmem:s16+$0x12410] =	vst v11  }
0xc8: {  	v15 =	vld.idx.msk [tilespmem:v16+s2+$0x0], $0xffff;
	v11 =	vadd.s32 $0x2800, v0;
	[tilespmem:s16+$0x12420] =	vst v13  }
0xc9: {  	v5 =	vld.idx.msk [tilespmem:v5+s2+$0x0], $0xffff;
	v13 =	vadd.s32 $0x7400, v4;
	[tilespmem:s14+$0x16410] =	vst v8  }
0xca: {  	v16 =	vadd.s32 $0x2800, v44;
	v14 =	vld.idx.msk [tilespmem:v14+s2+$0x0], $0xffff;
	[tilespmem:s14+$0x16420] =	vst v9  }
0xcb: {  	v8 =	vadd.s32 $0x2800, v21;
	v12 =	vld.idx.msk [tilespmem:v12+s2+$0x0], $0xffff;
	[tilespmem:s16+$0x12830] =	vst v6  }
0xcc: {  	v9 =	vadd.s32 $0x2800, v46;
	v6 =	vld.idx.msk [tilespmem:v10+s2+$0x0], $0xffff;
	[tilespmem:s14+$0x17430] =	vst v7  }
0xcd: {  	v10 =	vadd.s32 $0x6400, v3;
	v11 =	vld.idx.msk [tilespmem:v11+s2+$0x0], $0xffff;
	[tilespmem:s17+$0x12800] =	vst v15  }
0xce: {  	v7 =	vadd.s32 $0x6800, v1;
	v13 =	vld.idx.msk [tilespmem:v13+s2+$0x0], $0xffff;
	[tilespmem:s16+$0x12810] =	vst v5  }
0xcf: {  	v15 =	vld.idx.msk [tilespmem:v16+s2+$0x0], $0xffff;
	v5 =	vadd.s32 $0x2C00, v0;
	[tilespmem:s16+$0x12820] =	vst v14  }
0xd0: {  	v8 =	vld.idx.msk [tilespmem:v8+s2+$0x0], $0xffff;
	v14 =	vadd.s32 $0x7800, v4;
	[tilespmem:s15+$0x16800] =	vst v12  }
0xd1: {  	v16 =	vadd.s32 $0x2C00, v44;
	v9 =	vld.idx.msk [tilespmem:v9+s2+$0x0], $0xffff;
	[tilespmem:s14+$0x16810] =	vst v6  }
0xd2: {  	v12 =	vadd.s32 $0x2C00, v21;
	v6 =	vld.idx.msk [tilespmem:v10+s2+$0x0], $0xffff;
	[tilespmem:s16+$0x12C30] =	vst v11  }
0xd3: {  	v10 =	vadd.s32 $0x2C00, v46;
	v7 =	vld.idx.msk [tilespmem:v7+s2+$0x0], $0xffff;
	[tilespmem:s14+$0x17830] =	vst v13  }
0xd4: {  	v11 =	vadd.s32 $0x6800, v2;
	v5 =	vld.idx.msk [tilespmem:v5+s2+$0x0], $0xffff;
	[tilespmem:s17+$0x12C00] =	vst v15  }
0xd5: {  	v13 =	vadd.s32 $0x6800, v3;
	v14 =	vld.idx.msk [tilespmem:v14+s2+$0x0], $0xffff;
	[tilespmem:s16+$0x12C10] =	vst v8  }
0xd6: {  	v15 =	vld.idx.msk [tilespmem:v16+s2+$0x0], $0xffff;
	v8 =	vadd.s32 $0x3000, v0;
	[tilespmem:s16+$0x12C20] =	vst v9  }
0xd7: {  	v4 =	vadd.s32 $0x7C00, v4;
	v12 =	vld.idx.msk [tilespmem:v12+s2+$0x0], $0xffff;
	[tilespmem:s14+$0x16820] =	vst v6  }
0xd8: {  	v9 =	vadd.s32 $0x3000, v44;
	v10 =	vld.idx.msk [tilespmem:v10+s2+$0x0], $0xffff;
	[tilespmem:s15+$0x16C00] =	vst v7  }
0xd9: {  	v6 =	vadd.s32 $0x3000, v21;
	v7 =	vld.idx.msk [tilespmem:v11+s2+$0x0], $0xffff;
	[tilespmem:s16+$0x13030] =	vst v5  }
0xda: {  	v11 =	vadd.s32 $0x3000, v46;
	v5 =	vld.idx.msk [tilespmem:v13+s2+$0x0], $0xffff;
	[tilespmem:s14+$0x17C30] =	vst v14  }
0xdb: {  	v13 =	vadd.s32 $0x6C00, v1;
	v8 =	vld.idx.msk [tilespmem:v8+s2+$0x0], $0xffff;
	[tilespmem:s17+$0x13000] =	vst v15  }
0xdc: {  	v14 =	vadd.s32 $0x6C00, v2;
	v4 =	vld.idx.msk [tilespmem:v4+s2+$0x0], $0xffff;
	[tilespmem:s16+$0x13010] =	vst v12  }
0xdd: {  	v9 =	vld.idx.msk [tilespmem:v9+s2+$0x0], $0xffff;
	v12 =	vadd.s32 $0x3400, v0;
	[tilespmem:s16+$0x13020] =	vst v10  }
0xde: {  	v15 =	vadd.s32 $0x6C00, v3;
	v6 =	vld.idx.msk [tilespmem:v6+s2+$0x0], $0xffff;
	[tilespmem:s14+$0x16C10] =	vst v7  }
0xdf: {  	v10 =	vadd.s32 $0x3400, v44;
	v11 =	vld.idx.msk [tilespmem:v11+s2+$0x0], $0xffff;
	[tilespmem:s14+$0x16C20] =	vst v5  }
0xe0: {  	v7 =	vadd.s32 $0x3400, v21;
	v13 =	vld.idx.msk [tilespmem:v13+s2+$0x0], $0xffff;
	[tilespmem:s16+$0x13430] =	vst v8  }
0xe1: {  	v5 =	vadd.s32 $0x3400, v46;
	v8 =	vld.idx.msk [tilespmem:v14+s2+$0x0], $0xffff;
	[tilespmem:s14+$0x18030] =	vst v4  }
0xe2: {  	v14 =	vadd.s32 $0x7000, v1;
	v12 =	vld.idx.msk [tilespmem:v12+s2+$0x0], $0xffff;
	[tilespmem:s17+$0x13400] =	vst v9  }
0xe3: {  	v4 =	vadd.s32 $0x7000, v2;
	v9 =	vld.idx.msk [tilespmem:v15+s2+$0x0], $0xffff;
	[tilespmem:s16+$0x13410] =	vst v6  }
0xe4: {  	v10 =	vld.idx.msk [tilespmem:v10+s2+$0x0], $0xffff;
	v6 =	vadd.s32 $0x3800, v0;
	[tilespmem:s16+$0x13420] =	vst v11  }
0xe5: {  	v15 =	vadd.s32 $0x7000, v3;
	v7 =	vld.idx.msk [tilespmem:v7+s2+$0x0], $0xffff;
	[tilespmem:s15+$0x17000] =	vst v13  }
0xe6: {  	v11 =	vadd.s32 $0x3800, v44;
	v5 =	vld.idx.msk [tilespmem:v5+s2+$0x0], $0xffff;
	[tilespmem:s14+$0x17010] =	vst v8  }
0xe7: {  	v13 =	vadd.s32 $0x3800, v21;
	v14 =	vld.idx.msk [tilespmem:v14+s2+$0x0], $0xffff;
	[tilespmem:s16+$0x13830] =	vst v12  }
0xe8: {  	v8 =	vadd.s32 $0x3800, v46;
	v4 =	vld.idx.msk [tilespmem:v4+s2+$0x0], $0xffff;
	[tilespmem:s14+$0x17020] =	vst v9  }
0xe9: {  	v12 =	vadd.s32 $0x7400, v1;
	v6 =	vld.idx.msk [tilespmem:v6+s2+$0x0], $0xffff;
	[tilespmem:s17+$0x13800] =	vst v10  }
0xea: {  	v9 =	vadd.s32 $0x7400, v2;
	v10 =	vld.idx.msk [tilespmem:v15+s2+$0x0], $0xffff;
	[tilespmem:s16+$0x13810] =	vst v7  }
0xeb: {  	v11 =	vld.idx.msk [tilespmem:v11+s2+$0x0], $0xffff;
	v7 =	vadd.s32 $0x3C00, v0;
	[tilespmem:s16+$0x13820] =	vst v5  }
0xec: {  	v15 =	vadd.s32 $0x7400, v3;
	v13 =	vld.idx.msk [tilespmem:v13+s2+$0x0], $0xffff;
	[tilespmem:s15+$0x17400] =	vst v14  }
0xed: {  	v5 =	vadd.s32 $0x3C00, v44;
	v8 =	vld.idx.msk [tilespmem:v8+s2+$0x0], $0xffff;
	[tilespmem:s14+$0x17410] =	vst v4  }
0xee: {  	v16 =	vadd.s32 $0x3C00, v21;
	v12 =	vld.idx.msk [tilespmem:v12+s2+$0x0], $0xffff;
	[tilespmem:s16+$0x13C30] =	vst v6  }
0xef: {  	v18 =	vadd.s32 $0x3C00, v46;
	v6 =	vld.idx.msk [tilespmem:v9+s2+$0x0], $0xffff;
	[tilespmem:s14+$0x17420] =	vst v10  }
0xf0: {  	v17 =	vadd.s32 $0x7800, v3;
	v14 =	vadd.s32 $0x7800, v1;
	v9 =	vadd.s32 $0x7C00, v3;
	v3 =	vld.idx.msk [tilespmem:v7+s2+$0x0], $0xffff;
	[tilespmem:s17+$0x13C00] =	vst v11  }
0xf1: {  	v11 =	vld.idx.msk [tilespmem:v15+s2+$0x0], $0xffff;
	[tilespmem:s16+$0x13C10] =	vst v13  }
0xf2: {  	v19 =	vadd.s32 $0x4400, v44;
	v20 =	vadd.s32 $0x4000, v46;
	v54 =	vadd.s32 $0x4800, v44;
	v5 =	vld.idx.msk [tilespmem:v5+s2+$0x0], $0xffff;
	[tilespmem:s16+$0x13C20] =	vst v8  }
0xf3: {  	v49 =	vadd.s32 $0x4400, v46;
	v55 =	vadd.s32 $0x4800, v21;
	v4 =	vadd.s32 $0x7800, v2;
	v16 =	vld.idx.msk [tilespmem:v16+s2+$0x0], $0xffff;
	[tilespmem:s15+$0x17800] =	vst v12  }
0xf4: {  	v41 =	vadd.s32 $0x4800, v46;
	v13 =	vadd.s32 $0x4000, v0;
	v8 =	vld.idx.msk [tilespmem:v18+s2+$0x0], $0xffff;
	[tilespmem:s14+$0x17810] =	vst v6;
	v6 =	vadd.s32 $0x5400, v44  }
0xf5: {  	v60 =	vadd.s32 $0x4C00, v44;
	v52 =	vadd.s32 $0x4C00, v21;
	v12 =	vld.idx.msk [tilespmem:v14+s2+$0x0], $0xffff;
	[tilespmem:$0x1FFD0] =	vst v6;
	v6 =	vadd.s32 $0x5400, v21  }
0xf6: {  	v50 =	vadd.s32 $0x4C00, v46;
	v45 =	vadd.s32 $0x5000, v44;
	v7 =	vadd.s32 $0x4000, v44;
	[tilespmem:$0x1FFE0] =	vst v6  }
0xf7: {  	v35 =	vadd.s32 $0x5000, v21;
	v10 =	vadd.s32 $0x4000, v21;
	[tilespmem:s16+$0x14030] =	vst v3;
	v3 =	vadd.s32 $0x5400, v46  }
0xf8: {  	v43 =	vadd.s32 $0x5000, v46;
	v59 =	vadd.s32 $0x5800, v44;
	v48 =	vadd.s32 $0x5800, v21;
	v4 =	vld.idx.msk [tilespmem:v4+s2+$0x0], $0xffff;
	[tilespmem:$0x1FFF0] =	vst v3  }
0xf9: {  	v42 =	vadd.s32 $0x5800, v46;
	v47 =	vadd.s32 $0x5C00, v44;
	v1 =	vadd.s32 $0x7C00, v1;
	v6 =	vld.idx.msk [tilespmem:v13+s2+$0x0], $0xffff;
	[tilespmem:s14+$0x17820] =	vst v11  }
0xfa: {  	v38 =	vadd.s32 $0x5C00, v21;
	v40 =	vadd.s32 $0x5C00, v46;
	v2 =	vadd.s32 $0x7C00, v2;
	[tilespmem:s17+$0x14000] =	vst v5;
	v11 =	vld.idx.msk [tilespmem:v17+s2+$0x0], $0xffff  }
0xfb: {  	v36 =	vadd.s32 $0x6000, v44;
	v37 =	vadd.s32 $0x6000, v21;
	[tilespmem:s16+$0x14010] =	vst v16;
	v5 =	vadd.s32 $0x4400, v0;
	v7 =	vld.idx.msk [tilespmem:v7+s2+$0x0], $0xffff  }
0xfc: {  	v32 =	vadd.s32 $0x6400, v44;
	v39 =	vadd.s32 $0x6000, v46;
	v27 =	vadd.s32 $0x6800, v44;
	[tilespmem:s16+$0x14020] =	vst v8;
	v10 =	vld.idx.msk [tilespmem:v10+s2+$0x0], $0xffff  }
0xfd: {  	v56 =	vadd.s32 $0x6400, v21;
	v57 =	vadd.s32 $0x6400, v46;
	v25 =	vadd.s32 $0x6C00, v44;
	[tilespmem:s15+$0x17C00] =	vst v12;
	v8 =	vld.idx.msk [tilespmem:v20+s2+$0x0], $0xffff  }
0xfe: {  	v30 =	vadd.s32 $0x6800, v21;
	v31 =	vadd.s32 $0x6800, v46;
	v15 =	vadd.s32 $0x4400, v21;
	v3 =	vld.idx.msk [tilespmem:v1+s2+$0x0], $0xffff;
	[tilespmem:s14+$0x17C10] =	vst v4  }
0xff: {  	v23 =	vadd.s32 $0x7000, v44;
	v28 =	vadd.s32 $0x6C00, v21;
	v29 =	vadd.s32 $0x6C00, v46;
	v2 =	vld.idx.msk [tilespmem:v2+s2+$0x0], $0xffff;
	[tilespmem:s16+$0x14430] =	vst v6  }
0x100: {  	v26 =	vadd.s32 $0x7000, v21;
	v24 =	vadd.s32 $0x7000, v46;
	v22 =	vadd.s32 $0x7400, v21;
	v5 =	vld.idx.msk [tilespmem:v5+s2+$0x0], $0xffff;
	[tilespmem:s14+$0x17C20] =	vst v11  }
0x101: {  	v18 =	vadd.s32 $0x7400, v44;
	v14 =	vadd.s32 $0x7C00, v21;
	v12 =	vadd.s32 $0x7800, v44;
	[tilespmem:s17+$0x14400] =	vst v7;
	v4 =	vld.idx.msk [tilespmem:v9+s2+$0x0], $0xffff  }
0x102: {  	v16 =	vadd.s32 $0x7800, v21;
	v13 =	vadd.s32 $0x7C00, v44;
	v20 =	vadd.s32 $0x7400, v46;
	[tilespmem:s16+$0x14410] =	vst v10;
	v6 =	vld.idx.msk [tilespmem:v19+s2+$0x0], $0xffff  }
0x103: {  	s19 =	simm.s32 $0x4;
	s20 =	simm.s32 $0x200;
	v17 =	vadd.s32 $0x7800, v46;
	[tilespmem:s16+$0x14420] =	vst v8;
	v8 =	vadd.s32 $0x4800, v0;
	v9 =	vadd.s32 $0x7C00, v46;
	v7 =	vld.idx.msk [tilespmem:v15+s2+$0x0], $0xffff  }
.LBB2_2:
0x104: {  	[tilespmem:$0x1FD40] =	vst v31  }
0x105: {  	[tilespmem:$0x1FCE0] =	vst v27  }
0x106: {  	[tilespmem:$0x1FD30] =	vst v30  }
0x107: {  	[tilespmem:$0x1FD80] =	vst v25  }
0x108: {  	[tilespmem:$0x1FD90] =	vst v28  }
0x109: {  	[tilespmem:$0x1FDA0] =	vst v29  }
0x10a: {  	[tilespmem:$0x1FDE0] =	vst v23  }
0x10b: {  	[tilespmem:$0x1FDF0] =	vst v26  }
0x10c: {  	[tilespmem:$0x1FE00] =	vst v24  }
0x10d: {  	[tilespmem:$0x1FE90] =	vst v20  }
0x10e: {  	[tilespmem:$0x1FE80] =	vst v22  }
0x10f: {  	[tilespmem:$0x1FE50] =	vst v18  }
0x110: {  	[tilespmem:$0x1FED0] =	vst v12  }
0x111: {  	[tilespmem:$0x1FF10] =	vst v17  }
0x112: {  	[tilespmem:$0x1FF90] =	vst v9  }
0x113: {  	s21 =	sshra.s32 s20, $0x2;
	[tilespmem:s15+$0x18000] =	vst v3  }
0x114: {  	s15 =	smov.u32 s17;
	[tilespmem:s14+$0x18010] =	vst v2;
	v1 =	vld [tilespmem:s21+$0x10000]  }
0x115: {  	[tilespmem:s15+$0x14800] =	vst v6;
	v9 =	vld.idx.msk [tilespmem:v49+s2+$0x0], $0xffff  }
0x116: {  	v49 =	vld [tilespmem:s21+$0x10030];
	[tilespmem:s16+$0x14830] =	vst v5  }
0x117: {  	[tilespmem:s14+$0x18020] =	vst v4;
	s14 =	smov.u32 s16;
	s16 =	smov.u32 s21;
	v6 =	vld.idx.msk [tilespmem:v54+s2+$0x0], $0xffff  }
0x118: {  	[tilespmem:$0x1FF80] =	vst v14;
	v44 =	vld [tilespmem:s16+$0x10010]  }
0x119: {  	v18 =	vld [tilespmem:s16+$0x10020];
	[tilespmem:s14+$0x14810] =	vst v7;
	v4 =	vadd.s32 $0x2000, v1  }
0x11a: {  	[tilespmem:$0x1FC40] =	vst v4;
	v4 =	vadd.s32 $0x2400, v1  }
0x11b: {  	v3 =	vld.idx.msk [tilespmem:v8+s2+$0x0], $0xffff;
	[tilespmem:$0x1FC70] =	vst v4  }
0x11c: {  	[tilespmem:s14+$0x14820] =	vst v9  }
0x11d: {  	v28 =	vld.idx.msk [tilespmem:v1+s2+$0x0], $0xffff;
	[tilespmem:s15+$0x14C00] =	vst v6;
	v4 =	vadd.s32 $0x2000, v44  }
0x11e: {  	v9 =	vld.idx.msk [tilespmem:v55+s2+$0x0], $0xffff;
	v6 =	vmov v40;
	v40 =	vadd.s32 $0x7800, v18;
	[tilespmem:$0x1FC50] =	vst v4  }
0x11f: {  	v5 =	vadd.s32 $0x4C00, v0;
	[tilespmem:$0x1FF20] =	vst v40  }
0x120: {  	v4 =	vadd.s32 $0x2000, v18;
	v22 =	vld.idx.msk [tilespmem:v49+s2+$0x0], $0xffff;
	[tilespmem:s14+$0x14C30] =	vst v3  }
0x121: {  	v12 =	vld.idx.msk [tilespmem:v41+s2+$0x0], $0xffff;
	[tilespmem:$0x1FC60] =	vst v4;
	v4 =	vadd.s32 $0x2800, v1  }
0x122: {  	[tilespmem:$0x1FCB0] =	vst v4  }
0x123: {  	v30 =	vld.idx.msk [tilespmem:v44+s2+$0x0], $0xffff;
	v4 =	vadd.s32 $0x2400, v44;
	[tilespmem:s14+$0x14C10] =	vst v9  }
0x124: {  	v27 =	vld.idx.msk [tilespmem:v5+s2+$0x0], $0xffff;
	[tilespmem:$0x1FC80] =	vst v4  }
0x125: {  	v9 =	vld.idx.msk [tilespmem:v60+s2+$0x0], $0xffff;
	[tilespmem:s16+$0x10400] =	vst v28  }
0x126: {  	v29 =	vadd.s32 $0x400, v49;
	v34 =	vld.idx.msk [tilespmem:v18+s2+$0x0], $0xffff;
	v4 =	vadd.s32 $0x2400, v18;
	[tilespmem:s14+$0x14C20] =	vst v12  }
0x127: {  	[tilespmem:$0x1FC90] =	vst v4;
	v4 =	vadd.s32 $0x2C00, v1  }
0x128: {  	[tilespmem:$0x1FCF0] =	vst v4  }
0x129: {  	v7 =	vadd.s32 $0x400, v1;
	v4 =	vadd.s32 $0x2800, v44;
	[tilespmem:s16+$0x10430] =	vst v22  }
0x12a: {  	[tilespmem:$0x1FCC0] =	vst v4  }
0x12b: {  	v4 =	vadd.s32 $0x2800, v18;
	v22 =	vld.idx.msk [tilespmem:v29+s2+$0x0], $0xffff;
	[tilespmem:s14+$0x15030] =	vst v27  }
0x12c: {  	[tilespmem:$0x1FCD0] =	vst v4  }
0x12d: {  	v14 =	vadd.s32 $0x400, v44;
	v12 =	vld.idx.msk [tilespmem:v52+s2+$0x0], $0xffff;
	[tilespmem:s16+$0x10410] =	vst v30  }
0x12e: {  	v7 =	vld.idx.msk [tilespmem:v7+s2+$0x0], $0xffff;
	v4 =	vadd.s32 $0x2C00, v44;
	[tilespmem:s16+$0x10420] =	vst v34  }
0x12f: {  	v33 =	vadd.s32 $0x5000, v0;
	[tilespmem:$0x1FD00] =	vst v4  }
0x130: {  	v4 =	vadd.s32 $0x2C00, v18;
	[tilespmem:s15+$0x15000] =	vst v9  }
0x131: {  	s18 =	sadd.s32 $0x40, s18;
	v24 =	vadd.s32 $0x400, v18;
	[tilespmem:$0x1FD20] =	vst v4  }
0x132: {  	s17 =	sand.u32 $0x3C0, s18;
	v14 =	vld.idx.msk [tilespmem:v14+s2+$0x0], $0xffff;
	[tilespmem:s14+$0x15010] =	vst v12  }
0x133: {  	v4 =	vadd.s32 $0x3000, v1;
	v12 =	vld.idx.msk [tilespmem:v45+s2+$0x0], $0xffff;
	[tilespmem:s17+$0x10800] =	vst v7  }
0x134: {  	v28 =	vadd.s32 $0x800, v49;
	v27 =	vld.idx.msk [tilespmem:v33+s2+$0x0], $0xffff;
	[tilespmem:$0x1FD50] =	vst v4;
	v4 =	vadd.s32 $0x3000, v44  }
0x135: {  	[tilespmem:$0x1FD60] =	vst v4;
	v4 =	vadd.s32 $0x3400, v1  }
0x136: {  	v24 =	vld.idx.msk [tilespmem:v24+s2+$0x0], $0xffff;
	[tilespmem:$0x1FDB0] =	vst v4  }
0x137: {  	v4 =	vadd.s32 $0x3400, v44;
	[tilespmem:s16+$0x10830] =	vst v22  }
0x138: {  	v8 =	vadd.s32 $0x800, v1;
	v9 =	vld.idx.msk [tilespmem:v50+s2+$0x0], $0xffff;
	[tilespmem:$0x1FDC0] =	vst v4  }
0x139: {  	v26 =	vadd.s32 $0x800, v18;
	v22 =	vld.idx.msk [tilespmem:v28+s2+$0x0], $0xffff;
	[tilespmem:s14+$0x15430] =	vst v27  }
0x13a: {  	[tilespmem:s16+$0x10810] =	vst v14  }
0x13b: {  	v4 =	vadd.s32 $0x3000, v18;
	[tilespmem:s16+$0x10820] =	vst v24  }
0x13c: {  	v27 =	vadd.s32 $0x4C00, v44;
	[tilespmem:$0x1FD70] =	vst v4  }
0x13d: {  	v8 =	vld.idx.msk [tilespmem:v8+s2+$0x0], $0xffff;
	[tilespmem:$0x1FE70] =	vst v27  }
0x13e: {  	v26 =	vld.idx.msk [tilespmem:v26+s2+$0x0], $0xffff;
	[tilespmem:s14+$0x15020] =	vst v9  }
0x13f: {  	v29 =	vadd.s32 $0x5400, v0;
	v4 =	vadd.s32 $0x3800, v1;
	[tilespmem:s15+$0x15400] =	vst v12  }
0x140: {  	v19 =	vadd.s32 $0x800, v44;
	v9 =	vadd.s32 $0x5000, v1;
	[tilespmem:$0x1FE20] =	vst v4  }
0x141: {  	[tilespmem:$0x1FF30] =	vst v9  }
0x142: {  	v4 =	vadd.s32 $0x3800, v44;
	[tilespmem:s17+$0x10C00] =	vst v8  }
0x143: {  	v14 =	vadd.s32 $0xC00, v49;
	[tilespmem:$0x1FE30] =	vst v4;
	v4 =	vadd.s32 $0x3400, v18  }
0x144: {  	v3 =	vadd.s32 $0xC00, v18;
	v7 =	vld.idx.msk [tilespmem:v29+s2+$0x0], $0xffff;
	[tilespmem:$0x1FDD0] =	vst v4;
	v4 =	vadd.s32 $0x3C00, v1  }
0x145: {  	v19 =	vld.idx.msk [tilespmem:v19+s2+$0x0], $0xffff;
	[tilespmem:$0x1FEA0] =	vst v4  }
0x146: {  	v12 =	vld.idx.msk [tilespmem:v35+s2+$0x0], $0xffff;
	v4 =	vadd.s32 $0x3C00, v44;
	[tilespmem:s16+$0x10C30] =	vst v22  }
0x147: {  	v58 =	vadd.s32 $0xC00, v44;
	v52 =	vld.idx.msk [tilespmem:v43+s2+$0x0], $0xffff;
	[tilespmem:$0x1FEB0] =	vst v4  }
0x148: {  	v54 =	vld.idx.msk [tilespmem:v14+s2+$0x0], $0xffff;
	[tilespmem:s16+$0x10C20] =	vst v26  }
0x149: {  	v43 =	vmov v42;
	v42 =	vmov v48;
	[tilespmem:s14+$0x15830] =	vst v7;
	v48 =	vld.idx.msk [tilespmem:v3+s2+$0x0], $0xffff  }
0x14a: {  	v24 =	vadd.s32 $0x5800, v0;
	v4 =	vadd.s32 $0x3800, v18;
	[tilespmem:s16+$0x10C10] =	vst v19;
	v3 =	vld [tilespmem:$0x1FFD0]  }
0x14b: {  	v2 =	vadd.s32 $0xC00, v1;
	[tilespmem:$0x1FE40] =	vst v4  }
0x14c: {  	v4 =	vadd.s32 $0x4000, v1;
	v45 =	vld.idx.msk [tilespmem:v58+s2+$0x0], $0xffff;
	[tilespmem:s14+$0x15410] =	vst v12  }
0x14d: {  	[tilespmem:$0x1FF40] =	vst v4;
	v4 =	vadd.s32 $0x4000, v44  }
0x14e: {  	[tilespmem:$0x1FF50] =	vst v4;
	v4 =	vadd.s32 $0x3C00, v18  }
0x14f: {  	v7 =	vmovc v39;
	v39 =	vmov v36;
	v36 =	vadd.s32 $0x1000, v49;
	v35 =	vld.idx.msk [tilespmem:v24+s2+$0x0], $0xffff;
	[tilespmem:$0x1FEC0] =	vst v4;
	v4 =	vadd.s32 $0x4400, v1  }
0x150: {  	v2 =	vld.idx.msk [tilespmem:v2+s2+$0x0], $0xffff;
	[tilespmem:$0x1FFB0] =	vst v4  }
0x151: {  	v46 =	vadd.s32 $0x1000, v1;
	v41 =	vmovc v47;
	v47 =	vadd.s32 $0x5400, v1;
	v4 =	vadd.s32 $0x4400, v44;
	[tilespmem:s16+$0x11030] =	vst v54  }
0x152: {  	[tilespmem:$0x1FFC0] =	vst v4;
	v51 =	vld.idx.msk [tilespmem:v3+s2+$0x0], $0xffff;
	v3 =	vmov v47  }
0x153: {  	v17 =	vadd.s32 $0x1400, v1;
	[tilespmem:$0x1FFD0] =	vst v3;
	v3 =	vld [tilespmem:$0x1FFE0]  }
0x154: {  	v25 =	vadd.s32 $0x1000, v44;
	v23 =	vadd.s32 $0x1000, v18;
	v20 =	vadd.s32 $0x1400, v18;
	v36 =	vld.idx.msk [tilespmem:v36+s2+$0x0], $0xffff;
	[tilespmem:s14+$0x15C30] =	vst v35  }
0x155: {  	v15 =	vadd.s32 $0x1800, v18;
	v11 =	vadd.s32 $0x1C00, v18;
	v4 =	vadd.s32 $0x4000, v18;
	[tilespmem:s17+$0x11000] =	vst v2  }
0x156: {  	v31 =	vadd.s32 $0x5400, v18;
	v62 =	vadd.s32 $0x5800, v18;
	[tilespmem:$0x1FF60] =	vst v4;
	v4 =	vadd.s32 $0x4800, v1;
	v46 =	vld.idx.msk [tilespmem:v46+s2+$0x0], $0xffff  }
0x157: {  	v30 =	vadd.s32 $0x5C00, v18;
	v50 =	vadd.s32 $0x5400, v44;
	[tilespmem:$0x1FE60] =	vst v4;
	v4 =	vadd.s32 $0x4400, v18  }
0x158: {  	v28 =	vadd.s32 $0x6000, v18;
	v27 =	vadd.s32 $0x4C00, v18;
	v9 =	vadd.s32 $0x5000, v18;
	[tilespmem:$0x1FD10] =	vst v4  }
0x159: {  	v8 =	vadd.s32 $0x6C00, v18;
	v22 =	vadd.s32 $0x6400, v18;
	v4 =	vadd.s32 $0x4800, v44;
	[tilespmem:s15+$0x15800] =	vst v51  }
0x15a: {  	v14 =	vadd.s32 $0x6800, v18;
	v58 =	vmovc v37;
	v37 =	vadd.s32 $0x5C00, v0;
	v35 =	vadd.s32 $0x7400, v18;
	[tilespmem:$0x1FCA0] =	vst v4;
	v51 =	vmovc v31;
	v31 =	vld.idx.msk [tilespmem:v59+s2+$0x0], $0xffff  }
0x15b: {  	v4 =	vadd.s32 $0x4800, v18;
	[tilespmem:s17+$0x11400] =	vst v46;
	v47 =	vld.idx.msk [tilespmem:v3+s2+$0x0], $0xffff;
	v3 =	vmovc v50;
	v50 =	vadd.s32 $0x7000, v18;
	v18 =	vadd.s32 $0x7C00, v18  }
0x15c: {  	[tilespmem:$0x1FFA0] =	vst v18;
	v18 =	vld [tilespmem:$0x1FFF0]  }
0x15d: {  	[tilespmem:s14+$0x15420] =	vst v52;
	v17 =	vld.idx.msk [tilespmem:v17+s2+$0x0], $0xffff  }
0x15e: {  	v40 =	vmov v38;
	v38 =	vadd.s32 $0x1400, v49;
	[tilespmem:s16+$0x11020] =	vst v48  }
0x15f: {  	v37 =	vld.idx.msk [tilespmem:v37+s2+$0x0], $0xffff;
	[tilespmem:s16+$0x11010] =	vst v45  }
0x160: {  	v48 =	vadd.s32 $0x6000, v0;
	[tilespmem:s16+$0x11430] =	vst v36;
	v25 =	vld.idx.msk [tilespmem:v25+s2+$0x0], $0xffff  }
0x161: {  	v21 =	vadd.s32 $0x1400, v44;
	v23 =	vld.idx.msk [tilespmem:v23+s2+$0x0], $0xffff;
	[tilespmem:s15+$0x15C00] =	vst v31  }
0x162: {  	v10 =	vadd.s32 $0x1800, v1;
	[tilespmem:s17+$0x11800] =	vst v17  }
0x163: {  	[tilespmem:s14+$0x15810] =	vst v47;
	v47 =	vld.idx.msk [tilespmem:v38+s2+$0x0], $0xffff  }
0x164: {  	[tilespmem:s14+$0x16030] =	vst v37;
	v18 =	vld.idx.msk [tilespmem:v18+s2+$0x0], $0xffff  }
0x165: {  	v36 =	vld.idx.msk [tilespmem:v48+s2+$0x0], $0xffff;
	[tilespmem:s16+$0x11410] =	vst v25;
	v25 =	vadd.s32 $0x1800, v49  }
0x166: {  	v21 =	vld.idx.msk [tilespmem:v21+s2+$0x0], $0xffff;
	[tilespmem:s16+$0x11420] =	vst v23;
	v23 =	vadd.s32 $0x6400, v0  }
0x167: {  	[tilespmem:$0x1FEF0] =	vst v16;
	v10 =	vld.idx.msk [tilespmem:v10+s2+$0x0], $0xffff  }
0x168: {  	v16 =	vadd.s32 $0x1800, v44;
	v20 =	vld.idx.msk [tilespmem:v20+s2+$0x0], $0xffff;
	[tilespmem:s16+$0x11830] =	vst v47  }
0x169: {  	[tilespmem:s14+$0x15820] =	vst v18;
	v18 =	vld.idx.msk [tilespmem:v42+s2+$0x0], $0xffff  }
0x16a: {  	v25 =	vld.idx.msk [tilespmem:v25+s2+$0x0], $0xffff;
	[tilespmem:s14+$0x16430] =	vst v36  }
0x16b: {  	v17 =	vld.idx.msk [tilespmem:v23+s2+$0x0], $0xffff;
	[tilespmem:s16+$0x11810] =	vst v21;
	v21 =	vadd.s32 $0x1C00, v49  }
0x16c: {  	v5 =	vadd.s32 $0x1C00, v1;
	v31 =	vld.idx.msk [tilespmem:v43+s2+$0x0], $0xffff  }
0x16d: {  	v16 =	vld.idx.msk [tilespmem:v16+s2+$0x0], $0xffff;
	[tilespmem:s16+$0x11820] =	vst v20  }
0x16e: {  	[tilespmem:s14+$0x15C10] =	vst v18;
	v18 =	vld.idx.msk [tilespmem:v41+s2+$0x0], $0xffff  }
0x16f: {  	[tilespmem:s16+$0x11C30] =	vst v25;
	v41 =	vmov v4;
	v4 =	vld [tilespmem:$0x1FC40]  }
0x170: {  	v20 =	vadd.s32 $0x6800, v0;
	v21 =	vld.idx.msk [tilespmem:v21+s2+$0x0], $0xffff;
	[tilespmem:s17+$0x11C00] =	vst v10  }
0x171: {  	[tilespmem:s14+$0x16830] =	vst v17;
	v17 =	vld.idx.msk [tilespmem:v5+s2+$0x0], $0xffff;
	_ =	sdelay $0x1  }
0x172: {  	v15 =	vld.idx.msk [tilespmem:v15+s2+$0x0], $0xffff  }
0x173: {  	[tilespmem:$0x1FF70] =	vst v13;
	v23 =	vld.idx.msk [tilespmem:v40+s2+$0x0], $0xffff  }
0x174: {  	v13 =	vadd.s32 $0x1C00, v44;
	v10 =	vld.idx.msk [tilespmem:v20+s2+$0x0], $0xffff;
	[tilespmem:s15+$0x16000] =	vst v18  }
0x175: {  	v20 =	vld.idx.msk [tilespmem:v39+s2+$0x0], $0xffff;
	[tilespmem:s17+$0x12000] =	vst v17  }
0x176: {  	v5 =	vld.idx.msk [tilespmem:v4+s2+$0x0], $0xffff  }
0x177: {  	[tilespmem:s14+$0x15C20] =	vst v31;
	v4 =	vld [tilespmem:$0x1FC50]  }
0x178: {  	[tilespmem:s16+$0x11C10] =	vst v16;
	v16 =	vadd.s32 $0x2000, v49  }
0x179: {  	v13 =	vld.idx.msk [tilespmem:v13+s2+$0x0], $0xffff;
	[tilespmem:s16+$0x11C20] =	vst v15;
	v15 =	vadd.s32 $0x6C00, v0;
	_ =	sdelay $0x1  }
0x17a: {  	[tilespmem:s16+$0x12030] =	vst v21  }
0x17b: {  	[tilespmem:s14+$0x16010] =	vst v23  }
0x17c: {  	v16 =	vld.idx.msk [tilespmem:v16+s2+$0x0], $0xffff;
	[tilespmem:s14+$0x16C30] =	vst v10  }
0x17d: {  	v10 =	vld.idx.msk [tilespmem:v15+s2+$0x0], $0xffff;
	[tilespmem:s16+$0x12010] =	vst v13  }
0x17e: {  	v15 =	vld.idx.msk [tilespmem:v4+s2+$0x0], $0xffff  }
0x17f: {  	v4 =	vld [tilespmem:$0x1FC60];
	_ =	sdelay $0x1  }
0x180: {  	v11 =	vld.idx.msk [tilespmem:v11+s2+$0x0], $0xffff;
	_ =	sdelay $0x4  }
0x181: {  	v18 =	vld.idx.msk [tilespmem:v6+s2+$0x0], $0xffff;
	[tilespmem:s16+$0x12020] =	vst v11  }
0x182: {  	v6 =	vld.idx.msk [tilespmem:v4+s2+$0x0], $0xffff  }
0x183: {  	v4 =	vld [tilespmem:$0x1FC70];
	_ =	sdelay $0x1  }
0x184: {  	v13 =	vadd.s32 $0x2400, v49;
	_ =	sdelay $0x2  }
0x185: {  	[tilespmem:s15+$0x16400] =	vst v20  }
0x186: {  	[tilespmem:s16+$0x12430] =	vst v16  }
0x187: {  	v13 =	vld.idx.msk [tilespmem:v13+s2+$0x0], $0xffff;
	[tilespmem:s17+$0x12400] =	vst v5  }
0x188: {  	[tilespmem:s14+$0x17030] =	vst v10;
	v10 =	vld.idx.msk [tilespmem:v4+s2+$0x0], $0xffff  }
0x189: {  	v4 =	vld [tilespmem:$0x1FC80];
	_ =	sdelay $0x6  }
0x18a: {  	v17 =	vld.idx.msk [tilespmem:v58+s2+$0x0], $0xffff;
	[tilespmem:s16+$0x12410] =	vst v15  }
0x18b: {  	v15 =	vld.idx.msk [tilespmem:v4+s2+$0x0], $0xffff  }
0x18c: {  	v4 =	vld [tilespmem:$0x1FC90]  }
0x18d: {  	v11 =	vadd.s32 $0x7000, v0;
	_ =	sdelay $0x4  }
0x18e: {  	v5 =	vld.idx.msk [tilespmem:v11+s2+$0x0], $0xffff;
	[tilespmem:s14+$0x16020] =	vst v18  }
0x18f: {  	v16 =	vld.idx.msk [tilespmem:v7+s2+$0x0], $0xffff;
	[tilespmem:s16+$0x12420] =	vst v6  }
0x190: {  	v18 =	vld.idx.msk [tilespmem:v4+s2+$0x0], $0xffff  }
0x191: {  	v11 =	vadd.s32 $0x2800, v49;
	v4 =	vld [tilespmem:$0x1FCB0]  }
0x192: {  	v6 =	vadd.s32 $0x7400, v0  }
0x193: {  	v55 =	vmov v32;
	_ =	sdelay $0x1  }
0x194: {  	[tilespmem:s16+$0x12830] =	vst v13  }
0x195: {  	v11 =	vld.idx.msk [tilespmem:v11+s2+$0x0], $0xffff;
	[tilespmem:s14+$0x17430] =	vst v5  }
0x196: {  	v5 =	vld.idx.msk [tilespmem:v6+s2+$0x0], $0xffff;
	[tilespmem:s14+$0x16410] =	vst v17  }
0x197: {  	v17 =	vld.idx.msk [tilespmem:v55+s2+$0x0], $0xffff;
	[tilespmem:s17+$0x12800] =	vst v10  }
0x198: {  	v6 =	vld.idx.msk [tilespmem:v4+s2+$0x0], $0xffff  }
0x199: {  	v4 =	vld [tilespmem:$0x1FCC0];
	_ =	sdelay $0x6  }
0x19a: {  	v13 =	vld.idx.msk [tilespmem:v56+s2+$0x0], $0xffff;
	[tilespmem:s16+$0x12810] =	vst v15  }
0x19b: {  	v15 =	vld.idx.msk [tilespmem:v4+s2+$0x0], $0xffff  }
0x19c: {  	v4 =	vld [tilespmem:$0x1FCD0];
	_ =	sdelay $0x5  }
0x19d: {  	[tilespmem:s14+$0x16420] =	vst v16  }
0x19e: {  	[tilespmem:s16+$0x12820] =	vst v18  }
0x19f: {  	v18 =	vld.idx.msk [tilespmem:v4+s2+$0x0], $0xffff  }
0x1a0: {  	v4 =	vld [tilespmem:$0x1FCE0];
	_ =	sdelay $0x6  }
0x1a1: {  	[tilespmem:s15+$0x16800] =	vst v17  }
0x1a2: {  	[tilespmem:s16+$0x12C30] =	vst v11;
	v11 =	vld.idx.msk [tilespmem:v4+s2+$0x0], $0xffff  }
0x1a3: {  	v4 =	vld [tilespmem:$0x1FCF0];
	_ =	sdelay $0x6  }
0x1a4: {  	[tilespmem:s17+$0x12C00] =	vst v6  }
0x1a5: {  	v6 =	vld.idx.msk [tilespmem:v4+s2+$0x0], $0xffff  }
0x1a6: {  	v10 =	vadd.s32 $0x2C00, v49;
	v4 =	vld [tilespmem:$0x1FD00];
	_ =	sdelay $0x1  }
0x1a7: {  	v16 =	vadd.s32 $0x7800, v0;
	_ =	sdelay $0x2  }
0x1a8: {  	v10 =	vld.idx.msk [tilespmem:v10+s2+$0x0], $0xffff;
	[tilespmem:s14+$0x17830] =	vst v5  }
0x1a9: {  	[tilespmem:s14+$0x16810] =	vst v13  }
0x1aa: {  	v5 =	vld.idx.msk [tilespmem:v16+s2+$0x0], $0xffff;
	[tilespmem:s16+$0x12C10] =	vst v15  }
0x1ab: {  	v16 =	vld.idx.msk [tilespmem:v4+s2+$0x0], $0xffff  }
0x1ac: {  	v4 =	vld [tilespmem:$0x1FD20];
	_ =	sdelay $0x6  }
0x1ad: {  	v13 =	vld.idx.msk [tilespmem:v57+s2+$0x0], $0xffff;
	[tilespmem:s16+$0x12C20] =	vst v18  }
0x1ae: {  	v18 =	vld.idx.msk [tilespmem:v4+s2+$0x0], $0xffff  }
0x1af: {  	v4 =	vld [tilespmem:$0x1FD30];
	_ =	sdelay $0x7  }
0x1b0: {  	[tilespmem:s15+$0x16C00] =	vst v11;
	v11 =	vld.idx.msk [tilespmem:v4+s2+$0x0], $0xffff  }
0x1b1: {  	v4 =	vld [tilespmem:$0x1FD40];
	_ =	sdelay $0x6  }
0x1b2: {  	[tilespmem:s14+$0x16820] =	vst v13  }
0x1b3: {  	[tilespmem:s16+$0x13030] =	vst v10;
	v10 =	vld.idx.msk [tilespmem:v4+s2+$0x0], $0xffff  }
0x1b4: {  	v4 =	vld [tilespmem:$0x1FD50];
	_ =	sdelay $0x6  }
0x1b5: {  	[tilespmem:s17+$0x13000] =	vst v6  }
0x1b6: {  	v6 =	vld.idx.msk [tilespmem:v4+s2+$0x0], $0xffff  }
0x1b7: {  	v4 =	vld [tilespmem:$0x1FD60];
	_ =	sdelay $0x1  }
0x1b8: {  	v15 =	vadd.s32 $0x3000, v49;
	_ =	sdelay $0x4  }
0x1b9: {  	v13 =	vld.idx.msk [tilespmem:v15+s2+$0x0], $0xffff;
	[tilespmem:s16+$0x13010] =	vst v16  }
0x1ba: {  	v15 =	vld.idx.msk [tilespmem:v4+s2+$0x0], $0xffff  }
0x1bb: {  	v4 =	vld [tilespmem:$0x1FD70];
	_ =	sdelay $0x6  }
0x1bc: {  	[tilespmem:s16+$0x13020] =	vst v18  }
0x1bd: {  	v16 =	vld.idx.msk [tilespmem:v4+s2+$0x0], $0xffff  }
0x1be: {  	v4 =	vld [tilespmem:$0x1FD80];
	_ =	sdelay $0x7  }
0x1bf: {  	[tilespmem:s14+$0x16C10] =	vst v11;
	v11 =	vld.idx.msk [tilespmem:v4+s2+$0x0], $0xffff  }
0x1c0: {  	v4 =	vld [tilespmem:$0x1FD90];
	_ =	sdelay $0x6  }
0x1c1: {  	v53 =	vmov v9;
	v9 =	vadd.s32 $0x6C00, v1;
	v17 =	vadd.s32 $0x7C00, v0  }
0x1c2: {  	v25 =	vmov v9;
	v9 =	vld.idx.msk [tilespmem:v4+s2+$0x0], $0xffff  }
0x1c3: {  	v4 =	vld [tilespmem:$0x1FDA0]  }
0x1c4: {  	v0 =	vmov v49  }
0x1c5: {  	v31 =	vmov v14;
	v14 =	vadd.s32 $0x3400, v0;
	[tilespmem:s14+$0x17C30] =	vst v5  }
0x1c6: {  	v5 =	vld.idx.msk [tilespmem:v17+s2+$0x0], $0xffff;
	_ =	sdelay $0x2  }
0x1c7: {  	[tilespmem:s16+$0x13430] =	vst v13  }
0x1c8: {  	[tilespmem:s14+$0x16C20] =	vst v10;
	v10 =	vld.idx.msk [tilespmem:v14+s2+$0x0], $0xffff  }
0x1c9: {  	[tilespmem:s14+$0x18030] =	vst v5;
	v5 =	vld.idx.msk [tilespmem:v4+s2+$0x0], $0xffff  }
0x1ca: {  	v4 =	vld [tilespmem:$0x1FDB0];
	_ =	sdelay $0x6  }
0x1cb: {  	[tilespmem:s17+$0x13400] =	vst v6  }
0x1cc: {  	v6 =	vld.idx.msk [tilespmem:v4+s2+$0x0], $0xffff  }
0x1cd: {  	v4 =	vld [tilespmem:$0x1FDC0];
	_ =	sdelay $0x6  }
0x1ce: {  	v12 =	vadd.s32 $0x6C00, v44;
	[tilespmem:s16+$0x13410] =	vst v15  }
0x1cf: {  	v39 =	vmov v28;
	v28 =	vmov v12;
	v12 =	vld.idx.msk [tilespmem:v4+s2+$0x0], $0xffff  }
0x1d0: {  	v4 =	vld [tilespmem:$0x1FDD0];
	_ =	sdelay $0x6  }
0x1d1: {  	[tilespmem:s16+$0x13420] =	vst v16  }
0x1d2: {  	v13 =	vld.idx.msk [tilespmem:v4+s2+$0x0], $0xffff  }
0x1d3: {  	v26 =	vadd.s32 $0x6400, v44;
	v4 =	vld [tilespmem:$0x1FDE0];
	_ =	sdelay $0x1  }
0x1d4: {  	v29 =	vadd.s32 $0x6000, v1;
	[tilespmem:$0x1FFE0] =	vst v3;
	v3 =	vadd.s32 $0x7000, v44  }
0x1d5: {  	v56 =	vmov v26;
	v26 =	vmov v3;
	v3 =	vld [tilespmem:$0x1FE00];
	_ =	sdelay $0x1  }
0x1d6: {  	v36 =	vmov v29;
	v29 =	vmov v8;
	v8 =	vadd.s32 $0x3800, v0;
	_ =	sdelay $0x1  }
0x1d7: {  	[tilespmem:s15+$0x17000] =	vst v11  }
0x1d8: {  	v11 =	vld.idx.msk [tilespmem:v4+s2+$0x0], $0xffff  }
0x1d9: {  	[tilespmem:s16+$0x13830] =	vst v10;
	v4 =	vld [tilespmem:$0x1FDF0]  }
0x1da: {  	v7 =	vld.idx.msk [tilespmem:v8+s2+$0x0], $0xffff;
	[tilespmem:s14+$0x17020] =	vst v5  }
0x1db: {  	v5 =	vld.idx.msk [tilespmem:v3+s2+$0x0], $0xffff  }
0x1dc: {  	v3 =	vld [tilespmem:$0x1FE20]  }
0x1dd: {  	v8 =	vld [tilespmem:$0x1FE30];
	_ =	sdelay $0x2  }
0x1de: {  	[tilespmem:s14+$0x17010] =	vst v9  }
0x1df: {  	v4 =	vld.idx.msk [tilespmem:v4+s2+$0x0], $0xffff  }
0x1e0: {  	v10 =	vld [tilespmem:$0x1FE50]  }
0x1e1: {  	[tilespmem:s17+$0x13800] =	vst v6  }
0x1e2: {  	v3 =	vld.idx.msk [tilespmem:v3+s2+$0x0], $0xffff;
	[tilespmem:s16+$0x13810] =	vst v12  }
0x1e3: {  	v8 =	vld.idx.msk [tilespmem:v8+s2+$0x0], $0xffff  }
0x1e4: {  	[tilespmem:s14+$0x17410] =	vst v4;
	v4 =	vld [tilespmem:$0x1FE80];
	_ =	sdelay $0x2  }
0x1e5: {  	v9 =	vld [tilespmem:$0x1FE40];
	[tilespmem:s15+$0x17400] =	vst v11  }
0x1e6: {  	v10 =	vld.idx.msk [tilespmem:v10+s2+$0x0], $0xffff  }
0x1e7: {  	[tilespmem:s17+$0x13C00] =	vst v3;
	v3 =	vld [tilespmem:$0x1FE90];
	_ =	sdelay $0x2  }
0x1e8: {  	[tilespmem:s16+$0x13C30] =	vst v7;
	v4 =	vld.idx.msk [tilespmem:v4+s2+$0x0], $0xffff  }
0x1e9: {  	[tilespmem:s16+$0x13C10] =	vst v8;
	v8 =	vld [tilespmem:$0x1FEC0]  }
0x1ea: {  	v7 =	vld [tilespmem:$0x1FEB0];
	[tilespmem:s16+$0x13820] =	vst v13  }
0x1eb: {  	v9 =	vld.idx.msk [tilespmem:v9+s2+$0x0], $0xffff;
	v6 =	vadd.s32 $0x3C00, v0  }
0x1ec: {  	[tilespmem:s14+$0x17420] =	vst v5  }
0x1ed: {  	v3 =	vld.idx.msk [tilespmem:v3+s2+$0x0], $0xffff  }
0x1ee: {  	v2 =	vadd.s32 $0x7800, v1  }
0x1ef: {  	[tilespmem:$0x1FEE0] =	vst v2;
	v2 =	vadd.s32 $0x7400, v44  }
0x1f0: {  	v57 =	vmov v22;
	v22 =	vmov v2;
	v2 =	vld.idx.msk [tilespmem:v6+s2+$0x0], $0xffff;
	[tilespmem:s16+$0x13C20] =	vst v9  }
0x1f1: {  	v8 =	vld.idx.msk [tilespmem:v8+s2+$0x0], $0xffff  }
0x1f2: {  	[tilespmem:s14+$0x17820] =	vst v3;
	v3 =	vld [tilespmem:$0x1FF10]  }
0x1f3: {  	v7 =	vld.idx.msk [tilespmem:v7+s2+$0x0], $0xffff  }
0x1f4: {  	v6 =	vadd.s32 $0x4000, v0;
	[tilespmem:s14+$0x17810] =	vst v4;
	v4 =	vld [tilespmem:$0x1FEE0];
	_ =	sdelay $0x3  }
0x1f5: {  	v5 =	vld [tilespmem:$0x1FEA0];
	[tilespmem:s16+$0x14030] =	vst v2  }
0x1f6: {  	v12 =	vmov v4;
	v4 =	vld.idx.msk [tilespmem:v6+s2+$0x0], $0xffff  }
0x1f7: {  	v6 =	vld.idx.msk [tilespmem:v3+s2+$0x0], $0xffff  }
0x1f8: {  	v3 =	vld [tilespmem:$0x1FF20];
	_ =	sdelay $0x3  }
0x1f9: {  	v9 =	vld [tilespmem:$0x1FED0]  }
0x1fa: {  	v17 =	vmov v3;
	v3 =	vld [tilespmem:$0x1FF40];
	_ =	sdelay $0x1  }
0x1fb: {  	v5 =	vld.idx.msk [tilespmem:v5+s2+$0x0], $0xffff;
	_ =	sdelay $0x2  }
0x1fc: {  	v2 =	vld [tilespmem:$0x1FEF0]  }
0x1fd: {  	[tilespmem:s15+$0x17800] =	vst v10  }
0x1fe: {  	v9 =	vld.idx.msk [tilespmem:v9+s2+$0x0], $0xffff;
	[tilespmem:s17+$0x14000] =	vst v5  }
0x1ff: {  	v32 =	vadd.s32 $0x5800, v1;
	v60 =	vadd.s32 $0x4C00, v1;
	v10 =	vld.idx.msk [tilespmem:v3+s2+$0x0], $0xffff  }
0x200: {  	v34 =	vadd.s32 $0x5C00, v1;
	v19 =	vadd.s32 $0x6800, v1;
	v24 =	vadd.s32 $0x6400, v1;
	v3 =	vld [tilespmem:$0x1FF50]  }
0x201: {  	v52 =	vadd.s32 $0x7000, v1;
	v54 =	vadd.s32 $0x7400, v1;
	v1 =	vadd.s32 $0x7C00, v1  }
0x202: {  	v13 =	vmov v1;
	v1 =	vld [tilespmem:$0x1FF80];
	_ =	sdelay $0x1  }
0x203: {  	v2 =	vld.idx.msk [tilespmem:v2+s2+$0x0], $0xffff;
	_ =	sdelay $0x2  }
0x204: {  	[tilespmem:s16+$0x14010] =	vst v7  }
0x205: {  	v7 =	vld.idx.msk [tilespmem:v3+s2+$0x0], $0xffff  }
0x206: {  	v3 =	vld [tilespmem:$0x1FF60];
	[tilespmem:s14+$0x17C10] =	vst v2  }
0x207: {  	v2 =	vld.idx.msk [tilespmem:v1+s2+$0x0], $0xffff  }
0x208: {  	v1 =	vld [tilespmem:$0x1FF90];
	_ =	sdelay $0x5  }
0x209: {  	[tilespmem:s16+$0x14020] =	vst v8  }
0x20a: {  	v11 =	vld.idx.msk [tilespmem:v3+s2+$0x0], $0xffff;
	[tilespmem:s14+$0x17C20] =	vst v6  }
0x20b: {  	[tilespmem:s16+$0x14430] =	vst v4;
	v4 =	vld.idx.msk [tilespmem:v1+s2+$0x0], $0xffff  }
0x20c: {  	v1 =	vld [tilespmem:$0x1FFA0];
	_ =	sdelay $0x3  }
0x20d: {  	v3 =	vld [tilespmem:$0x1FF70]  }
0x20e: {  	[tilespmem:s15+$0x17C00] =	vst v9;
	v9 =	vmov v1;
	v1 =	vld [tilespmem:$0x1FFB0];
	_ =	sdelay $0x4  }
0x20f: {  	[tilespmem:$0x1FE10] =	vst v27  }
0x210: {  	v59 =	vmov v32;
	v32 =	vmov v24;
	v24 =	vmov v50;
	v50 =	vld [tilespmem:$0x1FE10]  }
0x211: {  	v3 =	vld.idx.msk [tilespmem:v3+s2+$0x0], $0xffff;
	[tilespmem:s17+$0x14400] =	vst v10  }
0x212: {  	v6 =	vld.idx.msk [tilespmem:v1+s2+$0x0], $0xffff  }
0x213: {  	v27 =	vadd.s32 $0x5000, v44;
	v1 =	vld [tilespmem:$0x1FFC0]  }
0x214: {  	[tilespmem:$0x1FF00] =	vst v27;
	v23 =	vmov v52;
	v52 =	vld [tilespmem:$0x1FE70]  }
0x215: {  	s19 =	sadd.s32 $0x4, s19;
	v20 =	vmov v35;
	v35 =	vld [tilespmem:$0x1FF00];
	v5 =	vadd.s32 $0x4400, v0  }
0x216: {  	p0 =	slt.u32 s19, $0x3C;
	v55 =	vld [tilespmem:$0x1FCA0]  }
.Ltmp0:
0x217: {  	v27 =	vadd.s32 $0x6000, v44;
	v49 =	vld [tilespmem:$0x1FD10];
	(pc) =	sbr.rel @p0 .LBB2_2-.Ltmp0, $4  }
0x218: {  	v63 =	vadd.s32 $0x5C00, v44;
	v45 =	vadd.s32 $0x7800, v44;
	v18 =	vmov v54;
	v54 =	vld [tilespmem:$0x1FE60]  }
0x219: {  	v61 =	vadd.s32 $0x6800, v44;
	v33 =	vadd.s32 $0x5800, v44;
	v44 =	vadd.s32 $0x7C00, v44;
	[tilespmem:$0x1FFF0] =	vst v51;
	v38 =	vmovc v63;
	v16 =	vmovc v45;
	v45 =	vld [tilespmem:$0x1FF30]  }
0x21a: {  	v37 =	vmovc v27;
	v27 =	vmovc v19;
	v48 =	vmov v33;
	v47 =	vmov v34;
	v42 =	vmov v62;
	v5 =	vld.idx.msk [tilespmem:v5+s2+$0x0], $0xffff;
	[tilespmem:s16+$0x14410] =	vst v7  }
0x21b: {  	s20 =	sadd.s32 $0x100, s20;
	v43 =	vmovc v53;
	v40 =	vmovc v30;
	v30 =	vmov v61;
	v14 =	vmov v44;
	v8 =	vadd.s32 $0x4800, v0;
	[tilespmem:s16+$0x14420] =	vst v11;
	v7 =	vld.idx.msk [tilespmem:v1+s2+$0x0], $0xffff  }
0x21c: {  	_ =	sdelay $0x3  }
0x21d: {  	v1 =	vld.idx.msk [tilespmem:v49+s2+$0x0], $0xffff;
	[tilespmem:s15+$0x18000] =	vst v3  }
0x21e: {  	[tilespmem:s17+$0x14800] =	vst v6  }
0x21f: {  	[tilespmem:s16+$0x14830] =	vst v5  }
0x220: {  	[tilespmem:s14+$0x18010] =	vst v2;
	v3 =	vld.idx.msk [tilespmem:v8+s2+$0x0], $0xffff  }
0x221: {  	v6 =	vld.idx.msk [tilespmem:v54+s2+$0x0], $0xffff;
	v5 =	vadd.s32 $0x4C00, v0;
	[tilespmem:s16+$0x14810] =	vst v7  }
0x222: {  	v2 =	vld.idx.msk [tilespmem:v55+s2+$0x0], $0xffff;
	[tilespmem:s16+$0x14820] =	vst v1  }
0x223: {  	v1 =	vld.idx.msk [tilespmem:v41+s2+$0x0], $0xffff  }
0x224: {  	[tilespmem:s14+$0x18020] =	vst v4  }
0x225: {  	[tilespmem:s16+$0x14C30] =	vst v3  }
0x226: {  	[tilespmem:s17+$0x14C00] =	vst v6;
	v3 =	vld.idx.msk [tilespmem:v5+s2+$0x0], $0xffff  }
0x227: {  	v4 =	vld.idx.msk [tilespmem:v60+s2+$0x0], $0xffff;
	[tilespmem:s16+$0x14C10] =	vst v2;
	v2 =	vadd.s32 $0x5000, v0  }
0x228: {  	[tilespmem:s16+$0x14C20] =	vst v1;
	v1 =	vld.idx.msk [tilespmem:v52+s2+$0x0], $0xffff  }
0x229: {  	v5 =	vld.idx.msk [tilespmem:v50+s2+$0x0], $0xffff;
	_ =	sdelay $0x1  }
0x22a: {  	[tilespmem:s16+$0x15030] =	vst v3  }
0x22b: {  	[tilespmem:s17+$0x15000] =	vst v4;
	v2 =	vld.idx.msk [tilespmem:v2+s2+$0x0], $0xffff  }
0x22c: {  	[tilespmem:s16+$0x15010] =	vst v1;
	v1 =	vld.idx.msk [tilespmem:v45+s2+$0x0], $0xffff  }
0x22d: {  	v3 =	vadd.s32 $0x5400, v0;
	[tilespmem:s16+$0x15020] =	vst v5;
	v4 =	vld.idx.msk [tilespmem:v35+s2+$0x0], $0xffff  }
0x22e: {  	v5 =	vld.idx.msk [tilespmem:v43+s2+$0x0], $0xffff;
	_ =	sdelay $0x1  }
0x22f: {  	[tilespmem:s16+$0x15430] =	vst v2  }
0x230: {  	[tilespmem:s17+$0x15400] =	vst v1  }
0x231: {  	v2 =	vld.idx.msk [tilespmem:v3+s2+$0x0], $0xffff;
	[tilespmem:s16+$0x15410] =	vst v4  }
0x232: {  	v3 =	vld [tilespmem:$0x1FFD0];
	[tilespmem:s16+$0x15420] =	vst v5  }
0x233: {  	v4 =	vld [tilespmem:$0x1FFE0]  }
0x234: {  	v5 =	vld [tilespmem:$0x1FFF0];
	_ =	sdelay $0x5  }
0x235: {  	v1 =	vadd.s32 $0x5800, v0;
	v3 =	vld.idx.msk [tilespmem:v3+s2+$0x0], $0xffff  }
0x236: {  	v4 =	vld.idx.msk [tilespmem:v4+s2+$0x0], $0xffff  }
0x237: {  	v5 =	vld.idx.msk [tilespmem:v5+s2+$0x0], $0xffff;
	_ =	sdelay $0x1  }
0x238: {  	[tilespmem:s16+$0x15830] =	vst v2  }
0x239: {  	v1 =	vld.idx.msk [tilespmem:v1+s2+$0x0], $0xffff;
	[tilespmem:s17+$0x15800] =	vst v3  }
0x23a: {  	v2 =	vadd.s32 $0x5C00, v0;
	[tilespmem:s16+$0x15810] =	vst v4;
	v3 =	vld.idx.msk [tilespmem:v59+s2+$0x0], $0xffff  }
0x23b: {  	[tilespmem:s16+$0x15820] =	vst v5;
	v4 =	vld.idx.msk [tilespmem:v48+s2+$0x0], $0xffff  }
0x23c: {  	v5 =	vld.idx.msk [tilespmem:v42+s2+$0x0], $0xffff;
	_ =	sdelay $0x1  }
0x23d: {  	[tilespmem:s16+$0x15C30] =	vst v1  }
0x23e: {  	v1 =	vld.idx.msk [tilespmem:v2+s2+$0x0], $0xffff;
	[tilespmem:s17+$0x15C00] =	vst v3  }
0x23f: {  	v2 =	vadd.s32 $0x6000, v0;
	[tilespmem:s16+$0x15C10] =	vst v4;
	v3 =	vld.idx.msk [tilespmem:v47+s2+$0x0], $0xffff  }
0x240: {  	[tilespmem:s16+$0x15C20] =	vst v5;
	v4 =	vld.idx.msk [tilespmem:v38+s2+$0x0], $0xffff  }
0x241: {  	v5 =	vld.idx.msk [tilespmem:v40+s2+$0x0], $0xffff;
	_ =	sdelay $0x1  }
0x242: {  	[tilespmem:s16+$0x16030] =	vst v1  }
0x243: {  	v1 =	vld.idx.msk [tilespmem:v2+s2+$0x0], $0xffff;
	[tilespmem:s17+$0x16000] =	vst v3  }
0x244: {  	v2 =	vadd.s32 $0x6400, v0;
	[tilespmem:s16+$0x16010] =	vst v4;
	v3 =	vld.idx.msk [tilespmem:v36+s2+$0x0], $0xffff  }
0x245: {  	[tilespmem:s16+$0x16020] =	vst v5;
	v4 =	vld.idx.msk [tilespmem:v37+s2+$0x0], $0xffff  }
0x246: {  	v5 =	vld.idx.msk [tilespmem:v39+s2+$0x0], $0xffff;
	_ =	sdelay $0x1  }
0x247: {  	[tilespmem:s16+$0x16430] =	vst v1  }
0x248: {  	v1 =	vld.idx.msk [tilespmem:v2+s2+$0x0], $0xffff;
	[tilespmem:s17+$0x16400] =	vst v3  }
0x249: {  	v2 =	vadd.s32 $0x6800, v0;
	[tilespmem:s16+$0x16410] =	vst v4;
	v3 =	vld.idx.msk [tilespmem:v32+s2+$0x0], $0xffff  }
0x24a: {  	[tilespmem:s16+$0x16420] =	vst v5;
	v4 =	vld.idx.msk [tilespmem:v56+s2+$0x0], $0xffff  }
0x24b: {  	v5 =	vld.idx.msk [tilespmem:v57+s2+$0x0], $0xffff;
	_ =	sdelay $0x1  }
0x24c: {  	[tilespmem:s16+$0x16830] =	vst v1  }
0x24d: {  	v1 =	vld.idx.msk [tilespmem:v2+s2+$0x0], $0xffff;
	[tilespmem:s17+$0x16800] =	vst v3  }
0x24e: {  	v2 =	vadd.s32 $0x6C00, v0;
	[tilespmem:s16+$0x16810] =	vst v4;
	v3 =	vld.idx.msk [tilespmem:v27+s2+$0x0], $0xffff  }
0x24f: {  	[tilespmem:s16+$0x16820] =	vst v5;
	v4 =	vld.idx.msk [tilespmem:v30+s2+$0x0], $0xffff  }
0x250: {  	v5 =	vld.idx.msk [tilespmem:v31+s2+$0x0], $0xffff;
	_ =	sdelay $0x1  }
0x251: {  	[tilespmem:s16+$0x16C30] =	vst v1  }
0x252: {  	v1 =	vld.idx.msk [tilespmem:v2+s2+$0x0], $0xffff;
	[tilespmem:s17+$0x16C00] =	vst v3  }
0x253: {  	v2 =	vadd.s32 $0x7000, v0;
	[tilespmem:s16+$0x16C10] =	vst v4;
	v3 =	vld.idx.msk [tilespmem:v25+s2+$0x0], $0xffff  }
0x254: {  	[tilespmem:s16+$0x16C20] =	vst v5;
	v4 =	vld.idx.msk [tilespmem:v28+s2+$0x0], $0xffff  }
0x255: {  	v5 =	vld.idx.msk [tilespmem:v29+s2+$0x0], $0xffff;
	_ =	sdelay $0x1  }
0x256: {  	[tilespmem:s16+$0x17030] =	vst v1  }
0x257: {  	v1 =	vld.idx.msk [tilespmem:v2+s2+$0x0], $0xffff;
	[tilespmem:s17+$0x17000] =	vst v3  }
0x258: {  	v2 =	vadd.s32 $0x7400, v0;
	v3 =	vld.idx.msk [tilespmem:v23+s2+$0x0], $0xffff;
	[tilespmem:s16+$0x17010] =	vst v4  }
0x259: {  	[tilespmem:s16+$0x17020] =	vst v5;
	v4 =	vld.idx.msk [tilespmem:v26+s2+$0x0], $0xffff  }
0x25a: {  	v5 =	vld.idx.msk [tilespmem:v24+s2+$0x0], $0xffff;
	_ =	sdelay $0x1  }
0x25b: {  	[tilespmem:s16+$0x17430] =	vst v1  }
0x25c: {  	v1 =	vld.idx.msk [tilespmem:v2+s2+$0x0], $0xffff;
	[tilespmem:s17+$0x17400] =	vst v3  }
0x25d: {  	v2 =	vadd.s32 $0x7800, v0;
	v3 =	vld.idx.msk [tilespmem:v18+s2+$0x0], $0xffff;
	[tilespmem:s16+$0x17410] =	vst v4  }
0x25e: {  	[tilespmem:s16+$0x17420] =	vst v5;
	v4 =	vld.idx.msk [tilespmem:v22+s2+$0x0], $0xffff  }
0x25f: {  	v5 =	vld.idx.msk [tilespmem:v20+s2+$0x0], $0xffff;
	_ =	sdelay $0x1  }
0x260: {  	[tilespmem:s16+$0x17830] =	vst v1  }
0x261: {  	v1 =	vld.idx.msk [tilespmem:v2+s2+$0x0], $0xffff;
	[tilespmem:s17+$0x17800] =	vst v3  }
0x262: {  	v0 =	vadd.s32 $0x7C00, v0;
	v2 =	vld.idx.msk [tilespmem:v12+s2+$0x0], $0xffff;
	[tilespmem:s16+$0x17810] =	vst v4  }
0x263: {  	[tilespmem:s16+$0x17820] =	vst v5;
	v3 =	vld.idx.msk [tilespmem:v16+s2+$0x0], $0xffff  }
0x264: {  	v4 =	vld.idx.msk [tilespmem:v17+s2+$0x0], $0xffff;
	_ =	sdelay $0x1  }
0x265: {  	[tilespmem:s16+$0x17C30] =	vst v1  }
0x266: {  	v0 =	vld.idx.msk [tilespmem:v0+s2+$0x0], $0xffff;
	[tilespmem:s17+$0x17C00] =	vst v2  }
0x267: {  	v1 =	vld.idx.msk [tilespmem:v13+s2+$0x0], $0xffff;
	[tilespmem:s16+$0x17C10] =	vst v3  }
0x268: {  	[tilespmem:s16+$0x17C20] =	vst v4;
	v2 =	vld.idx.msk [tilespmem:v14+s2+$0x0], $0xffff  }
0x269: {  	v3 =	vld.idx.msk [tilespmem:v9+s2+$0x0], $0xffff;
	_ =	sdelay $0x1  }
0x26a: {  	[tilespmem:s16+$0x18030] =	vst v0  }
0x26b: {  	[tilespmem:s17+$0x18000] =	vst v1  }
0x26c: {  	[tilespmem:s16+$0x18010] =	vst v2  }
0x26d: {  	[tilespmem:s16+$0x18020] =	vst v3  }
0x26e: {  	[hbm4b:s4+s10] =	stream.strided.scatter [tilespmem:s12], [sflag:$0x1], $0x8000, s11, s10, $0x38;
	[tilespmem:$0x18400] =	vst v63  }
0x26f: {  	_ =	swait.ge [sflag:s8], $0x8000  }
0x270: {  	[sflag:s8] =	ssyncset.done $0x0  }
0x271: {  	s14 =	simm.s32 $0x0;
	[sflag:s8] =	ssyncadd.s32 $0xFFFF8000  }
0x272: {  	v4 =	vld [tilespmem:s14+$0x10030]  }
0x273: {  	v3 =	vld [tilespmem:s14+$0x10000];
	_ =	sdelay $0x2  }
0x274: {  	v1 =	vld [tilespmem:s14+$0x10010]  }
0x275: {  	v2 =	vld [tilespmem:s14+$0x10020];
	v0 =	vadd.s32 $0x8000, v4  }
0x276: {  	v5 =	vadd.s32 $0x8000, v3;
	_ =	sdelay $0x2  }
0x277: {  	v6 =	vadd.s32 $0x8000, v1  }
0x278: {  	v7 =	vadd.s32 $0x8000, v2;
	v0 =	vld.idx.msk [tilespmem:v0+s2+$0x0], $0xffff  }
0x279: {  	v8 =	vadd.s32 $0x8400, v4;
	v5 =	vld.idx.msk [tilespmem:v5+s2+$0x0], $0xffff  }
0x27a: {  	v9 =	vadd.s32 $0x8400, v3;
	_ =	sdelay $0x1  }
0x27b: {  	v6 =	vld.idx.msk [tilespmem:v6+s2+$0x0], $0xffff  }
0x27c: {  	v10 =	vadd.s32 $0x8400, v1;
	v7 =	vld.idx.msk [tilespmem:v7+s2+$0x0], $0xffff;
	[tilespmem:s14+$0x10430] =	vst v0  }
0x27d: {  	v0 =	vadd.s32 $0x8400, v2;
	[tilespmem:s14+$0x10400] =	vst v5;
	v8 =	vld.idx.msk [tilespmem:v8+s2+$0x0], $0xffff  }
0x27e: {  	v5 =	vadd.s32 $0x8800, v4;
	v9 =	vld.idx.msk [tilespmem:v9+s2+$0x0], $0xffff  }
0x27f: {  	v11 =	vadd.s32 $0x8800, v3  }
0x280: {  	[tilespmem:s14+$0x10410] =	vst v6  }
0x281: {  	s31 =	simm.s32 $0x0;
	[tilespmem:s14+$0x10420] =	vst v7;
	v6 =	vld.idx.msk [tilespmem:v10+s2+$0x0], $0xffff  }
0x282: {  	s15 =	sand.u32 $0x3C0, s31;
	v7 =	vadd.s32 $0x8800, v1;
	v0 =	vld.idx.msk [tilespmem:v0+s2+$0x0], $0xffff;
	[tilespmem:s14+$0x10830] =	vst v8  }
0x283: {  	v8 =	vadd.s32 $0x8800, v2;
	[tilespmem:s15+$0x10800] =	vst v9;
	v5 =	vld.idx.msk [tilespmem:v5+s2+$0x0], $0xffff  }
0x284: {  	v9 =	vadd.s32 $0x8C00, v4;
	v10 =	vld.idx.msk [tilespmem:v11+s2+$0x0], $0xffff  }
0x285: {  	v11 =	vadd.s32 $0x8C00, v3  }
0x286: {  	[tilespmem:s14+$0x10810] =	vst v6  }
0x287: {  	v6 =	vld.idx.msk [tilespmem:v7+s2+$0x0], $0xffff;
	[tilespmem:s14+$0x10820] =	vst v0  }
0x288: {  	v0 =	vadd.s32 $0x8C00, v1;
	v7 =	vld.idx.msk [tilespmem:v8+s2+$0x0], $0xffff;
	[tilespmem:s14+$0x10C30] =	vst v5  }
0x289: {  	v5 =	vadd.s32 $0x8C00, v2;
	[tilespmem:s15+$0x10C00] =	vst v10;
	v8 =	vld.idx.msk [tilespmem:v9+s2+$0x0], $0xffff  }
0x28a: {  	v9 =	vadd.s32 $0x9000, v4;
	v10 =	vld.idx.msk [tilespmem:v11+s2+$0x0], $0xffff  }
0x28b: {  	v11 =	vadd.s32 $0x9000, v3  }
0x28c: {  	[tilespmem:s14+$0x10C10] =	vst v6  }
0x28d: {  	v0 =	vld.idx.msk [tilespmem:v0+s2+$0x0], $0xffff;
	[tilespmem:s14+$0x10C20] =	vst v7  }
0x28e: {  	v6 =	vadd.s32 $0x9000, v1;
	v5 =	vld.idx.msk [tilespmem:v5+s2+$0x0], $0xffff;
	[tilespmem:s14+$0x11030] =	vst v8  }
0x28f: {  	v7 =	vadd.s32 $0x9000, v2;
	[tilespmem:s15+$0x11000] =	vst v10;
	v8 =	vld.idx.msk [tilespmem:v9+s2+$0x0], $0xffff  }
0x290: {  	v9 =	vadd.s32 $0x9400, v4;
	v10 =	vld.idx.msk [tilespmem:v11+s2+$0x0], $0xffff  }
0x291: {  	v11 =	vadd.s32 $0x9400, v3  }
0x292: {  	[tilespmem:s14+$0x11010] =	vst v0  }
0x293: {  	v0 =	vld.idx.msk [tilespmem:v6+s2+$0x0], $0xffff;
	[tilespmem:s14+$0x11020] =	vst v5  }
0x294: {  	v5 =	vadd.s32 $0x9400, v1;
	v6 =	vld.idx.msk [tilespmem:v7+s2+$0x0], $0xffff;
	[tilespmem:s14+$0x11430] =	vst v8  }
0x295: {  	v7 =	vadd.s32 $0x9400, v2;
	[tilespmem:s15+$0x11400] =	vst v10;
	v8 =	vld.idx.msk [tilespmem:v9+s2+$0x0], $0xffff  }
0x296: {  	v9 =	vadd.s32 $0x9800, v4;
	v10 =	vld.idx.msk [tilespmem:v11+s2+$0x0], $0xffff  }
0x297: {  	v11 =	vadd.s32 $0x9800, v3  }
0x298: {  	[tilespmem:s14+$0x11410] =	vst v0  }
0x299: {  	v0 =	vld.idx.msk [tilespmem:v5+s2+$0x0], $0xffff;
	[tilespmem:s14+$0x11420] =	vst v6  }
0x29a: {  	v5 =	vadd.s32 $0x9800, v1;
	v6 =	vld.idx.msk [tilespmem:v7+s2+$0x0], $0xffff;
	[tilespmem:s14+$0x11830] =	vst v8  }
0x29b: {  	v7 =	vadd.s32 $0x9800, v2;
	[tilespmem:s15+$0x11800] =	vst v10;
	v8 =	vld.idx.msk [tilespmem:v9+s2+$0x0], $0xffff  }
0x29c: {  	v9 =	vadd.s32 $0x9C00, v4;
	v10 =	vld.idx.msk [tilespmem:v11+s2+$0x0], $0xffff  }
0x29d: {  	v11 =	vadd.s32 $0x9C00, v3  }
0x29e: {  	[tilespmem:s14+$0x11810] =	vst v0  }
0x29f: {  	v0 =	vld.idx.msk [tilespmem:v5+s2+$0x0], $0xffff;
	[tilespmem:s14+$0x11820] =	vst v6  }
0x2a0: {  	v5 =	vadd.s32 $0x9C00, v1;
	v6 =	vld.idx.msk [tilespmem:v7+s2+$0x0], $0xffff;
	[tilespmem:s14+$0x11C30] =	vst v8  }
0x2a1: {  	v7 =	vadd.s32 $0x9C00, v2;
	[tilespmem:s15+$0x11C00] =	vst v10;
	v8 =	vld.idx.msk [tilespmem:v9+s2+$0x0], $0xffff  }
0x2a2: {  	v9 =	vadd.s32 $0xA000, v4;
	v10 =	vld.idx.msk [tilespmem:v11+s2+$0x0], $0xffff  }
0x2a3: {  	v11 =	vadd.s32 $0xA000, v3  }
0x2a4: {  	[tilespmem:s14+$0x11C10] =	vst v0  }
0x2a5: {  	v0 =	vld.idx.msk [tilespmem:v5+s2+$0x0], $0xffff;
	[tilespmem:s14+$0x11C20] =	vst v6  }
0x2a6: {  	v5 =	vadd.s32 $0xA000, v1;
	v6 =	vld.idx.msk [tilespmem:v7+s2+$0x0], $0xffff;
	[tilespmem:s14+$0x12030] =	vst v8  }
0x2a7: {  	v7 =	vadd.s32 $0xA000, v2;
	[tilespmem:s15+$0x12000] =	vst v10;
	v8 =	vld.idx.msk [tilespmem:v9+s2+$0x0], $0xffff  }
0x2a8: {  	v9 =	vadd.s32 $0xA400, v4;
	v10 =	vld.idx.msk [tilespmem:v11+s2+$0x0], $0xffff  }
0x2a9: {  	v11 =	vadd.s32 $0xA400, v3  }
0x2aa: {  	[tilespmem:s14+$0x12010] =	vst v0  }
0x2ab: {  	v0 =	vld.idx.msk [tilespmem:v5+s2+$0x0], $0xffff;
	[tilespmem:s14+$0x12020] =	vst v6  }
0x2ac: {  	v5 =	vadd.s32 $0xA400, v1;
	v6 =	vld.idx.msk [tilespmem:v7+s2+$0x0], $0xffff;
	[tilespmem:s14+$0x12430] =	vst v8  }
0x2ad: {  	v7 =	vadd.s32 $0xA400, v2;
	[tilespmem:s15+$0x12400] =	vst v10;
	v8 =	vld.idx.msk [tilespmem:v9+s2+$0x0], $0xffff  }
0x2ae: {  	v9 =	vadd.s32 $0xA800, v4;
	v10 =	vld.idx.msk [tilespmem:v11+s2+$0x0], $0xffff  }
0x2af: {  	v11 =	vadd.s32 $0xA800, v3  }
0x2b0: {  	[tilespmem:s14+$0x12410] =	vst v0  }
0x2b1: {  	v0 =	vld.idx.msk [tilespmem:v5+s2+$0x0], $0xffff;
	[tilespmem:s14+$0x12420] =	vst v6  }
0x2b2: {  	v5 =	vadd.s32 $0xA800, v1;
	v6 =	vld.idx.msk [tilespmem:v7+s2+$0x0], $0xffff;
	[tilespmem:s14+$0x12830] =	vst v8  }
0x2b3: {  	v7 =	vadd.s32 $0xA800, v2;
	[tilespmem:s15+$0x12800] =	vst v10;
	v8 =	vld.idx.msk [tilespmem:v9+s2+$0x0], $0xffff  }
0x2b4: {  	v9 =	vadd.s32 $0xAC00, v4;
	v10 =	vld.idx.msk [tilespmem:v11+s2+$0x0], $0xffff  }
0x2b5: {  	v11 =	vadd.s32 $0xAC00, v3  }
0x2b6: {  	[tilespmem:s14+$0x12810] =	vst v0  }
0x2b7: {  	v0 =	vld.idx.msk [tilespmem:v5+s2+$0x0], $0xffff;
	[tilespmem:s14+$0x12820] =	vst v6  }
0x2b8: {  	v5 =	vadd.s32 $0xAC00, v1;
	v6 =	vld.idx.msk [tilespmem:v7+s2+$0x0], $0xffff;
	[tilespmem:s14+$0x12C30] =	vst v8  }
0x2b9: {  	v7 =	vadd.s32 $0xAC00, v2;
	[tilespmem:s15+$0x12C00] =	vst v10;
	v8 =	vld.idx.msk [tilespmem:v9+s2+$0x0], $0xffff  }
0x2ba: {  	v9 =	vadd.s32 $0xB000, v4;
	v10 =	vld.idx.msk [tilespmem:v11+s2+$0x0], $0xffff  }
0x2bb: {  	v11 =	vadd.s32 $0xB000, v3  }
0x2bc: {  	[tilespmem:s14+$0x12C10] =	vst v0  }
0x2bd: {  	v0 =	vld.idx.msk [tilespmem:v5+s2+$0x0], $0xffff;
	[tilespmem:s14+$0x12C20] =	vst v6  }
0x2be: {  	v5 =	vadd.s32 $0xB000, v1;
	v6 =	vld.idx.msk [tilespmem:v7+s2+$0x0], $0xffff;
	[tilespmem:s14+$0x13030] =	vst v8  }
0x2bf: {  	v7 =	vadd.s32 $0xB000, v2;
	[tilespmem:s15+$0x13000] =	vst v10;
	v8 =	vld.idx.msk [tilespmem:v9+s2+$0x0], $0xffff  }
0x2c0: {  	v9 =	vadd.s32 $0xB400, v4;
	v10 =	vld.idx.msk [tilespmem:v11+s2+$0x0], $0xffff  }
0x2c1: {  	v11 =	vadd.s32 $0xB400, v3  }
0x2c2: {  	[tilespmem:s14+$0x13010] =	vst v0  }
0x2c3: {  	v0 =	vld.idx.msk [tilespmem:v5+s2+$0x0], $0xffff;
	[tilespmem:s14+$0x13020] =	vst v6  }
0x2c4: {  	v5 =	vadd.s32 $0xB400, v1;
	v6 =	vld.idx.msk [tilespmem:v7+s2+$0x0], $0xffff;
	[tilespmem:s14+$0x13430] =	vst v8  }
0x2c5: {  	v7 =	vadd.s32 $0xB400, v2;
	[tilespmem:s15+$0x13400] =	vst v10;
	v8 =	vld.idx.msk [tilespmem:v9+s2+$0x0], $0xffff  }
0x2c6: {  	v9 =	vadd.s32 $0xB800, v4;
	v10 =	vld.idx.msk [tilespmem:v11+s2+$0x0], $0xffff  }
0x2c7: {  	v11 =	vadd.s32 $0xB800, v3  }
0x2c8: {  	[tilespmem:s14+$0x13410] =	vst v0  }
0x2c9: {  	v0 =	vld.idx.msk [tilespmem:v5+s2+$0x0], $0xffff;
	[tilespmem:s14+$0x13420] =	vst v6  }
0x2ca: {  	v5 =	vadd.s32 $0xB800, v1;
	v6 =	vld.idx.msk [tilespmem:v7+s2+$0x0], $0xffff;
	[tilespmem:s14+$0x13830] =	vst v8  }
0x2cb: {  	v7 =	vadd.s32 $0xB800, v2;
	[tilespmem:s15+$0x13800] =	vst v10;
	v8 =	vld.idx.msk [tilespmem:v9+s2+$0x0], $0xffff  }
0x2cc: {  	v9 =	vadd.s32 $0xBC00, v4;
	v10 =	vld.idx.msk [tilespmem:v11+s2+$0x0], $0xffff  }
0x2cd: {  	v11 =	vadd.s32 $0xBC00, v3  }
0x2ce: {  	[tilespmem:s14+$0x13810] =	vst v0  }
0x2cf: {  	v0 =	vld.idx.msk [tilespmem:v5+s2+$0x0], $0xffff;
	[tilespmem:s14+$0x13820] =	vst v6  }
0x2d0: {  	v5 =	vadd.s32 $0xBC00, v1;
	v6 =	vld.idx.msk [tilespmem:v7+s2+$0x0], $0xffff;
	[tilespmem:s14+$0x13C30] =	vst v8  }
0x2d1: {  	v7 =	vadd.s32 $0xBC00, v2;
	[tilespmem:s15+$0x13C00] =	vst v10;
	v8 =	vld.idx.msk [tilespmem:v9+s2+$0x0], $0xffff  }
0x2d2: {  	v9 =	vadd.s32 $0xC000, v4;
	v10 =	vld.idx.msk [tilespmem:v11+s2+$0x0], $0xffff  }
0x2d3: {  	v11 =	vadd.s32 $0xC000, v3  }
0x2d4: {  	[tilespmem:s14+$0x13C10] =	vst v0  }
0x2d5: {  	v0 =	vld.idx.msk [tilespmem:v5+s2+$0x0], $0xffff;
	[tilespmem:s14+$0x13C20] =	vst v6  }
0x2d6: {  	v5 =	vadd.s32 $0xC000, v1;
	v6 =	vld.idx.msk [tilespmem:v7+s2+$0x0], $0xffff;
	[tilespmem:s14+$0x14030] =	vst v8  }
0x2d7: {  	v7 =	vadd.s32 $0xC000, v2;
	[tilespmem:s15+$0x14000] =	vst v10;
	v8 =	vld.idx.msk [tilespmem:v9+s2+$0x0], $0xffff  }
0x2d8: {  	v9 =	vadd.s32 $0xC400, v4;
	v10 =	vld.idx.msk [tilespmem:v11+s2+$0x0], $0xffff  }
0x2d9: {  	s16 =	simm.s32 $0x40;
	v11 =	vadd.s32 $0xC400, v3  }
0x2da: {  	v47 =	vld [tilespmem:s16+$0x10010];
	[tilespmem:s14+$0x14010] =	vst v0  }
0x2db: {  	v5 =	vld.idx.msk [tilespmem:v5+s2+$0x0], $0xffff;
	[tilespmem:s14+$0x14020] =	vst v6  }
0x2dc: {  	v6 =	vld.idx.msk [tilespmem:v7+s2+$0x0], $0xffff;
	[tilespmem:s14+$0x14430] =	vst v8  }
0x2dd: {  	[tilespmem:s15+$0x14400] =	vst v10;
	v10 =	vadd.s32 $0xC400, v1;
	v7 =	vld.idx.msk [tilespmem:v9+s2+$0x0], $0xffff  }
0x2de: {  	v9 =	vld.idx.msk [tilespmem:v11+s2+$0x0], $0xffff;
	v11 =	vadd.s32 $0xC400, v2  }
0x2df: {  	v48 =	vld [tilespmem:s16+$0x10020]  }
0x2e0: {  	v0 =	vld [tilespmem:s16+$0x10030];
	v8 =	vadd.s32 $0xC800, v4  }
0x2e1: {  	v12 =	vadd.s32 $0xC800, v3;
	[tilespmem:s14+$0x14410] =	vst v5  }
0x2e2: {  	[tilespmem:s14+$0x14420] =	vst v6;
	v6 =	vld.idx.msk [tilespmem:v10+s2+$0x0], $0xffff  }
0x2e3: {  	[tilespmem:s15+$0x14800] =	vst v9;
	v9 =	vld.idx.msk [tilespmem:v11+s2+$0x0], $0xffff;
	v11 =	vadd.s32 $0x8000, v47  }
0x2e4: {  	v46 =	vld [tilespmem:s16+$0x10000];
	v13 =	vadd.s32 $0x8000, v48;
	[tilespmem:s14+$0x14830] =	vst v7  }
0x2e5: {  	v7 =	vld.idx.msk [tilespmem:v8+s2+$0x0], $0xffff;
	v8 =	vadd.s32 $0x8000, v0  }
0x2e6: {  	v14 =	vadd.s32 $0xC800, v1;
	v12 =	vld.idx.msk [tilespmem:v12+s2+$0x0], $0xffff  }
0x2e7: {  	v5 =	vadd.s32 $0xCC00, v4  }
0x2e8: {  	[tilespmem:s14+$0x14810] =	vst v6;
	v6 =	vld.idx.msk [tilespmem:v11+s2+$0x0], $0xffff  }
0x2e9: {  	v10 =	vadd.s32 $0x8000, v46;
	[tilespmem:s14+$0x14820] =	vst v9;
	v9 =	vld.idx.msk [tilespmem:v13+s2+$0x0], $0xffff  }
0x2ea: {  	v8 =	vld.idx.msk [tilespmem:v8+s2+$0x0], $0xffff;
	[tilespmem:s14+$0x14C30] =	vst v7;
	v7 =	vadd.s32 $0xC800, v2  }
0x2eb: {  	v13 =	vadd.s32 $0x8400, v47;
	[tilespmem:s15+$0x14C00] =	vst v12;
	v12 =	vld.idx.msk [tilespmem:v14+s2+$0x0], $0xffff  }
0x2ec: {  	v14 =	vadd.s32 $0x8400, v48;
	v5 =	vld.idx.msk [tilespmem:v5+s2+$0x0], $0xffff  }
0x2ed: {  	v15 =	vadd.s32 $0x8400, v0  }
0x2ee: {  	v10 =	vld.idx.msk [tilespmem:v10+s2+$0x0], $0xffff;
	v11 =	vadd.s32 $0xD000, v4;
	[tilespmem:s16+$0x10410] =	vst v6  }
0x2ef: {  	v16 =	vadd.s32 $0x8400, v46;
	[tilespmem:s16+$0x10420] =	vst v9;
	v7 =	vld.idx.msk [tilespmem:v7+s2+$0x0], $0xffff  }
0x2f0: {  	[tilespmem:s16+$0x10430] =	vst v8;
	v8 =	vadd.s32 $0xCC00, v3;
	v13 =	vld.idx.msk [tilespmem:v13+s2+$0x0], $0xffff  }
0x2f1: {  	v14 =	vld.idx.msk [tilespmem:v14+s2+$0x0], $0xffff;
	[tilespmem:s14+$0x15030] =	vst v5;
	v5 =	vadd.s32 $0xCC00, v1  }
0x2f2: {  	[tilespmem:s14+$0x14C10] =	vst v12;
	v12 =	vadd.s32 $0x8800, v47;
	v15 =	vld.idx.msk [tilespmem:v15+s2+$0x0], $0xffff  }
0x2f3: {  	[tilespmem:s16+$0x10400] =	vst v10;
	v6 =	vadd.s32 $0x8800, v0;
	v10 =	vld.idx.msk [tilespmem:v11+s2+$0x0], $0xffff  }
0x2f4: {  	v9 =	vadd.s32 $0xD400, v4;
	v11 =	vld.idx.msk [tilespmem:v16+s2+$0x0], $0xffff;
	[tilespmem:s14+$0x14C20] =	vst v7  }
0x2f5: {  	v16 =	vadd.s32 $0x8800, v46;
	v8 =	vld.idx.msk [tilespmem:v8+s2+$0x0], $0xffff;
	[tilespmem:s16+$0x10810] =	vst v13  }
0x2f6: {  	v7 =	vadd.s32 $0x8800, v48;
	[tilespmem:s16+$0x10820] =	vst v14;
	v5 =	vld.idx.msk [tilespmem:v5+s2+$0x0], $0xffff  }
0x2f7: {  	s18 =	simm.s32 $0x40;
	[tilespmem:s16+$0x10830] =	vst v15;
	v15 =	vadd.s32 $0xCC00, v2;
	v12 =	vld.idx.msk [tilespmem:v12+s2+$0x0], $0xffff  }
0x2f8: {  	s17 =	sand.u32 $0x3C0, s18;
	v6 =	vld.idx.msk [tilespmem:v6+s2+$0x0], $0xffff;
	[tilespmem:s14+$0x15430] =	vst v10;
	v10 =	vadd.s32 $0xD000, v3  }
0x2f9: {  	v13 =	vadd.s32 $0x8C00, v0;
	[tilespmem:s17+$0x10800] =	vst v11;
	v9 =	vld.idx.msk [tilespmem:v9+s2+$0x0], $0xffff  }
0x2fa: {  	v14 =	vadd.s32 $0xD800, v4;
	v11 =	vld.idx.msk [tilespmem:v16+s2+$0x0], $0xffff;
	[tilespmem:s15+$0x15000] =	vst v8  }
0x2fb: {  	v16 =	vadd.s32 $0x8C00, v46;
	v7 =	vld.idx.msk [tilespmem:v7+s2+$0x0], $0xffff;
	[tilespmem:s14+$0x15010] =	vst v5  }
0x2fc: {  	v8 =	vadd.s32 $0x8C00, v47;
	v5 =	vld.idx.msk [tilespmem:v15+s2+$0x0], $0xffff;
	[tilespmem:s16+$0x10C10] =	vst v12  }
0x2fd: {  	v15 =	vadd.s32 $0x8C00, v48;
	[tilespmem:s16+$0x10C30] =	vst v6;
	v6 =	vld.idx.msk [tilespmem:v10+s2+$0x0], $0xffff  }
0x2fe: {  	v10 =	vadd.s32 $0xD000, v1;
	v13 =	vld.idx.msk [tilespmem:v13+s2+$0x0], $0xffff;
	[tilespmem:s14+$0x15830] =	vst v9  }
0x2ff: {  	v9 =	vadd.s32 $0xD000, v2;
	[tilespmem:s17+$0x10C00] =	vst v11;
	v11 =	vld.idx.msk [tilespmem:v14+s2+$0x0], $0xffff  }
0x300: {  	v12 =	vadd.s32 $0x9000, v0;
	v14 =	vld.idx.msk [tilespmem:v16+s2+$0x0], $0xffff;
	[tilespmem:s16+$0x10C20] =	vst v7  }
0x301: {  	v8 =	vld.idx.msk [tilespmem:v8+s2+$0x0], $0xffff;
	v7 =	vadd.s32 $0xDC00, v4;
	[tilespmem:s14+$0x15020] =	vst v5  }
0x302: {  	v16 =	vadd.s32 $0x9000, v46;
	v15 =	vld.idx.msk [tilespmem:v15+s2+$0x0], $0xffff;
	[tilespmem:s15+$0x15400] =	vst v6  }
0x303: {  	v5 =	vadd.s32 $0x9000, v47;
	v6 =	vld.idx.msk [tilespmem:v10+s2+$0x0], $0xffff;
	[tilespmem:s16+$0x11030] =	vst v13  }
0x304: {  	v10 =	vadd.s32 $0x9000, v48;
	v9 =	vld.idx.msk [tilespmem:v9+s2+$0x0], $0xffff;
	[tilespmem:s14+$0x15C30] =	vst v11  }
0x305: {  	v13 =	vadd.s32 $0xD400, v3;
	v12 =	vld.idx.msk [tilespmem:v12+s2+$0x0], $0xffff;
	[tilespmem:s17+$0x11000] =	vst v14  }
0x306: {  	v11 =	vadd.s32 $0xD400, v1;
	v7 =	vld.idx.msk [tilespmem:v7+s2+$0x0], $0xffff;
	[tilespmem:s16+$0x11010] =	vst v8  }
0x307: {  	v14 =	vld.idx.msk [tilespmem:v16+s2+$0x0], $0xffff;
	v8 =	vadd.s32 $0x9400, v0;
	[tilespmem:s16+$0x11020] =	vst v15  }
0x308: {  	v5 =	vld.idx.msk [tilespmem:v5+s2+$0x0], $0xffff;
	v15 =	vadd.s32 $0xE000, v4;
	[tilespmem:s14+$0x15410] =	vst v6  }
0x309: {  	v16 =	vadd.s32 $0x9400, v46;
	v10 =	vld.idx.msk [tilespmem:v10+s2+$0x0], $0xffff;
	[tilespmem:s14+$0x15420] =	vst v9  }
0x30a: {  	v6 =	vadd.s32 $0x9400, v47;
	v13 =	vld.idx.msk [tilespmem:v13+s2+$0x0], $0xffff;
	[tilespmem:s16+$0x11430] =	vst v12  }
0x30b: {  	v9 =	vadd.s32 $0x9400, v48;
	v11 =	vld.idx.msk [tilespmem:v11+s2+$0x0], $0xffff;
	[tilespmem:s14+$0x16030] =	vst v7  }
0x30c: {  	v12 =	vadd.s32 $0xD400, v2;
	v8 =	vld.idx.msk [tilespmem:v8+s2+$0x0], $0xffff;
	[tilespmem:s17+$0x11400] =	vst v14  }
0x30d: {  	v7 =	vadd.s32 $0xD800, v3;
	v14 =	vld.idx.msk [tilespmem:v15+s2+$0x0], $0xffff;
	[tilespmem:s16+$0x11410] =	vst v5  }
0x30e: {  	v15 =	vld.idx.msk [tilespmem:v16+s2+$0x0], $0xffff;
	v5 =	vadd.s32 $0x9800, v0;
	[tilespmem:s16+$0x11420] =	vst v10  }
0x30f: {  	v6 =	vld.idx.msk [tilespmem:v6+s2+$0x0], $0xffff;
	v10 =	vadd.s32 $0xE400, v4;
	[tilespmem:s15+$0x15800] =	vst v13  }
0x310: {  	v16 =	vadd.s32 $0x9800, v46;
	v9 =	vld.idx.msk [tilespmem:v9+s2+$0x0], $0xffff;
	[tilespmem:s14+$0x15810] =	vst v11  }
0x311: {  	v13 =	vadd.s32 $0x9800, v47;
	v11 =	vld.idx.msk [tilespmem:v12+s2+$0x0], $0xffff;
	[tilespmem:s16+$0x11830] =	vst v8  }
0x312: {  	v12 =	vadd.s32 $0x9800, v48;
	v7 =	vld.idx.msk [tilespmem:v7+s2+$0x0], $0xffff;
	[tilespmem:s14+$0x16430] =	vst v14  }
0x313: {  	v8 =	vadd.s32 $0xD800, v1;
	v5 =	vld.idx.msk [tilespmem:v5+s2+$0x0], $0xffff;
	[tilespmem:s17+$0x11800] =	vst v15  }
0x314: {  	v14 =	vadd.s32 $0xD800, v2;
	v10 =	vld.idx.msk [tilespmem:v10+s2+$0x0], $0xffff;
	[tilespmem:s16+$0x11810] =	vst v6  }
0x315: {  	v15 =	vld.idx.msk [tilespmem:v16+s2+$0x0], $0xffff;
	v6 =	vadd.s32 $0x9C00, v0;
	[tilespmem:s16+$0x11820] =	vst v9  }
0x316: {  	v13 =	vld.idx.msk [tilespmem:v13+s2+$0x0], $0xffff;
	v9 =	vadd.s32 $0xE800, v4;
	[tilespmem:s14+$0x15820] =	vst v11  }
0x317: {  	v16 =	vadd.s32 $0x9C00, v46;
	v12 =	vld.idx.msk [tilespmem:v12+s2+$0x0], $0xffff;
	[tilespmem:s15+$0x15C00] =	vst v7  }
0x318: {  	v11 =	vadd.s32 $0x9C00, v47;
	v7 =	vld.idx.msk [tilespmem:v8+s2+$0x0], $0xffff;
	[tilespmem:s16+$0x11C30] =	vst v5  }
0x319: {  	v8 =	vadd.s32 $0x9C00, v48;
	v5 =	vld.idx.msk [tilespmem:v14+s2+$0x0], $0xffff;
	[tilespmem:s14+$0x16830] =	vst v10  }
0x31a: {  	v14 =	vadd.s32 $0xDC00, v3;
	v6 =	vld.idx.msk [tilespmem:v6+s2+$0x0], $0xffff;
	[tilespmem:s17+$0x11C00] =	vst v15  }
0x31b: {  	v10 =	vadd.s32 $0xDC00, v1;
	v9 =	vld.idx.msk [tilespmem:v9+s2+$0x0], $0xffff;
	[tilespmem:s16+$0x11C10] =	vst v13  }
0x31c: {  	v15 =	vld.idx.msk [tilespmem:v16+s2+$0x0], $0xffff;
	v13 =	vadd.s32 $0xA000, v0;
	[tilespmem:s16+$0x11C20] =	vst v12  }
0x31d: {  	v11 =	vld.idx.msk [tilespmem:v11+s2+$0x0], $0xffff;
	v12 =	vadd.s32 $0xEC00, v4;
	[tilespmem:s14+$0x15C10] =	vst v7  }
0x31e: {  	v16 =	vadd.s32 $0xA000, v46;
	v8 =	vld.idx.msk [tilespmem:v8+s2+$0x0], $0xffff;
	[tilespmem:s14+$0x15C20] =	vst v5  }
0x31f: {  	v7 =	vadd.s32 $0xA000, v47;
	v14 =	vld.idx.msk [tilespmem:v14+s2+$0x0], $0xffff;
	[tilespmem:s16+$0x12030] =	vst v6  }
0x320: {  	v5 =	vadd.s32 $0xA000, v48;
	v6 =	vld.idx.msk [tilespmem:v10+s2+$0x0], $0xffff;
	[tilespmem:s14+$0x16C30] =	vst v9  }
0x321: {  	v10 =	vadd.s32 $0xDC00, v2;
	v13 =	vld.idx.msk [tilespmem:v13+s2+$0x0], $0xffff;
	[tilespmem:s17+$0x12000] =	vst v15  }
0x322: {  	v9 =	vadd.s32 $0xE000, v3;
	v12 =	vld.idx.msk [tilespmem:v12+s2+$0x0], $0xffff;
	[tilespmem:s16+$0x12010] =	vst v11  }
0x323: {  	v15 =	vld.idx.msk [tilespmem:v16+s2+$0x0], $0xffff;
	v11 =	vadd.s32 $0xA400, v0;
	[tilespmem:s16+$0x12020] =	vst v8  }
0x324: {  	v7 =	vld.idx.msk [tilespmem:v7+s2+$0x0], $0xffff;
	v8 =	vadd.s32 $0xF000, v4;
	[tilespmem:s15+$0x16000] =	vst v14  }
0x325: {  	v16 =	vadd.s32 $0xA400, v46;
	v5 =	vld.idx.msk [tilespmem:v5+s2+$0x0], $0xffff;
	[tilespmem:s14+$0x16010] =	vst v6  }
0x326: {  	v14 =	vadd.s32 $0xA400, v47;
	v6 =	vld.idx.msk [tilespmem:v10+s2+$0x0], $0xffff;
	[tilespmem:s16+$0x12430] =	vst v13  }
0x327: {  	v10 =	vadd.s32 $0xA400, v48;
	v9 =	vld.idx.msk [tilespmem:v9+s2+$0x0], $0xffff;
	[tilespmem:s14+$0x17030] =	vst v12  }
0x328: {  	v13 =	vadd.s32 $0xE000, v1;
	v11 =	vld.idx.msk [tilespmem:v11+s2+$0x0], $0xffff;
	[tilespmem:s17+$0x12400] =	vst v15  }
0x329: {  	v12 =	vadd.s32 $0xE000, v2;
	v8 =	vld.idx.msk [tilespmem:v8+s2+$0x0], $0xffff;
	[tilespmem:s16+$0x12410] =	vst v7  }
0x32a: {  	v15 =	vld.idx.msk [tilespmem:v16+s2+$0x0], $0xffff;
	v7 =	vadd.s32 $0xA800, v0;
	[tilespmem:s16+$0x12420] =	vst v5  }
0x32b: {  	v14 =	vld.idx.msk [tilespmem:v14+s2+$0x0], $0xffff;
	v5 =	vadd.s32 $0xF400, v4;
	[tilespmem:s14+$0x16020] =	vst v6  }
0x32c: {  	v16 =	vadd.s32 $0xA800, v46;
	v10 =	vld.idx.msk [tilespmem:v10+s2+$0x0], $0xffff;
	[tilespmem:s15+$0x16400] =	vst v9  }
0x32d: {  	v6 =	vadd.s32 $0xA800, v47;
	v9 =	vld.idx.msk [tilespmem:v13+s2+$0x0], $0xffff;
	[tilespmem:s16+$0x12830] =	vst v11  }
0x32e: {  	v13 =	vadd.s32 $0xA800, v48;
	v11 =	vld.idx.msk [tilespmem:v12+s2+$0x0], $0xffff;
	[tilespmem:s14+$0x17430] =	vst v8  }
0x32f: {  	v12 =	vadd.s32 $0xE400, v3;
	v7 =	vld.idx.msk [tilespmem:v7+s2+$0x0], $0xffff;
	[tilespmem:s17+$0x12800] =	vst v15  }
0x330: {  	v8 =	vadd.s32 $0xE400, v1;
	v5 =	vld.idx.msk [tilespmem:v5+s2+$0x0], $0xffff;
	[tilespmem:s16+$0x12810] =	vst v14  }
0x331: {  	v15 =	vld.idx.msk [tilespmem:v16+s2+$0x0], $0xffff;
	v14 =	vadd.s32 $0xAC00, v0;
	[tilespmem:s16+$0x12820] =	vst v10  }
0x332: {  	v6 =	vld.idx.msk [tilespmem:v6+s2+$0x0], $0xffff;
	v10 =	vadd.s32 $0xF800, v4;
	[tilespmem:s14+$0x16410] =	vst v9  }
0x333: {  	v16 =	vadd.s32 $0xAC00, v46;
	v13 =	vld.idx.msk [tilespmem:v13+s2+$0x0], $0xffff;
	[tilespmem:s14+$0x16420] =	vst v11  }
0x334: {  	v9 =	vadd.s32 $0xAC00, v47;
	v12 =	vld.idx.msk [tilespmem:v12+s2+$0x0], $0xffff;
	[tilespmem:s16+$0x12C30] =	vst v7  }
0x335: {  	v11 =	vadd.s32 $0xAC00, v48;
	v7 =	vld.idx.msk [tilespmem:v8+s2+$0x0], $0xffff;
	[tilespmem:s14+$0x17830] =	vst v5  }
0x336: {  	v8 =	vadd.s32 $0xE400, v2;
	v14 =	vld.idx.msk [tilespmem:v14+s2+$0x0], $0xffff;
	[tilespmem:s17+$0x12C00] =	vst v15  }
0x337: {  	v5 =	vadd.s32 $0xE800, v3;
	v10 =	vld.idx.msk [tilespmem:v10+s2+$0x0], $0xffff;
	[tilespmem:s16+$0x12C10] =	vst v6  }
0x338: {  	v15 =	vld.idx.msk [tilespmem:v16+s2+$0x0], $0xffff;
	v6 =	vadd.s32 $0xB000, v0;
	[tilespmem:s16+$0x12C20] =	vst v13  }
0x339: {  	v4 =	vadd.s32 $0xFC00, v4;
	v9 =	vld.idx.msk [tilespmem:v9+s2+$0x0], $0xffff;
	[tilespmem:s15+$0x16800] =	vst v12  }
0x33a: {  	v13 =	vadd.s32 $0xB000, v46;
	v11 =	vld.idx.msk [tilespmem:v11+s2+$0x0], $0xffff;
	[tilespmem:s14+$0x16810] =	vst v7  }
0x33b: {  	v12 =	vadd.s32 $0xB000, v47;
	v7 =	vld.idx.msk [tilespmem:v8+s2+$0x0], $0xffff;
	[tilespmem:s16+$0x13030] =	vst v14  }
0x33c: {  	v8 =	vadd.s32 $0xB000, v48;
	v5 =	vld.idx.msk [tilespmem:v5+s2+$0x0], $0xffff;
	[tilespmem:s14+$0x17C30] =	vst v10  }
0x33d: {  	v14 =	vadd.s32 $0xE800, v1;
	v6 =	vld.idx.msk [tilespmem:v6+s2+$0x0], $0xffff;
	[tilespmem:s17+$0x13000] =	vst v15  }
0x33e: {  	v10 =	vadd.s32 $0xE800, v2;
	v4 =	vld.idx.msk [tilespmem:v4+s2+$0x0], $0xffff;
	[tilespmem:s16+$0x13010] =	vst v9  }
0x33f: {  	v13 =	vld.idx.msk [tilespmem:v13+s2+$0x0], $0xffff;
	v9 =	vadd.s32 $0xB400, v0;
	[tilespmem:s16+$0x13020] =	vst v11  }
0x340: {  	v15 =	vadd.s32 $0xEC00, v3;
	v12 =	vld.idx.msk [tilespmem:v12+s2+$0x0], $0xffff;
	[tilespmem:s14+$0x16820] =	vst v7  }
0x341: {  	v11 =	vadd.s32 $0xB400, v46;
	v8 =	vld.idx.msk [tilespmem:v8+s2+$0x0], $0xffff;
	[tilespmem:s15+$0x16C00] =	vst v5  }
0x342: {  	v7 =	vadd.s32 $0xB400, v47;
	v5 =	vld.idx.msk [tilespmem:v14+s2+$0x0], $0xffff;
	[tilespmem:s16+$0x13430] =	vst v6  }
0x343: {  	v14 =	vadd.s32 $0xB400, v48;
	v6 =	vld.idx.msk [tilespmem:v10+s2+$0x0], $0xffff;
	[tilespmem:s14+$0x18030] =	vst v4  }
0x344: {  	v10 =	vadd.s32 $0xEC00, v1;
	v9 =	vld.idx.msk [tilespmem:v9+s2+$0x0], $0xffff;
	[tilespmem:s17+$0x13400] =	vst v13  }
0x345: {  	v4 =	vadd.s32 $0xEC00, v2;
	v13 =	vld.idx.msk [tilespmem:v15+s2+$0x0], $0xffff;
	[tilespmem:s16+$0x13410] =	vst v12  }
0x346: {  	v11 =	vld.idx.msk [tilespmem:v11+s2+$0x0], $0xffff;
	v12 =	vadd.s32 $0xB800, v0;
	[tilespmem:s16+$0x13420] =	vst v8  }
0x347: {  	v15 =	vadd.s32 $0xF000, v3;
	v7 =	vld.idx.msk [tilespmem:v7+s2+$0x0], $0xffff;
	[tilespmem:s14+$0x16C10] =	vst v5  }
0x348: {  	v8 =	vadd.s32 $0xB800, v46;
	v14 =	vld.idx.msk [tilespmem:v14+s2+$0x0], $0xffff;
	[tilespmem:s14+$0x16C20] =	vst v6  }
0x349: {  	v5 =	vadd.s32 $0xB800, v47;
	v10 =	vld.idx.msk [tilespmem:v10+s2+$0x0], $0xffff;
	[tilespmem:s16+$0x13830] =	vst v9  }
0x34a: {  	v6 =	vadd.s32 $0xB800, v48;
	v4 =	vld.idx.msk [tilespmem:v4+s2+$0x0], $0xffff;
	[tilespmem:s15+$0x17000] =	vst v13  }
0x34b: {  	v9 =	vadd.s32 $0xF000, v1;
	v12 =	vld.idx.msk [tilespmem:v12+s2+$0x0], $0xffff;
	[tilespmem:s17+$0x13800] =	vst v11  }
0x34c: {  	v13 =	vadd.s32 $0xF000, v2;
	v11 =	vld.idx.msk [tilespmem:v15+s2+$0x0], $0xffff;
	[tilespmem:s16+$0x13810] =	vst v7  }
0x34d: {  	v8 =	vld.idx.msk [tilespmem:v8+s2+$0x0], $0xffff;
	v7 =	vadd.s32 $0xBC00, v0;
	[tilespmem:s16+$0x13820] =	vst v14  }
0x34e: {  	v17 =	vadd.s32 $0xF400, v2;
	v15 =	vadd.s32 $0xF400, v3;
	v5 =	vld.idx.msk [tilespmem:v5+s2+$0x0], $0xffff;
	[tilespmem:s14+$0x17010] =	vst v10  }
0x34f: {  	v18 =	vadd.s32 $0xF800, v3;
	v20 =	vadd.s32 $0xFC00, v3;
	v3 =	vadd.s32 $0xBC00, v46;
	v6 =	vld.idx.msk [tilespmem:v6+s2+$0x0], $0xffff;
	[tilespmem:s14+$0x17020] =	vst v4  }
0x350: {  	v19 =	vadd.s32 $0xF800, v1;
	v23 =	vadd.s32 $0xFC00, v2;
	v14 =	vadd.s32 $0xF800, v2;
	v2 =	vld.idx.msk [tilespmem:v9+s2+$0x0], $0xffff;
	[tilespmem:s16+$0x13C30] =	vst v12  }
0x351: {  	v22 =	vadd.s32 $0xFC00, v1;
	v16 =	vadd.s32 $0xF400, v1;
	v1 =	vadd.s32 $0xBC00, v47;
	v10 =	vld.idx.msk [tilespmem:v13+s2+$0x0], $0xffff;
	[tilespmem:s15+$0x17400] =	vst v11  }
0x352: {  	v9 =	vadd.s32 $0xBC00, v48;
	v7 =	vld.idx.msk [tilespmem:v7+s2+$0x0], $0xffff;
	[tilespmem:s17+$0x13C00] =	vst v8  }
0x353: {  	v56 =	vadd.s32 $0xC400, v46;
	v11 =	vadd.s32 $0xD000, v47;
	v8 =	vld.idx.msk [tilespmem:v15+s2+$0x0], $0xffff;
	[tilespmem:s16+$0x13C10] =	vst v5  }
0x354: {  	v63 =	vadd.s32 $0xC800, v46;
	v55 =	vadd.s32 $0xC400, v47;
	v54 =	vadd.s32 $0xC400, v48;
	v3 =	vld.idx.msk [tilespmem:v3+s2+$0x0], $0xffff;
	[tilespmem:$0x1FC20] =	vst v11  }
0x355: {  	v53 =	vadd.s32 $0xC800, v47;
	v52 =	vadd.s32 $0xC800, v48;
	v50 =	vadd.s32 $0xCC00, v46;
	[tilespmem:s16+$0x13C20] =	vst v6  }
0x356: {  	v49 =	vadd.s32 $0xCC00, v47;
	v5 =	vadd.s32 $0xC000, v0;
	v1 =	vld.idx.msk [tilespmem:v1+s2+$0x0], $0xffff;
	[tilespmem:s14+$0x17410] =	vst v2;
	v2 =	vadd.s32 $0xD000, v48  }
0x357: {  	v38 =	vadd.s32 $0xD000, v46;
	v39 =	vadd.s32 $0xCC00, v48;
	v59 =	vadd.s32 $0xD400, v46;
	v6 =	vld.idx.msk [tilespmem:v9+s2+$0x0], $0xffff;
	[tilespmem:$0x1FC30] =	vst v2  }
0x358: {  	v57 =	vadd.s32 $0xD400, v47;
	v62 =	vadd.s32 $0xD800, v46;
	v4 =	vadd.s32 $0xC000, v46;
	[tilespmem:s14+$0x17420] =	vst v10  }
0x359: {  	v41 =	vadd.s32 $0xD800, v47;
	v45 =	vadd.s32 $0xD400, v48;
	v12 =	vadd.s32 $0xC000, v47;
	v2 =	vld.idx.msk [tilespmem:v16+s2+$0x0], $0xffff;
	[tilespmem:s16+$0x14030] =	vst v7  }
0x35a: {  	v40 =	vadd.s32 $0xDC00, v46;
	v61 =	vadd.s32 $0xDC00, v47;
	v13 =	vadd.s32 $0xC000, v48;
	[tilespmem:s15+$0x17800] =	vst v8;
	v7 =	vld.idx.msk [tilespmem:v17+s2+$0x0], $0xffff  }
0x35b: {  	v44 =	vadd.s32 $0xD800, v48;
	v60 =	vadd.s32 $0xE000, v46;
	v34 =	vadd.s32 $0xE000, v47;
	v9 =	vld.idx.msk [tilespmem:v5+s2+$0x0], $0xffff;
	[tilespmem:s17+$0x14000] =	vst v3  }
0x35c: {  	v43 =	vadd.s32 $0xDC00, v48;
	v31 =	vadd.s32 $0xE400, v46;
	v37 =	vadd.s32 $0xE000, v48;
	v8 =	vld.idx.msk [tilespmem:v18+s2+$0x0], $0xffff;
	[tilespmem:s16+$0x14010] =	vst v1  }
0x35d: {  	v32 =	vadd.s32 $0xE400, v47;
	v33 =	vadd.s32 $0xE400, v48;
	v30 =	vadd.s32 $0xE800, v46;
	v4 =	vld.idx.msk [tilespmem:v4+s2+$0x0], $0xffff;
	[tilespmem:s16+$0x14020] =	vst v6  }
0x35e: {  	v28 =	vadd.s32 $0xE800, v47;
	v29 =	vadd.s32 $0xE800, v48;
	v1 =	vadd.s32 $0xC400, v0;
	v5 =	vld.idx.msk [tilespmem:v12+s2+$0x0], $0xffff;
	[tilespmem:s14+$0x17810] =	vst v2  }
0x35f: {  	v26 =	vadd.s32 $0xEC00, v46;
	v27 =	vadd.s32 $0xEC00, v47;
	v25 =	vadd.s32 $0xEC00, v48;
	v6 =	vld.idx.msk [tilespmem:v13+s2+$0x0], $0xffff;
	[tilespmem:s14+$0x17820] =	vst v7  }
0x360: {  	v21 =	vadd.s32 $0xF000, v46;
	v24 =	vadd.s32 $0xF000, v47;
	v15 =	vadd.s32 $0xF400, v48;
	v3 =	vld.idx.msk [tilespmem:v19+s2+$0x0], $0xffff;
	[tilespmem:s16+$0x14430] =	vst v9  }
0x361: {  	v16 =	vadd.s32 $0xF400, v46;
	v10 =	vadd.s32 $0xF800, v48;
	v18 =	vadd.s32 $0xF000, v48;
	[tilespmem:s15+$0x17C00] =	vst v8;
	v2 =	vld.idx.msk [tilespmem:v14+s2+$0x0], $0xffff  }
0x362: {  	v17 =	vadd.s32 $0xF400, v47;
	v12 =	vadd.s32 $0xF800, v46;
	v13 =	vadd.s32 $0xF800, v47;
	[tilespmem:s17+$0x14400] =	vst v4;
	v4 =	vld.idx.msk [tilespmem:v20+s2+$0x0], $0xffff  }
0x363: {  	s19 =	simm.s32 $0x4;
	s20 =	simm.s32 $0x200;
	v47 =	vadd.s32 $0xFC00, v47;
	v9 =	vadd.s32 $0xFC00, v46;
	v46 =	vadd.s32 $0xFC00, v48;
	v7 =	vld.idx.msk [tilespmem:v1+s2+$0x0], $0xffff  }
.LBB2_4:
0x364: {  	[tilespmem:$0x1F8C0] =	vst v43  }
0x365: {  	[tilespmem:$0x1F930] =	vst v31  }
0x366: {  	[tilespmem:$0x1F940] =	vst v32  }
0x367: {  	[tilespmem:$0x1F990] =	vst v30  }
0x368: {  	[tilespmem:$0x1F9D0] =	vst v28  }
0x369: {  	[tilespmem:$0x1F9E0] =	vst v29  }
0x36a: {  	[tilespmem:$0x1FA50] =	vst v25  }
0x36b: {  	[tilespmem:$0x1F9F0] =	vst v26  }
0x36c: {  	[tilespmem:$0x1FA30] =	vst v27  }
0x36d: {  	[tilespmem:$0x1FA70] =	vst v21  }
0x36e: {  	[tilespmem:$0x1FAF0] =	vst v16  }
0x36f: {  	[tilespmem:$0x1FB80] =	vst v12  }
0x370: {  	[tilespmem:$0x1FBD0] =	vst v13  }
0x371: {  	[tilespmem:$0x1FC10] =	vst v9  }
0x372: {  	s21 =	sshra.s32 s20, $0x2;
	v8 =	vld.idx.msk [tilespmem:v56+s2+$0x0], $0xffff;
	[tilespmem:s16+$0x14410] =	vst v5  }
0x373: {  	[tilespmem:s16+$0x14420] =	vst v6;
	v48 =	vld [tilespmem:s21+$0x10030]  }
0x374: {  	v5 =	vadd.s32 $0xC800, v0;
	v1 =	vld [tilespmem:s21+$0x10000];
	[tilespmem:s14+$0x17C10] =	vst v3  }
0x375: {  	v20 =	vld [tilespmem:s21+$0x10010];
	[tilespmem:s14+$0x17C20] =	vst v2  }
0x376: {  	[tilespmem:s15+$0x18000] =	vst v4;
	v4 =	vld.idx.msk [tilespmem:v55+s2+$0x0], $0xffff  }
0x377: {  	[tilespmem:$0x1FBF0] =	vst v10;
	v16 =	vld [tilespmem:s21+$0x10020]  }
0x378: {  	[tilespmem:s16+$0x14830] =	vst v7;
	s15 =	smov.u32 s17;
	v6 =	vld.idx.msk [tilespmem:v54+s2+$0x0], $0xffff  }
0x379: {  	v14 =	vmov v47;
	v2 =	vld.idx.msk [tilespmem:v5+s2+$0x0], $0xffff;
	[tilespmem:s15+$0x14800] =	vst v8;
	v3 =	vadd.s32 $0x8000, v48  }
0x37a: {  	[tilespmem:$0x1F8B0] =	vst v14;
	v7 =	vmov v46;
	v5 =	vadd.s32 $0x8000, v1;
	v13 =	vld.idx.msk [tilespmem:v63+s2+$0x0], $0xffff  }
0x37b: {  	[tilespmem:$0x1F870] =	vst v7  }
0x37c: {  	v30 =	vld.idx.msk [tilespmem:v22+s2+$0x0], $0xffff;
	[tilespmem:s16+$0x14810] =	vst v4  }
0x37d: {  	v51 =	vld.idx.msk [tilespmem:v23+s2+$0x0], $0xffff;
	[tilespmem:s16+$0x14820] =	vst v6  }
0x37e: {  	v10 =	vadd.s32 $0x8000, v20;
	v3 =	vld.idx.msk [tilespmem:v3+s2+$0x0], $0xffff;
	[tilespmem:s16+$0x14C30] =	vst v2  }
0x37f: {  	v4 =	vadd.s32 $0x9C00, v16;
	v42 =	vld.idx.msk [tilespmem:v5+s2+$0x0], $0xffff;
	[tilespmem:s15+$0x14C00] =	vst v13  }
0x380: {  	v6 =	vadd.s32 $0xC800, v16;
	[tilespmem:$0x1F860] =	vst v4  }
0x381: {  	v43 =	vmov v41;
	v41 =	vadd.s32 $0xF400, v16;
	[tilespmem:$0x1FB00] =	vst v6  }
0x382: {  	[tilespmem:$0x1FB70] =	vst v41  }
0x383: {  	v27 =	vadd.s32 $0x8000, v16;
	v4 =	vadd.s32 $0xA000, v1;
	v55 =	vld.idx.msk [tilespmem:v10+s2+$0x0], $0xffff;
	[tilespmem:s14+$0x18010] =	vst v30  }
0x384: {  	v6 =	vadd.s32 $0xCC00, v1;
	[tilespmem:$0x1F880] =	vst v4  }
0x385: {  	v8 =	vadd.s32 $0xCC00, v0;
	v4 =	vadd.s32 $0xA000, v20;
	[tilespmem:$0x1FA80] =	vst v6  }
0x386: {  	[tilespmem:$0x1F890] =	vst v4;
	v4 =	vadd.s32 $0xA000, v16  }
0x387: {  	[tilespmem:$0x1F8A0] =	vst v4  }
0x388: {  	v4 =	vadd.s32 $0xA400, v1;
	v27 =	vld.idx.msk [tilespmem:v27+s2+$0x0], $0xffff;
	[tilespmem:s14+$0x18020] =	vst v51  }
0x389: {  	[tilespmem:$0x1F8D0] =	vst v4;
	v4 =	vadd.s32 $0xA400, v20  }
0x38a: {  	v54 =	vadd.s32 $0x8400, v48;
	v2 =	vld.idx.msk [tilespmem:v8+s2+$0x0], $0xffff;
	s14 =	smov.u32 s16;
	s16 =	smov.u32 s21;
	[tilespmem:$0x1F8E0] =	vst v4  }
0x38b: {  	[tilespmem:s16+$0x10430] =	vst v3  }
0x38c: {  	v4 =	vadd.s32 $0xA400, v16;
	[tilespmem:s16+$0x10400] =	vst v42  }
0x38d: {  	v3 =	vadd.s32 $0xA800, v1;
	[tilespmem:$0x1F8F0] =	vst v4  }
0x38e: {  	v21 =	vadd.s32 $0x8400, v20;
	v30 =	vld.idx.msk [tilespmem:v53+s2+$0x0], $0xffff;
	[tilespmem:$0x1F900] =	vst v3  }
0x38f: {  	v58 =	vld.idx.msk [tilespmem:v54+s2+$0x0], $0xffff;
	[tilespmem:s14+$0x15030] =	vst v2  }
0x390: {  	v3 =	vadd.s32 $0xA800, v20;
	[tilespmem:s16+$0x10410] =	vst v55  }
0x391: {  	v2 =	vadd.s32 $0xAC00, v1;
	[tilespmem:$0x1F910] =	vst v3  }
0x392: {  	[tilespmem:$0x1F950] =	vst v2  }
0x393: {  	v12 =	vadd.s32 $0x8400, v1;
	v3 =	vadd.s32 $0xA800, v16;
	v21 =	vld.idx.msk [tilespmem:v21+s2+$0x0], $0xffff;
	[tilespmem:s14+$0x14C10] =	vst v30  }
0x394: {  	v2 =	vadd.s32 $0xAC00, v20;
	[tilespmem:$0x1F920] =	vst v3  }
0x395: {  	v29 =	vadd.s32 $0x8400, v16;
	v32 =	vld.idx.msk [tilespmem:v52+s2+$0x0], $0xffff;
	[tilespmem:$0x1F960] =	vst v2;
	v2 =	vadd.s32 $0xAC00, v16  }
0x396: {  	v3 =	vadd.s32 $0xB000, v1;
	[tilespmem:$0x1F970] =	vst v2  }
0x397: {  	v56 =	vadd.s32 $0xD000, v0;
	[tilespmem:$0x1F9A0] =	vst v3  }
0x398: {  	v12 =	vld.idx.msk [tilespmem:v12+s2+$0x0], $0xffff;
	v3 =	vadd.s32 $0xB000, v20;
	[tilespmem:s16+$0x10420] =	vst v27  }
0x399: {  	[tilespmem:$0x1F9B0] =	vst v3  }
0x39a: {  	v3 =	vadd.s32 $0xB400, v1;
	v29 =	vld.idx.msk [tilespmem:v29+s2+$0x0], $0xffff;
	[tilespmem:s14+$0x14C20] =	vst v32  }
0x39b: {  	s18 =	sadd.s32 $0x40, s18;
	v19 =	vadd.s32 $0x8800, v1;
	v30 =	vld.idx.msk [tilespmem:v50+s2+$0x0], $0xffff;
	[tilespmem:$0x1FA00] =	vst v3  }
0x39c: {  	s17 =	sand.u32 $0x3C0, s18;
	v2 =	vld.idx.msk [tilespmem:v56+s2+$0x0], $0xffff;
	[tilespmem:s16+$0x10830] =	vst v58  }
0x39d: {  	v26 =	vadd.s32 $0x8800, v20;
	v36 =	vld.idx.msk [tilespmem:v49+s2+$0x0], $0xffff;
	v3 =	vadd.s32 $0xB000, v16;
	[tilespmem:s17+$0x10800] =	vst v12  }
0x39e: {  	[tilespmem:$0x1F9C0] =	vst v3  }
0x39f: {  	v63 =	vadd.s32 $0x8800, v48;
	[tilespmem:s16+$0x10810] =	vst v21  }
0x3a0: {  	v3 =	vadd.s32 $0xB800, v1;
	v12 =	vld.idx.msk [tilespmem:v19+s2+$0x0], $0xffff;
	[tilespmem:s15+$0x15000] =	vst v30  }
0x3a1: {  	[tilespmem:$0x1FA90] =	vst v3  }
0x3a2: {  	v3 =	vadd.s32 $0xB400, v20;
	v21 =	vld.idx.msk [tilespmem:v26+s2+$0x0], $0xffff;
	[tilespmem:s14+$0x15010] =	vst v36  }
0x3a3: {  	[tilespmem:$0x1FA10] =	vst v3  }
0x3a4: {  	v58 =	vld.idx.msk [tilespmem:v63+s2+$0x0], $0xffff;
	v3 =	vadd.s32 $0xB400, v16;
	[tilespmem:s14+$0x15430] =	vst v2  }
0x3a5: {  	v27 =	vadd.s32 $0xD400, v0;
	v2 =	vadd.s32 $0xC400, v16;
	[tilespmem:$0x1FA20] =	vst v3  }
0x3a6: {  	[tilespmem:$0x1FB50] =	vst v2  }
0x3a7: {  	v3 =	vadd.s32 $0xBC00, v1;
	[tilespmem:s16+$0x10820] =	vst v29  }
0x3a8: {  	v31 =	vadd.s32 $0x8800, v16;
	[tilespmem:$0x1FB10] =	vst v3;
	v3 =	vadd.s32 $0xB800, v20  }
0x3a9: {  	[tilespmem:$0x1FAA0] =	vst v3  }
0x3aa: {  	v2 =	vld.idx.msk [tilespmem:v27+s2+$0x0], $0xffff;
	[tilespmem:s16+$0x10C30] =	vst v58  }
0x3ab: {  	v19 =	vadd.s32 $0x8C00, v48;
	v3 =	vadd.s32 $0xB800, v16;
	v58 =	vld.idx.msk [tilespmem:v38+s2+$0x0], $0xffff;
	[tilespmem:s17+$0x10C00] =	vst v12  }
0x3ac: {  	[tilespmem:$0x1FAB0] =	vst v3  }
0x3ad: {  	v8 =	vmov v45;
	v45 =	vld.idx.msk [tilespmem:v31+s2+$0x0], $0xffff;
	v3 =	vadd.s32 $0xC000, v1;
	[tilespmem:s16+$0x10C10] =	vst v21  }
0x3ae: {  	[tilespmem:$0x1FBA0] =	vst v3;
	v3 =	vadd.s32 $0xBC00, v20  }
0x3af: {  	v7 =	vadd.s32 $0x8C00, v16;
	v55 =	vld.idx.msk [tilespmem:v39+s2+$0x0], $0xffff;
	[tilespmem:$0x1FB20] =	vst v3  }
0x3b0: {  	v52 =	vld.idx.msk [tilespmem:v19+s2+$0x0], $0xffff;
	v3 =	vadd.s32 $0xBC00, v16;
	[tilespmem:s14+$0x15830] =	vst v2  }
0x3b1: {  	v11 =	vadd.s32 $0x8C00, v1;
	[tilespmem:$0x1FB30] =	vst v3  }
0x3b2: {  	v3 =	vadd.s32 $0xC000, v20;
	[tilespmem:s16+$0x10C20] =	vst v45  }
0x3b3: {  	v9 =	vadd.s32 $0x8C00, v20;
	[tilespmem:$0x1FBB0] =	vst v3  }
0x3b4: {  	v14 =	vmovc v44;
	v44 =	vmov v57;
	v47 =	vadd.s32 $0x9000, v1;
	v45 =	vadd.s32 $0xEC00, v16;
	v57 =	vld.idx.msk [tilespmem:v7+s2+$0x0], $0xffff;
	[tilespmem:s14+$0x15020] =	vst v55  }
0x3b5: {  	v46 =	vadd.s32 $0x9000, v20;
	v23 =	vadd.s32 $0x9400, v20;
	v26 =	vadd.s32 $0xD800, v0;
	[tilespmem:$0x1FA60] =	vst v45  }
0x3b6: {  	v22 =	vadd.s32 $0x9800, v20;
	v13 =	vadd.s32 $0x9C00, v20;
	v39 =	vld.idx.msk [tilespmem:v11+s2+$0x0], $0xffff;
	v3 =	vadd.s32 $0xC000, v16;
	[tilespmem:s15+$0x15400] =	vst v58  }
0x3b7: {  	v10 =	vmovc v40;
	v40 =	vadd.s32 $0x9000, v48;
	v50 =	vadd.s32 $0xD000, v20;
	v55 =	vadd.s32 $0xEC00, v20;
	[tilespmem:$0x1FBC0] =	vst v3  }
0x3b8: {  	v41 =	vadd.s32 $0xF800, v16;
	v6 =	vadd.s32 $0xCC00, v20;
	v53 =	vadd.s32 $0xDC00, v0;
	v56 =	vld.idx.msk [tilespmem:v9+s2+$0x0], $0xffff;
	v58 =	vmovc v50;
	[tilespmem:$0x1FA40] =	vst v55  }
0x3b9: {  	v42 =	vmovc v34;
	v34 =	vadd.s32 $0xD400, v20;
	v4 =	vadd.s32 $0xC400, v20;
	v45 =	vadd.s32 $0xF000, v16;
	v55 =	vld [tilespmem:$0x1FC20];
	[tilespmem:$0x1FC20] =	vst v58  }
0x3ba: {  	v54 =	vadd.s32 $0xD000, v16;
	v49 =	vadd.s32 $0xDC00, v20;
	v36 =	vadd.s32 $0xD800, v20;
	v38 =	vld.idx.msk [tilespmem:v26+s2+$0x0], $0xffff;
	[tilespmem:$0x1FAE0] =	vst v45  }
0x3bb: {  	v11 =	vadd.s32 $0xE800, v20;
	v9 =	vadd.s32 $0xE400, v20;
	v2 =	vadd.s32 $0xE000, v20;
	[tilespmem:s16+$0x11030] =	vst v52;
	v45 =	vld [tilespmem:$0x1FC30]  }
0x3bc: {  	v3 =	vadd.s32 $0xC800, v20;
	v58 =	vadd.s32 $0xF000, v20;
	v52 =	vmovc v54;
	v54 =	vadd.s32 $0xF400, v20;
	[tilespmem:s17+$0x11000] =	vst v39;
	v40 =	vld.idx.msk [tilespmem:v40+s2+$0x0], $0xffff  }
0x3bd: {  	[tilespmem:$0x1FC00] =	vst v41;
	v39 =	vadd.s32 $0xF800, v20;
	v41 =	vld.idx.msk [tilespmem:v47+s2+$0x0], $0xffff;
	v47 =	vadd.s32 $0xFC00, v20;
	v20 =	vadd.s32 $0x9400, v48  }
0x3be: {  	[tilespmem:$0x1FAD0] =	vst v18  }
0x3bf: {  	[tilespmem:$0x1FAC0] =	vst v24  }
0x3c0: {  	[tilespmem:s14+$0x15C30] =	vst v38  }
0x3c1: {  	v28 =	vadd.s32 $0x9000, v16;
	v27 =	vadd.s32 $0xD000, v1;
	v53 =	vld.idx.msk [tilespmem:v53+s2+$0x0], $0xffff;
	[tilespmem:s16+$0x11430] =	vst v40  }
0x3c2: {  	[tilespmem:$0x1FB40] =	vst v17;
	v25 =	vadd.s32 $0x9400, v16;
	v31 =	vadd.s32 $0xCC00, v16;
	v29 =	vmov v27;
	v20 =	vld.idx.msk [tilespmem:v20+s2+$0x0], $0xffff  }
0x3c3: {  	v17 =	vadd.s32 $0x9800, v16;
	v51 =	vadd.s32 $0xD400, v16;
	v30 =	vmovc v31;
	[tilespmem:$0x1FB90] =	vst v29;
	v31 =	vadd.s32 $0xDC00, v16;
	v55 =	vld.idx.msk [tilespmem:v55+s2+$0x0], $0xffff  }
0x3c4: {  	v29 =	vadd.s32 $0xE000, v16;
	v12 =	vadd.s32 $0xE800, v16;
	v27 =	vmovc v37;
	v37 =	vadd.s32 $0xD800, v16;
	v45 =	vld.idx.msk [tilespmem:v45+s2+$0x0], $0xffff;
	[tilespmem:s16+$0x11010] =	vst v56  }
0x3c5: {  	v21 =	vadd.s32 $0xE400, v16;
	[tilespmem:s16+$0x11020] =	vst v57;
	v56 =	vld.idx.msk [tilespmem:v46+s2+$0x0], $0xffff;
	v46 =	vadd.s32 $0xFC00, v16;
	v16 =	vadd.s32 $0xE000, v0  }
0x3c6: {  	[tilespmem:$0x1FB60] =	vst v15;
	v28 =	vld.idx.msk [tilespmem:v28+s2+$0x0], $0xffff  }
0x3c7: {  	[tilespmem:s14+$0x16030] =	vst v53;
	v53 =	vmov v3;
	v3 =	vld [tilespmem:$0x1F860]  }
0x3c8: {  	v24 =	vadd.s32 $0x9400, v1;
	[tilespmem:s14+$0x15410] =	vst v55;
	v55 =	vld.idx.msk [tilespmem:v59+s2+$0x0], $0xffff  }
0x3c9: {  	[tilespmem:s14+$0x15420] =	vst v45;
	v45 =	vld.idx.msk [tilespmem:v44+s2+$0x0], $0xffff  }
0x3ca: {  	v40 =	vadd.s32 $0x9800, v48;
	v16 =	vld.idx.msk [tilespmem:v16+s2+$0x0], $0xffff;
	[tilespmem:s16+$0x11410] =	vst v56  }
0x3cb: {  	[tilespmem:s16+$0x11420] =	vst v28;
	v23 =	vld.idx.msk [tilespmem:v23+s2+$0x0], $0xffff  }
0x3cc: {  	[tilespmem:s17+$0x11400] =	vst v41;
	v25 =	vld.idx.msk [tilespmem:v25+s2+$0x0], $0xffff  }
0x3cd: {  	v24 =	vld.idx.msk [tilespmem:v24+s2+$0x0], $0xffff;
	[tilespmem:s16+$0x11830] =	vst v20  }
0x3ce: {  	v28 =	vadd.s32 $0xE400, v0;
	v41 =	vld.idx.msk [tilespmem:v8+s2+$0x0], $0xffff;
	[tilespmem:s15+$0x15800] =	vst v55  }
0x3cf: {  	v18 =	vadd.s32 $0x9800, v1;
	v57 =	vmov v34;
	v34 =	vld.idx.msk [tilespmem:v40+s2+$0x0], $0xffff;
	[tilespmem:s14+$0x15810] =	vst v45  }
0x3d0: {  	v20 =	vld.idx.msk [tilespmem:v62+s2+$0x0], $0xffff;
	[tilespmem:s16+$0x11810] =	vst v23  }
0x3d1: {  	[tilespmem:s16+$0x11820] =	vst v25;
	v22 =	vld.idx.msk [tilespmem:v22+s2+$0x0], $0xffff  }
0x3d2: {  	[tilespmem:s14+$0x16430] =	vst v16;
	v17 =	vld.idx.msk [tilespmem:v17+s2+$0x0], $0xffff  }
0x3d3: {  	[tilespmem:s17+$0x11800] =	vst v24;
	v16 =	vld.idx.msk [tilespmem:v28+s2+$0x0], $0xffff  }
0x3d4: {  	v18 =	vld.idx.msk [tilespmem:v18+s2+$0x0], $0xffff;
	[tilespmem:s14+$0x15820] =	vst v41  }
0x3d5: {  	v23 =	vadd.s32 $0x9C00, v48;
	v25 =	vld.idx.msk [tilespmem:v14+s2+$0x0], $0xffff;
	[tilespmem:s15+$0x15C00] =	vst v20  }
0x3d6: {  	v15 =	vadd.s32 $0x9C00, v1;
	v20 =	vld.idx.msk [tilespmem:v43+s2+$0x0], $0xffff;
	[tilespmem:s16+$0x11C10] =	vst v22  }
0x3d7: {  	v24 =	vadd.s32 $0xE800, v0;
	[tilespmem:s16+$0x11C20] =	vst v17;
	v14 =	vld.idx.msk [tilespmem:v13+s2+$0x0], $0xffff  }
0x3d8: {  	v13 =	vld.idx.msk [tilespmem:v3+s2+$0x0], $0xffff  }
0x3d9: {  	[tilespmem:s16+$0x11C30] =	vst v34;
	v3 =	vld [tilespmem:$0x1F880]  }
0x3da: {  	v23 =	vld.idx.msk [tilespmem:v23+s2+$0x0], $0xffff;
	[tilespmem:s17+$0x11C00] =	vst v18  }
0x3db: {  	[tilespmem:s14+$0x16830] =	vst v16;
	v18 =	vadd.s32 $0xA000, v48;
	v15 =	vld.idx.msk [tilespmem:v15+s2+$0x0], $0xffff  }
0x3dc: {  	v16 =	vld.idx.msk [tilespmem:v24+s2+$0x0], $0xffff;
	_ =	sdelay $0x1  }
0x3dd: {  	[tilespmem:s14+$0x15C10] =	vst v20  }
0x3de: {  	v20 =	vld.idx.msk [tilespmem:v10+s2+$0x0], $0xffff;
	[tilespmem:s16+$0x12030] =	vst v23  }
0x3df: {  	v18 =	vld.idx.msk [tilespmem:v18+s2+$0x0], $0xffff;
	[tilespmem:s17+$0x12000] =	vst v15  }
0x3e0: {  	[tilespmem:s14+$0x16C30] =	vst v16;
	v16 =	vld.idx.msk [tilespmem:v3+s2+$0x0], $0xffff  }
0x3e1: {  	v3 =	vld [tilespmem:$0x1F890];
	_ =	sdelay $0x6  }
0x3e2: {  	v22 =	vld.idx.msk [tilespmem:v61+s2+$0x0], $0xffff;
	[tilespmem:s16+$0x12010] =	vst v14  }
0x3e3: {  	v10 =	vld.idx.msk [tilespmem:v3+s2+$0x0], $0xffff  }
0x3e4: {  	v3 =	vld [tilespmem:$0x1F8A0];
	_ =	sdelay $0x5  }
0x3e5: {  	[tilespmem:s14+$0x15C20] =	vst v25  }
0x3e6: {  	[tilespmem:s16+$0x12020] =	vst v13  }
0x3e7: {  	v8 =	vld.idx.msk [tilespmem:v3+s2+$0x0], $0xffff  }
0x3e8: {  	v3 =	vld [tilespmem:$0x1F8C0];
	_ =	sdelay $0x1  }
0x3e9: {  	v17 =	vadd.s32 $0xEC00, v0;
	_ =	sdelay $0x4  }
0x3ea: {  	v15 =	vld.idx.msk [tilespmem:v17+s2+$0x0], $0xffff  }
0x3eb: {  	v17 =	vld.idx.msk [tilespmem:v3+s2+$0x0], $0xffff  }
0x3ec: {  	v3 =	vld [tilespmem:$0x1F8D0];
	_ =	sdelay $0x4  }
0x3ed: {  	[tilespmem:s15+$0x16000] =	vst v20  }
0x3ee: {  	[tilespmem:s16+$0x12430] =	vst v18  }
0x3ef: {  	v18 =	vld.idx.msk [tilespmem:v60+s2+$0x0], $0xffff;
	[tilespmem:s17+$0x12400] =	vst v16  }
0x3f0: {  	v61 =	vmov v49;
	v49 =	vmov v6;
	v6 =	vld.idx.msk [tilespmem:v3+s2+$0x0], $0xffff  }
0x3f1: {  	v3 =	vld [tilespmem:$0x1F8E0];
	_ =	sdelay $0x5  }
0x3f2: {  	[tilespmem:s14+$0x16010] =	vst v22  }
0x3f3: {  	v5 =	vadd.s32 $0xC400, v1;
	[tilespmem:s16+$0x12410] =	vst v10  }
0x3f4: {  	v56 =	vmov v5;
	v5 =	vld.idx.msk [tilespmem:v3+s2+$0x0], $0xffff  }
0x3f5: {  	v3 =	vld [tilespmem:$0x1F8F0]  }
0x3f6: {  	v14 =	vadd.s32 $0xA400, v48  }
0x3f7: {  	v13 =	vadd.s32 $0xF000, v0;
	_ =	sdelay $0x3  }
0x3f8: {  	v14 =	vld.idx.msk [tilespmem:v14+s2+$0x0], $0xffff;
	[tilespmem:s14+$0x17030] =	vst v15  }
0x3f9: {  	v13 =	vld.idx.msk [tilespmem:v13+s2+$0x0], $0xffff;
	[tilespmem:s16+$0x12420] =	vst v8  }
0x3fa: {  	v55 =	vmov v4;
	v4 =	vld.idx.msk [tilespmem:v3+s2+$0x0], $0xffff  }
0x3fb: {  	v10 =	vadd.s32 $0xA800, v48;
	v3 =	vld [tilespmem:$0x1F900];
	_ =	sdelay $0x1  }
0x3fc: {  	v8 =	vadd.s32 $0xF400, v0;
	_ =	sdelay $0x1  }
0x3fd: {  	[tilespmem:s16+$0x12830] =	vst v14  }
0x3fe: {  	v10 =	vld.idx.msk [tilespmem:v10+s2+$0x0], $0xffff;
	[tilespmem:s14+$0x17430] =	vst v13  }
0x3ff: {  	[tilespmem:s15+$0x16400] =	vst v18  }
0x400: {  	[tilespmem:s17+$0x12800] =	vst v6;
	v6 =	vld.idx.msk [tilespmem:v8+s2+$0x0], $0xffff  }
0x401: {  	v8 =	vld.idx.msk [tilespmem:v3+s2+$0x0], $0xffff  }
0x402: {  	v3 =	vld [tilespmem:$0x1F910];
	_ =	sdelay $0x6  }
0x403: {  	v15 =	vld.idx.msk [tilespmem:v42+s2+$0x0], $0xffff;
	[tilespmem:s16+$0x12810] =	vst v5  }
0x404: {  	v13 =	vld.idx.msk [tilespmem:v3+s2+$0x0], $0xffff  }
0x405: {  	v3 =	vld [tilespmem:$0x1F920];
	_ =	sdelay $0x5  }
0x406: {  	[tilespmem:s14+$0x16020] =	vst v17  }
0x407: {  	v34 =	vmov v2;
	v2 =	vld.idx.msk [tilespmem:v27+s2+$0x0], $0xffff;
	[tilespmem:s16+$0x12820] =	vst v4  }
0x408: {  	v14 =	vld.idx.msk [tilespmem:v3+s2+$0x0], $0xffff  }
0x409: {  	v3 =	vld [tilespmem:$0x1F930];
	_ =	sdelay $0x7  }
0x40a: {  	[tilespmem:s14+$0x16410] =	vst v15;
	v15 =	vld.idx.msk [tilespmem:v3+s2+$0x0], $0xffff  }
0x40b: {  	v3 =	vld [tilespmem:$0x1F950]  }
0x40c: {  	v5 =	vadd.s32 $0xAC00, v48;
	_ =	sdelay $0x3  }
0x40d: {  	[tilespmem:s16+$0x12C30] =	vst v10  }
0x40e: {  	v5 =	vld.idx.msk [tilespmem:v5+s2+$0x0], $0xffff;
	[tilespmem:s14+$0x16420] =	vst v2  }
0x40f: {  	v2 =	vld [tilespmem:$0x1F940];
	[tilespmem:s17+$0x12C00] =	vst v8  }
0x410: {  	[tilespmem:s14+$0x17830] =	vst v6;
	v6 =	vld.idx.msk [tilespmem:v3+s2+$0x0], $0xffff  }
0x411: {  	v3 =	vld [tilespmem:$0x1F960];
	_ =	sdelay $0x6  }
0x412: {  	v2 =	vld.idx.msk [tilespmem:v2+s2+$0x0], $0xffff;
	[tilespmem:s16+$0x12C10] =	vst v13  }
0x413: {  	v10 =	vld.idx.msk [tilespmem:v3+s2+$0x0], $0xffff  }
0x414: {  	v3 =	vld [tilespmem:$0x1F970];
	_ =	sdelay $0x6  }
0x415: {  	[tilespmem:s16+$0x12C20] =	vst v14  }
0x416: {  	v14 =	vld.idx.msk [tilespmem:v3+s2+$0x0], $0xffff  }
0x417: {  	v3 =	vld [tilespmem:$0x1F990];
	_ =	sdelay $0x1  }
0x418: {  	v4 =	vadd.s32 $0xF800, v0;
	_ =	sdelay $0x4  }
0x419: {  	v4 =	vld.idx.msk [tilespmem:v4+s2+$0x0], $0xffff;
	[tilespmem:s15+$0x16800] =	vst v15  }
0x41a: {  	[tilespmem:s16+$0x13030] =	vst v5;
	v5 =	vld.idx.msk [tilespmem:v3+s2+$0x0], $0xffff  }
0x41b: {  	v3 =	vld [tilespmem:$0x1F9A0];
	_ =	sdelay $0x6  }
0x41c: {  	[tilespmem:s17+$0x13000] =	vst v6  }
0x41d: {  	v6 =	vld.idx.msk [tilespmem:v3+s2+$0x0], $0xffff  }
0x41e: {  	v8 =	vadd.s32 $0xB000, v48;
	v3 =	vld [tilespmem:$0x1F9B0]  }
0x41f: {  	v13 =	vadd.s32 $0xFC00, v0;
	_ =	sdelay $0x2  }
0x420: {  	[tilespmem:$0x1F980] =	vst v33  }
0x421: {  	v8 =	vld.idx.msk [tilespmem:v8+s2+$0x0], $0xffff;
	[tilespmem:s14+$0x17C30] =	vst v4  }
0x422: {  	v4 =	vld.idx.msk [tilespmem:v13+s2+$0x0], $0xffff;
	[tilespmem:s14+$0x16810] =	vst v2  }
0x423: {  	v2 =	vld [tilespmem:$0x1F980];
	[tilespmem:s16+$0x13010] =	vst v10  }
0x424: {  	v13 =	vld.idx.msk [tilespmem:v3+s2+$0x0], $0xffff  }
0x425: {  	v3 =	vld [tilespmem:$0x1F9C0];
	_ =	sdelay $0x6  }
0x426: {  	v2 =	vld.idx.msk [tilespmem:v2+s2+$0x0], $0xffff;
	[tilespmem:s16+$0x13020] =	vst v14  }
0x427: {  	v14 =	vld.idx.msk [tilespmem:v3+s2+$0x0], $0xffff  }
0x428: {  	v3 =	vld [tilespmem:$0x1F9E0];
	_ =	sdelay $0x6  }
0x429: {  	[tilespmem:s14+$0x16820] =	vst v2  }
0x42a: {  	[tilespmem:s15+$0x16C00] =	vst v5;
	v5 =	vld.idx.msk [tilespmem:v3+s2+$0x0], $0xffff  }
0x42b: {  	v3 =	vld [tilespmem:$0x1F9F0]  }
0x42c: {  	v0 =	vmov v48  }
0x42d: {  	v10 =	vadd.s32 $0xB400, v0;
	_ =	sdelay $0x3  }
0x42e: {  	[tilespmem:s16+$0x13430] =	vst v8  }
0x42f: {  	v8 =	vld.idx.msk [tilespmem:v10+s2+$0x0], $0xffff;
	[tilespmem:s17+$0x13400] =	vst v6  }
0x430: {  	[tilespmem:s14+$0x18030] =	vst v4;
	v4 =	vld.idx.msk [tilespmem:v3+s2+$0x0], $0xffff  }
0x431: {  	v3 =	vld [tilespmem:$0x1FA00];
	_ =	sdelay $0x6  }
0x432: {  	v2 =	vld [tilespmem:$0x1F9D0]  }
0x433: {  	v6 =	vld.idx.msk [tilespmem:v3+s2+$0x0], $0xffff  }
0x434: {  	v3 =	vld [tilespmem:$0x1FA10];
	_ =	sdelay $0x6  }
0x435: {  	v2 =	vld.idx.msk [tilespmem:v2+s2+$0x0], $0xffff;
	[tilespmem:s16+$0x13410] =	vst v13  }
0x436: {  	v28 =	vmov v11;
	v11 =	vld.idx.msk [tilespmem:v3+s2+$0x0], $0xffff  }
0x437: {  	v3 =	vld [tilespmem:$0x1FA20];
	_ =	sdelay $0x6  }
0x438: {  	[tilespmem:s16+$0x13420] =	vst v14  }
0x439: {  	v44 =	vmov v37;
	v37 =	vmov v29;
	v29 =	vmov v12;
	v12 =	vld.idx.msk [tilespmem:v3+s2+$0x0], $0xffff  }
0x43a: {  	v3 =	vld [tilespmem:$0x1FA40];
	_ =	sdelay $0x4  }
0x43b: {  	v27 =	vmov v3;
	v3 =	vld [tilespmem:$0x1FA50];
	_ =	sdelay $0x6  }
0x43c: {  	[tilespmem:s14+$0x16C20] =	vst v5  }
0x43d: {  	v5 =	vld.idx.msk [tilespmem:v3+s2+$0x0], $0xffff  }
0x43e: {  	v3 =	vld [tilespmem:$0x1FA60];
	_ =	sdelay $0x4  }
0x43f: {  	v25 =	vmov v3;
	v3 =	vld [tilespmem:$0x1FA70];
	_ =	sdelay $0x5  }
0x440: {  	[tilespmem:s15+$0x17000] =	vst v4  }
0x441: {  	[tilespmem:s17+$0x13800] =	vst v6  }
0x442: {  	v4 =	vld.idx.msk [tilespmem:v3+s2+$0x0], $0xffff  }
0x443: {  	v3 =	vld [tilespmem:$0x1FA90];
	_ =	sdelay $0x6  }
0x444: {  	[tilespmem:s14+$0x16C10] =	vst v2;
	v2 =	vld [tilespmem:$0x1FA30]  }
0x445: {  	v6 =	vld.idx.msk [tilespmem:v3+s2+$0x0], $0xffff  }
0x446: {  	v3 =	vld [tilespmem:$0x1FAA0];
	_ =	sdelay $0x4  }
0x447: {  	v32 =	vadd.s32 $0xDC00, v1;
	_ =	sdelay $0x1  }
0x448: {  	v2 =	vld.idx.msk [tilespmem:v2+s2+$0x0], $0xffff;
	[tilespmem:s16+$0x13810] =	vst v11  }
0x449: {  	v40 =	vmov v32;
	v32 =	vmov v9;
	v9 =	vld.idx.msk [tilespmem:v3+s2+$0x0], $0xffff  }
0x44a: {  	v3 =	vld [tilespmem:$0x1FAB0];
	_ =	sdelay $0x1  }
0x44b: {  	v10 =	vadd.s32 $0xB800, v0;
	_ =	sdelay $0x1  }
0x44c: {  	[tilespmem:s14+$0x17010] =	vst v2;
	v2 =	vld [tilespmem:$0x1FAC0];
	_ =	sdelay $0x1  }
0x44d: {  	[tilespmem:s16+$0x13830] =	vst v8  }
0x44e: {  	v8 =	vld.idx.msk [tilespmem:v10+s2+$0x0], $0xffff;
	[tilespmem:s16+$0x13820] =	vst v12  }
0x44f: {  	v10 =	vld.idx.msk [tilespmem:v3+s2+$0x0], $0xffff  }
0x450: {  	v3 =	vld [tilespmem:$0x1FAD0];
	_ =	sdelay $0x2  }
0x451: {  	v2 =	vld.idx.msk [tilespmem:v2+s2+$0x0], $0xffff  }
0x452: {  	[tilespmem:s16+$0x13C10] =	vst v9;
	v9 =	vld [tilespmem:$0x1FB30];
	_ =	sdelay $0x2  }
0x453: {  	[tilespmem:s14+$0x17020] =	vst v5  }
0x454: {  	v3 =	vld.idx.msk [tilespmem:v3+s2+$0x0], $0xffff;
	_ =	sdelay $0x2  }
0x455: {  	[tilespmem:s16+$0x13C20] =	vst v10  }
0x456: {  	v9 =	vld.idx.msk [tilespmem:v9+s2+$0x0], $0xffff  }
0x457: {  	[tilespmem:s14+$0x17420] =	vst v3;
	v3 =	vld [tilespmem:$0x1FB60];
	_ =	sdelay $0x5  }
0x458: {  	[tilespmem:s15+$0x17400] =	vst v4;
	v4 =	vld [tilespmem:$0x1FAF0]  }
0x459: {  	[tilespmem:s17+$0x13C00] =	vst v6;
	v6 =	vld [tilespmem:$0x1FB10]  }
0x45a: {  	v10 =	vld.idx.msk [tilespmem:v3+s2+$0x0], $0xffff  }
0x45b: {  	v3 =	vld [tilespmem:$0x1FB70];
	_ =	sdelay $0x4  }
0x45c: {  	v15 =	vmov v3;
	v3 =	vld [tilespmem:$0x1FB80]  }
0x45d: {  	v4 =	vld.idx.msk [tilespmem:v4+s2+$0x0], $0xffff  }
0x45e: {  	v6 =	vld.idx.msk [tilespmem:v6+s2+$0x0], $0xffff;
	_ =	sdelay $0x2  }
0x45f: {  	[tilespmem:s16+$0x13C30] =	vst v8  }
0x460: {  	v8 =	vld [tilespmem:$0x1FB20];
	[tilespmem:s15+$0x17800] =	vst v4  }
0x461: {  	[tilespmem:s17+$0x14000] =	vst v6  }
0x462: {  	v4 =	vld.idx.msk [tilespmem:v3+s2+$0x0], $0xffff  }
0x463: {  	v3 =	vld [tilespmem:$0x1FBA0];
	_ =	sdelay $0x3  }
0x464: {  	v26 =	vadd.s32 $0xE400, v1  }
0x465: {  	v8 =	vld.idx.msk [tilespmem:v8+s2+$0x0], $0xffff  }
0x466: {  	v7 =	vadd.s32 $0xEC00, v1;
	[tilespmem:s14+$0x17410] =	vst v2;
	v2 =	vld [tilespmem:$0x1FB40]  }
0x467: {  	v43 =	vmovc v31;
	v31 =	vmov v26;
	v26 =	vmov v7;
	v7 =	vadd.s32 $0xBC00, v0;
	v5 =	vld [tilespmem:$0x1FAE0]  }
0x468: {  	v11 =	vld.idx.msk [tilespmem:v3+s2+$0x0], $0xffff  }
0x469: {  	v3 =	vld [tilespmem:$0x1FBB0];
	_ =	sdelay $0x2  }
0x46a: {  	v18 =	vmov v5;
	v5 =	vld.idx.msk [tilespmem:v7+s2+$0x0], $0xffff;
	_ =	sdelay $0x1  }
0x46b: {  	v2 =	vld.idx.msk [tilespmem:v2+s2+$0x0], $0xffff;
	_ =	sdelay $0x1  }
0x46c: {  	[tilespmem:s16+$0x14010] =	vst v8  }
0x46d: {  	[tilespmem:s16+$0x14030] =	vst v5;
	v5 =	vld.idx.msk [tilespmem:v3+s2+$0x0], $0xffff  }
0x46e: {  	v33 =	vadd.s32 $0xD400, v1;
	v3 =	vld [tilespmem:$0x1FBC0]  }
0x46f: {  	v7 =	vadd.s32 $0xC000, v0;
	[tilespmem:s14+$0x17810] =	vst v2;
	v2 =	vld [tilespmem:$0x1FBD0]  }
0x470: {  	v50 =	vadd.s32 $0xF000, v1  }
0x471: {  	v59 =	vmov v33;
	v33 =	vmov v21;
	v21 =	vmov v50;
	v50 =	vld [tilespmem:$0x1FA80]  }
0x472: {  	[tilespmem:$0x1FC30] =	vst v52;
	v52 =	vadd.s32 $0xF400, v1;
	v23 =	vld [tilespmem:$0x1F870]  }
0x473: {  	v16 =	vmov v52;
	v52 =	vld [tilespmem:$0x1FB00]  }
0x474: {  	v7 =	vld.idx.msk [tilespmem:v7+s2+$0x0], $0xffff;
	[tilespmem:s16+$0x14020] =	vst v9  }
0x475: {  	[tilespmem:s15+$0x17C00] =	vst v4;
	v4 =	vld [tilespmem:$0x1FC10]  }
0x476: {  	v6 =	vld.idx.msk [tilespmem:v3+s2+$0x0], $0xffff  }
0x477: {  	v3 =	vld.idx.msk [tilespmem:v2+s2+$0x0], $0xffff  }
0x478: {  	v2 =	vld [tilespmem:$0x1FBF0]  }
0x479: {  	v22 =	vld [tilespmem:$0x1F8B0]  }
0x47a: {  	s19 =	sadd.s32 $0x4, s19;
	v8 =	vadd.s32 $0xC400, v0;
	[tilespmem:s16+$0x14430] =	vst v7;
	v7 =	vld [tilespmem:$0x1FC00]  }
0x47b: {  	p0 =	slt.u32 s19, $0x3C;
	[tilespmem:$0x1FBE0] =	vst v30;
	v17 =	vmov v54;
	v54 =	vld [tilespmem:$0x1FB50]  }
.Ltmp1:
0x47c: {  	v38 =	vadd.s32 $0xF800, v1;
	v13 =	vmov v39;
	v39 =	vld [tilespmem:$0x1FBE0];
	(pc) =	sbr.rel @p0 .LBB2_4-.Ltmp1, $4  }
0x47d: {  	v30 =	vadd.s32 $0xE000, v1;
	v12 =	vmov v38;
	v38 =	vld [tilespmem:$0x1FB90];
	[tilespmem:s17+$0x14400] =	vst v11  }
0x47e: {  	v35 =	vadd.s32 $0xD800, v1;
	v63 =	vadd.s32 $0xC800, v1;
	v4 =	vld.idx.msk [tilespmem:v4+s2+$0x0], $0xffff  }
0x47f: {  	v19 =	vadd.s32 $0xE800, v1;
	v1 =	vadd.s32 $0xFC00, v1;
	v45 =	vmovc v51;
	v62 =	vmovc v35;
	[tilespmem:s14+$0x17820] =	vst v10;
	v10 =	vmov v7;
	v7 =	vld.idx.msk [tilespmem:v8+s2+$0x0], $0xffff  }
0x480: {  	s20 =	sadd.s32 $0x100, s20;
	v41 =	vmovc v36;
	v24 =	vmovc v58;
	v60 =	vmov v30;
	v30 =	vmov v19;
	v9 =	vmov v1;
	v2 =	vld.idx.msk [tilespmem:v2+s2+$0x0], $0xffff  }
0x481: {  	_ =	sdelay $0x3  }
0x482: {  	v1 =	vld.idx.msk [tilespmem:v56+s2+$0x0], $0xffff;
	[tilespmem:s16+$0x14410] =	vst v5;
	v56 =	vadd.s32 $0xC800, v0  }
0x483: {  	[tilespmem:s16+$0x14420] =	vst v6;
	v58 =	vld.idx.msk [tilespmem:v55+s2+$0x0], $0xffff  }
0x484: {  	v8 =	vld.idx.msk [tilespmem:v54+s2+$0x0], $0xffff;
	_ =	sdelay $0x1  }
0x485: {  	[tilespmem:s16+$0x14830] =	vst v7  }
0x486: {  	v5 =	vld.idx.msk [tilespmem:v56+s2+$0x0], $0xffff;
	[tilespmem:s17+$0x14800] =	vst v1  }
0x487: {  	v14 =	vadd.s32 $0xCC00, v0;
	v19 =	vld.idx.msk [tilespmem:v63+s2+$0x0], $0xffff;
	[tilespmem:s16+$0x14810] =	vst v58  }
0x488: {  	[tilespmem:s16+$0x14820] =	vst v8;
	v6 =	vld.idx.msk [tilespmem:v53+s2+$0x0], $0xffff  }
0x489: {  	v8 =	vld.idx.msk [tilespmem:v52+s2+$0x0], $0xffff;
	_ =	sdelay $0x1  }
0x48a: {  	[tilespmem:s16+$0x14C30] =	vst v5  }
0x48b: {  	v1 =	vld.idx.msk [tilespmem:v14+s2+$0x0], $0xffff;
	[tilespmem:s17+$0x14C00] =	vst v19  }
0x48c: {  	[tilespmem:s16+$0x14C10] =	vst v6;
	v35 =	vld.idx.msk [tilespmem:v50+s2+$0x0], $0xffff  }
0x48d: {  	[tilespmem:s16+$0x14C20] =	vst v8;
	v36 =	vld.idx.msk [tilespmem:v49+s2+$0x0], $0xffff  }
0x48e: {  	v8 =	vld.idx.msk [tilespmem:v39+s2+$0x0], $0xffff;
	_ =	sdelay $0x1  }
0x48f: {  	[tilespmem:s16+$0x15030] =	vst v1  }
0x490: {  	[tilespmem:s17+$0x15000] =	vst v35  }
0x491: {  	[tilespmem:s16+$0x15010] =	vst v36  }
0x492: {  	[tilespmem:s16+$0x15020] =	vst v8  }
0x493: {  	v7 =	vld [tilespmem:$0x1FC20]  }
0x494: {  	v8 =	vld [tilespmem:$0x1FC30]  }
0x495: {  	v20 =	vadd.s32 $0xD000, v0;
	_ =	sdelay $0x3  }
0x496: {  	v6 =	vld.idx.msk [tilespmem:v38+s2+$0x0], $0xffff  }
0x497: {  	v1 =	vld.idx.msk [tilespmem:v20+s2+$0x0], $0xffff  }
0x498: {  	v39 =	vadd.s32 $0xD400, v0;
	v7 =	vld.idx.msk [tilespmem:v7+s2+$0x0], $0xffff  }
0x499: {  	v8 =	vld.idx.msk [tilespmem:v8+s2+$0x0], $0xffff;
	_ =	sdelay $0x1  }
0x49a: {  	[tilespmem:s17+$0x15400] =	vst v6  }
0x49b: {  	[tilespmem:s16+$0x15430] =	vst v1;
	v6 =	vld.idx.msk [tilespmem:v59+s2+$0x0], $0xffff  }
0x49c: {  	v1 =	vld.idx.msk [tilespmem:v39+s2+$0x0], $0xffff;
	[tilespmem:s16+$0x15410] =	vst v7  }
0x49d: {  	v42 =	vadd.s32 $0xD800, v0;
	[tilespmem:s16+$0x15420] =	vst v8;
	v7 =	vld.idx.msk [tilespmem:v57+s2+$0x0], $0xffff  }
0x49e: {  	v8 =	vld.idx.msk [tilespmem:v45+s2+$0x0], $0xffff;
	_ =	sdelay $0x1  }
0x49f: {  	[tilespmem:s17+$0x15800] =	vst v6  }
0x4a0: {  	[tilespmem:s16+$0x15830] =	vst v1;
	v6 =	vld.idx.msk [tilespmem:v62+s2+$0x0], $0xffff  }
0x4a1: {  	v1 =	vld.idx.msk [tilespmem:v42+s2+$0x0], $0xffff;
	[tilespmem:s16+$0x15810] =	vst v7  }
0x4a2: {  	v45 =	vadd.s32 $0xDC00, v0;
	[tilespmem:s16+$0x15820] =	vst v8;
	v7 =	vld.idx.msk [tilespmem:v41+s2+$0x0], $0xffff  }
0x4a3: {  	v8 =	vld.idx.msk [tilespmem:v44+s2+$0x0], $0xffff;
	_ =	sdelay $0x1  }
0x4a4: {  	[tilespmem:s17+$0x15C00] =	vst v6  }
0x4a5: {  	[tilespmem:s16+$0x15C30] =	vst v1;
	v6 =	vld.idx.msk [tilespmem:v40+s2+$0x0], $0xffff  }
0x4a6: {  	v1 =	vld.idx.msk [tilespmem:v45+s2+$0x0], $0xffff;
	[tilespmem:s16+$0x15C10] =	vst v7  }
0x4a7: {  	v48 =	vadd.s32 $0xE000, v0;
	[tilespmem:s16+$0x15C20] =	vst v8;
	v7 =	vld.idx.msk [tilespmem:v61+s2+$0x0], $0xffff  }
0x4a8: {  	v8 =	vld.idx.msk [tilespmem:v43+s2+$0x0], $0xffff;
	_ =	sdelay $0x1  }
0x4a9: {  	[tilespmem:s17+$0x16000] =	vst v6  }
0x4aa: {  	v6 =	vld.idx.msk [tilespmem:v60+s2+$0x0], $0xffff;
	[tilespmem:s16+$0x16030] =	vst v1  }
0x4ab: {  	v1 =	vld.idx.msk [tilespmem:v48+s2+$0x0], $0xffff;
	[tilespmem:s16+$0x16010] =	vst v7  }
0x4ac: {  	v49 =	vadd.s32 $0xE400, v0;
	[tilespmem:s16+$0x16020] =	vst v8;
	v7 =	vld.idx.msk [tilespmem:v34+s2+$0x0], $0xffff  }
0x4ad: {  	v8 =	vld.idx.msk [tilespmem:v37+s2+$0x0], $0xffff;
	_ =	sdelay $0x1  }
0x4ae: {  	[tilespmem:s17+$0x16400] =	vst v6  }
0x4af: {  	v6 =	vld.idx.msk [tilespmem:v31+s2+$0x0], $0xffff;
	[tilespmem:s16+$0x16430] =	vst v1  }
0x4b0: {  	v1 =	vld.idx.msk [tilespmem:v49+s2+$0x0], $0xffff;
	[tilespmem:s16+$0x16410] =	vst v7  }
0x4b1: {  	v50 =	vadd.s32 $0xE800, v0;
	[tilespmem:s16+$0x16420] =	vst v8;
	v7 =	vld.idx.msk [tilespmem:v32+s2+$0x0], $0xffff  }
0x4b2: {  	v8 =	vld.idx.msk [tilespmem:v33+s2+$0x0], $0xffff;
	_ =	sdelay $0x1  }
0x4b3: {  	[tilespmem:s17+$0x16800] =	vst v6  }
0x4b4: {  	v6 =	vld.idx.msk [tilespmem:v30+s2+$0x0], $0xffff;
	[tilespmem:s16+$0x16830] =	vst v1  }
0x4b5: {  	v1 =	vld.idx.msk [tilespmem:v50+s2+$0x0], $0xffff;
	[tilespmem:s16+$0x16810] =	vst v7  }
0x4b6: {  	v51 =	vadd.s32 $0xEC00, v0;
	[tilespmem:s16+$0x16820] =	vst v8;
	v7 =	vld.idx.msk [tilespmem:v28+s2+$0x0], $0xffff  }
0x4b7: {  	v8 =	vld.idx.msk [tilespmem:v29+s2+$0x0], $0xffff;
	_ =	sdelay $0x1  }
0x4b8: {  	[tilespmem:s17+$0x16C00] =	vst v6  }
0x4b9: {  	v6 =	vld.idx.msk [tilespmem:v26+s2+$0x0], $0xffff;
	[tilespmem:s16+$0x16C30] =	vst v1  }
0x4ba: {  	v1 =	vld.idx.msk [tilespmem:v51+s2+$0x0], $0xffff;
	[tilespmem:s16+$0x16C10] =	vst v7  }
0x4bb: {  	v52 =	vadd.s32 $0xF000, v0;
	[tilespmem:s16+$0x16C20] =	vst v8;
	v7 =	vld.idx.msk [tilespmem:v27+s2+$0x0], $0xffff  }
0x4bc: {  	v8 =	vld.idx.msk [tilespmem:v25+s2+$0x0], $0xffff;
	_ =	sdelay $0x1  }
0x4bd: {  	[tilespmem:s17+$0x17000] =	vst v6  }
0x4be: {  	v6 =	vld.idx.msk [tilespmem:v21+s2+$0x0], $0xffff;
	[tilespmem:s16+$0x17030] =	vst v1  }
0x4bf: {  	v1 =	vld.idx.msk [tilespmem:v52+s2+$0x0], $0xffff;
	[tilespmem:s16+$0x17010] =	vst v7  }
0x4c0: {  	v53 =	vadd.s32 $0xF400, v0;
	[tilespmem:s16+$0x17020] =	vst v8;
	v7 =	vld.idx.msk [tilespmem:v24+s2+$0x0], $0xffff  }
0x4c1: {  	v8 =	vld.idx.msk [tilespmem:v18+s2+$0x0], $0xffff;
	_ =	sdelay $0x1  }
0x4c2: {  	[tilespmem:s17+$0x17400] =	vst v6  }
0x4c3: {  	v6 =	vld.idx.msk [tilespmem:v16+s2+$0x0], $0xffff;
	[tilespmem:s16+$0x17430] =	vst v1  }
0x4c4: {  	v1 =	vld.idx.msk [tilespmem:v53+s2+$0x0], $0xffff;
	[tilespmem:s16+$0x17410] =	vst v7  }
0x4c5: {  	v54 =	vadd.s32 $0xF800, v0;
	[tilespmem:s16+$0x17420] =	vst v8;
	v7 =	vld.idx.msk [tilespmem:v17+s2+$0x0], $0xffff  }
0x4c6: {  	v8 =	vld.idx.msk [tilespmem:v15+s2+$0x0], $0xffff  }
0x4c7: {  	[tilespmem:s14+$0x17C10] =	vst v3  }
0x4c8: {  	[tilespmem:s17+$0x17800] =	vst v6  }
0x4c9: {  	v56 =	vld.idx.msk [tilespmem:v12+s2+$0x0], $0xffff;
	[tilespmem:s16+$0x17830] =	vst v1  }
0x4ca: {  	v1 =	vld.idx.msk [tilespmem:v54+s2+$0x0], $0xffff;
	[tilespmem:s16+$0x17810] =	vst v7  }
0x4cb: {  	v55 =	vadd.s32 $0xFC00, v0;
	[tilespmem:s16+$0x17820] =	vst v8;
	v57 =	vld.idx.msk [tilespmem:v13+s2+$0x0], $0xffff  }
0x4cc: {  	[tilespmem:s14+$0x17C20] =	vst v2;
	v58 =	vld.idx.msk [tilespmem:v10+s2+$0x0], $0xffff  }
0x4cd: {  	[tilespmem:s15+$0x18000] =	vst v4;
	v59 =	vld.idx.msk [tilespmem:v22+s2+$0x0], $0xffff  }
0x4ce: {  	v60 =	vld.idx.msk [tilespmem:v23+s2+$0x0], $0xffff;
	[tilespmem:s17+$0x17C00] =	vst v56  }
0x4cf: {  	v61 =	vld.idx.msk [tilespmem:v9+s2+$0x0], $0xffff;
	[tilespmem:s16+$0x17C30] =	vst v1  }
0x4d0: {  	v0 =	vld.idx.msk [tilespmem:v55+s2+$0x0], $0xffff;
	[tilespmem:s16+$0x17C10] =	vst v57  }
0x4d1: {  	[tilespmem:s16+$0x17C20] =	vst v58;
	v62 =	vld.idx.msk [tilespmem:v47+s2+$0x0], $0xffff  }
0x4d2: {  	[tilespmem:s14+$0x18010] =	vst v59;
	v63 =	vld.idx.msk [tilespmem:v46+s2+$0x0], $0xffff  }
0x4d3: {  	[tilespmem:s14+$0x18020] =	vst v60  }
0x4d4: {  	[tilespmem:s17+$0x18000] =	vst v61  }
0x4d5: {  	s13 =	sadd.s32 $0x1, s13;
	[tilespmem:s16+$0x18030] =	vst v0  }
0x4d6: {  	p0 =	sne.s32 s13, s7;
	[tilespmem:s16+$0x18010] =	vst v62  }
.Ltmp2:
0x4d7: {  	[tilespmem:s16+$0x18020] =	vst v63;
	(pc) =	sbr.rel @p0 .LBB2_1-.Ltmp2, $4  }
0x4d8: {  	[hbm4b:s6+s10] =	stream.strided.scatter [tilespmem:s12], [sflag:$0x1], $0x8000, s11, s10, $0x38;
	[tilespmem:$0x18400] =	vst v63  }
0x4d9: {  	_ =	swait.ge [sflag:s8], $0x8000  }
0x4da: {  	[sflag:s8] =	ssyncset.done $0x0  }
0x4db: {  	[sflag:s8] =	ssyncadd.s32 $0xFFFF8000  }
0x4dc: {  	_ =	sfence.sel $0x180000  }
0x4dd: {  	[bflag:$0x0] =	sbarrier.arrive $0xFFFF  }
0x4de: {  	p0 =	sne.s32 s0, $0x0;
	_ =	strace $0x90000047  }
0x4df: {  	s0 =	sadd.s32 @!p0 $0x100000, s1;
	[bflag:$0x2] =	sbarrier.arrive $0xFFFF  }
0x4e0: {  	[sflag:s0] =	ssyncadd.tile.s32 @!p0 $0x1;
	_ =	shalt  }
.Lfunc_end2:
_tile_overlayer_lowered:
.L_overlay_start_2:
0x4e1: {  	(tag) =	ssettag $0x2  }
0x4e2: {  	s0 =	rddreg [dreg:$0x0];
	s2 =	stileid.u32  }
0x4e3: {  	s1 =	rddreg [dreg:$0x1];
	p0 =	sne.s32 s2, $0x0  }
0x4e4: {  	s3 =	rddreg [dreg:$0x2];
	[bflag:$0x3] =	sbarrier.arrive $0xFFFF;
	s2 =	simm.s32 @!p0 $0x1C01  }
0x4e5: {  	[timem:s3], [sflag:s2] =	dma.local @!p0 [hbm:s0], s1  }
0x4e6: {  	s0 =	simm.s32 @!p0 $0x1  }
0x4e7: {  	_ =	swait.ge @!p0 [sflag:s0], s1  }
0x4e8: {  	s1 =	ssub.s32 @!p0 $0x0, s1;
	[sflag:s0] =	ssyncset.done @!p0 $0x0  }
0x4e9: {  	[sflag:s0] =	ssyncadd.s32 @!p0 s1  }
0x4ea: {  	[bflag:$0x3] =	sbarrier.arrive $0xFFFF  }
0x4eb: {  	_ =	shalt  }

</sc_bundles>
